<compile_context>
chip_gen: v7x
topology: tpu7x:2x2x1
jax: 0.10.2.dev20260603
libtpu: 0.0.44.dev20260713+nightly
codegen_flags: <defaults>
</compile_context>

<pallas_src>
import dataclasses
import functools

import jax
import jax.numpy as jnp
from jax import lax
from jax.experimental import pallas as pl
from jax.experimental.pallas import tpu as pltpu
from jax.experimental.pallas import tpu_sc as plsc

NV = 8000
NG = 4000
NE = 24000
NF = 16000
NS = 4000
NFP = 16384
NEP = 24576
NSP = 4096
NW = 32
FPW = NFP // NW
EPW = NEP // NW
SPW = NSP // NW
L = 16
INF = 3.4e38

def _mesh():
    return plsc.VectorSubcoreMesh(core_axis_name="c", subcore_axis_name="s")


def _sc_params():
    cp = pltpu.CompilerParams()
    if "needs_layout_passes" in pltpu.CompilerParams.__dataclass_fields__:
        cp = dataclasses.replace(cp, needs_layout_passes=False)
    return cp


def _wid():
    return lax.axis_index("s") * 2 + lax.axis_index("c")


def _sc1_body(px, py, pz, f0, f1, f2, e0, e1,
              v0x, v0y, v0z, v1x, v1y, v1z, v2x, v2y, v2z,
              ax, ay, az, bx, by, bz,
              tpx, tpy, tpz, f0s, f1s, f2s, e0s, e1s, fbuf, ebuf):
    w = _wid()
    pltpu.sync_copy(px, tpx)
    pltpu.sync_copy(py, tpy)
    pltpu.sync_copy(pz, tpz)
    fb = w * FPW
    eb = w * EPW
    pltpu.sync_copy(f0.at[pl.ds(fb, FPW)], f0s)
    pltpu.sync_copy(f1.at[pl.ds(fb, FPW)], f1s)
    pltpu.sync_copy(f2.at[pl.ds(fb, FPW)], f2s)
    pltpu.sync_copy(e0.at[pl.ds(eb, EPW)], e0s)
    pltpu.sync_copy(e1.at[pl.ds(eb, EPW)], e1s)

    tabs = (tpx, tpy, tpz)

    @pl.loop(0, FPW, step=L)
    def _(o):
        for j, idxs in enumerate((f0s, f1s, f2s)):
            iv = idxs[pl.ds(o, L)]
            for k in range(3):
                fbuf[pl.ds((3 * j + k) * FPW + o, L)] = plsc.load_gather(
                    tabs[k], [iv])

    @pl.loop(0, EPW, step=L)
    def _(o):
        for j, idxs in enumerate((e0s, e1s)):
            iv = idxs[pl.ds(o, L)]
            for k in range(3):
                ebuf[pl.ds((3 * j + k) * EPW + o, L)] = plsc.load_gather(
                    tabs[k], [iv])

    fouts = (v0x, v0y, v0z, v1x, v1y, v1z, v2x, v2y, v2z)
    for j in range(9):
        pltpu.sync_copy(fbuf.at[pl.ds(j * FPW, FPW)], fouts[j].at[pl.ds(fb, FPW)])
    eouts = (ax, ay, az, bx, by, bz)
    for j in range(6):
        pltpu.sync_copy(ebuf.at[pl.ds(j * EPW, EPW)], eouts[j].at[pl.ds(eb, EPW)])


def _sc1_call(px, py, pz, f0, f1, f2, e0, e1):
    f32 = jnp.float32
    out = [jax.ShapeDtypeStruct((NFP,), f32)] * 9 + \
          [jax.ShapeDtypeStruct((NEP,), f32)] * 6
    scratch = [
        pltpu.VMEM((NV,), f32), pltpu.VMEM((NV,), f32), pltpu.VMEM((NV,), f32),
        pltpu.VMEM((FPW,), jnp.int32), pltpu.VMEM((FPW,), jnp.int32),
        pltpu.VMEM((FPW,), jnp.int32),
        pltpu.VMEM((EPW,), jnp.int32), pltpu.VMEM((EPW,), jnp.int32),
        pltpu.VMEM((9 * FPW,), f32), pltpu.VMEM((6 * EPW,), f32),
    ]
    fn = pl.kernel(_sc1_body, out_type=out, mesh=_mesh(), scratch_types=scratch,
                   compiler_params=_sc_params())
    return fn(px, py, pz, f0, f1, f2, e0, e1)


SPW_A = NSP // 16
EPW_B = NEP // 16


def _sc2_body(cdf, tot, u, f0, f1, f2, px, py, pz, i2v, e0, nx, ny, nz,
              xsx, xsy, xsz, ysx, ysy, ysz, zsx, zsy, zsz, nnx, nny, nnz,
              tcdf, tf0, tf1, tf2, tpx, tpy, tpz, tix, tnx, tny, tnz,
              us, e0s, sbuf, nbuf, ttot):
    w = _wid()

    @pl.when(w < 16)
    def _():
        pltpu.sync_copy(cdf, tcdf)
        pltpu.sync_copy(f0, tf0)
        pltpu.sync_copy(f1, tf1)
        pltpu.sync_copy(f2, tf2)
        pltpu.sync_copy(px, tpx)
        pltpu.sync_copy(py, tpy)
        pltpu.sync_copy(pz, tpz)
        sb = w * SPW_A
        pltpu.sync_copy(u.at[pl.ds(sb, SPW_A)], us)
        pltpu.sync_copy(tot, ttot)
        totv = ttot[pl.ds(0, L)]

        @pl.loop(0, SPW_A, step=L)
        def _(o):
            uv = us[pl.ds(o, L)] * totv
            lo = jnp.zeros((L,), jnp.int32)
            s = NFP // 2
            while s >= 1:
                m = lo + (s - 1)
                g = plsc.load_gather(tcdf, [m])
                lo = jnp.where(g < uv, lo + s, lo)
                s //= 2
            s0 = plsc.load_gather(tf0, [lo])
            s1 = plsc.load_gather(tf1, [lo])
            s2 = plsc.load_gather(tf2, [lo])
            for j, sv in enumerate((s0, s1, s2)):
                for k, tab in enumerate((tpx, tpy, tpz)):
                    sbuf[pl.ds((3 * j + k) * SPW_A + o, L)] = plsc.load_gather(
                        tab, [sv])

        souts = (xsx, xsy, xsz, ysx, ysy, ysz, zsx, zsy, zsz)
        for j in range(9):
            pltpu.sync_copy(sbuf.at[pl.ds(j * SPW_A, SPW_A)],
                            souts[j].at[pl.ds(sb, SPW_A)])

    @pl.when(w >= 16)
    def _():
        pltpu.sync_copy(i2v, tix)
        pltpu.sync_copy(nx, tnx)
        pltpu.sync_copy(ny, tny)
        pltpu.sync_copy(nz, tnz)
        eb = (w - 16) * EPW_B
        pltpu.sync_copy(e0.at[pl.ds(eb, EPW_B)], e0s)

        @pl.loop(0, EPW_B, step=L)
        def _(o):
            ev = e0s[pl.ds(o, L)]
            t = plsc.load_gather(tix, [ev])
            for k, tab in enumerate((tnx, tny, tnz)):
                nbuf[pl.ds(k * EPW_B + o, L)] = plsc.load_gather(tab, [t])

        nouts = (nnx, nny, nnz)
        for k in range(3):
            pltpu.sync_copy(nbuf.at[pl.ds(k * EPW_B, EPW_B)],
                            nouts[k].at[pl.ds(eb, EPW_B)])


def _sc2_call(cdf, tot, u, f0, f1, f2, px, py, pz, i2v, e0, nx, ny, nz):
    f32, i32 = jnp.float32, jnp.int32
    out = [jax.ShapeDtypeStruct((NSP,), f32)] * 9 + \
          [jax.ShapeDtypeStruct((NEP,), f32)] * 3
    scratch = [
        pltpu.VMEM((NFP,), f32),
        pltpu.VMEM((NFP,), i32), pltpu.VMEM((NFP,), i32), pltpu.VMEM((NFP,), i32),
        pltpu.VMEM((NV,), f32), pltpu.VMEM((NV,), f32), pltpu.VMEM((NV,), f32),
        pltpu.VMEM((NV,), i32),
        pltpu.VMEM((NG,), f32), pltpu.VMEM((NG,), f32), pltpu.VMEM((NG,), f32),
        pltpu.VMEM((SPW_A,), f32), pltpu.VMEM((EPW_B,), i32),
        pltpu.VMEM((9 * SPW_A,), f32), pltpu.VMEM((3 * EPW_B,), f32),
        pltpu.VMEM((L,), f32),
    ]
    fn = pl.kernel(_sc2_body, out_type=out, mesh=_mesh(), scratch_types=scratch,
                   compiler_params=_sc_params())
    return fn(cdf, tot, u, f0, f1, f2, px, py, pz, i2v, e0, nx, ny, nz)


def _tc1_body(v0x, v0y, v0z, v1x, v1y, v1z, v2x, v2y, v2z, cdf_ref, tot_ref):
    x1 = v0x[...] - v1x[...]
    x2 = v0y[...] - v1y[...]
    x3 = v0z[...] - v1z[...]
    y1 = v1x[...] - v2x[...]
    y2 = v1y[...] - v2y[...]
    y3 = v1z[...] - v2z[...]
    a = (x2 * y3 - x3 * y2) ** 2
    b = (x3 * y1 - x1 * y3) ** 2
    c = (x1 * y2 - x2 * y1) ** 2
    areas = jnp.sqrt(a + b + c) / 2.0
    row = lax.broadcasted_iota(jnp.int32, (128, 128), 0)
    areas = jnp.where(row < NF // 128, areas, 0.0)
    ii = lax.broadcasted_iota(jnp.int32, (128, 128), 0)
    jj = lax.broadcasted_iota(jnp.int32, (128, 128), 1)
    triu = (ii <= jj).astype(jnp.float32)
    strl = (ii > jj).astype(jnp.float32)
    dot = functools.partial(lax.dot_general,
                            dimension_numbers=(((1,), (0,)), ((), ())),
                            precision=lax.Precision.HIGHEST,
                            preferred_element_type=jnp.float32)
    rowcs = dot(areas, triu)
    rowsum = rowcs[:, 127:128]
    rowoff = dot(strl, rowsum)
    cdf = rowcs + rowoff
    cdf_ref[...] = cdf
    tot = lax.slice(cdf, (127, 127), (128, 128))
    tot_ref[...] = jnp.broadcast_to(tot, (1, L))


def _tc1_call(fverts):
    f32 = jnp.float32
    return pl.pallas_call(
        _tc1_body,
        out_shape=(jax.ShapeDtypeStruct((128, 128), f32),
                   jax.ShapeDtypeStruct((1, L), f32)),
    )(*fverts)


PB = 1000
NPB = NV // PB
NGL = 4096


def _tc2_body(pred_ref, gtt_ref, idx_ref, sums_ref, d1min_ref, d2acc_ref):
    j = pl.program_id(0)
    p = pred_ref[...]
    gtt = gtt_ref[...]
    p2 = (p[:, 0:1] * p[:, 0:1] + p[:, 1:2] * p[:, 1:2]) + p[:, 2:3] * p[:, 2:3]
    g2 = (gtt[0:1, :] * gtt[0:1, :] + gtt[1:2, :] * gtt[1:2, :]) \
        + gtt[2:3, :] * gtt[2:3, :]
    mm = lax.dot_general(p.astype(jnp.bfloat16), gtt.astype(jnp.bfloat16),
                         dimension_numbers=(((1,), (0,)), ((), ())),
                         preferred_element_type=jnp.float32)
    d = (g2 + p2) - 2.0 * mm
    lane = lax.broadcasted_iota(jnp.int32, (1, NGL), 1)
    dm = jnp.where(lane < NG, d, INF)

    first = (j == 0)
    prev1 = jnp.where(first, jnp.full((1, NGL), INF, jnp.float32),
                      d1min_ref[...])
    d1 = jnp.minimum(prev1, jnp.min(dm, axis=0)[None, :])
    d1min_ref[...] = d1
    m2 = jnp.min(dm, axis=1, keepdims=True)
    lane2 = lax.broadcasted_iota(jnp.int32, (PB, NGL), 1)
    idx = jnp.min(jnp.where(dm == m2, lane2, NGL), axis=1)
    idx_ref[...] = idx.astype(jnp.int32)[:, None]
    prev2 = jnp.where(first, jnp.zeros((PB, 1), jnp.float32), d2acc_ref[...])
    d2 = prev2 + m2
    d2acc_ref[...] = d2
    s1 = jnp.sum(jnp.where(lane < NG, d1, 0.0))
    sums_ref[...] = jnp.stack([s1, jnp.sum(d2)]).reshape(1, 2)


def _tc2_call(pred, gtt):
    f32, i32 = jnp.float32, jnp.int32
    return pl.pallas_call(
        _tc2_body,
        grid=(NPB,),
        in_specs=[
            pl.BlockSpec((PB, 8), lambda j: (j, 0)),
            pl.BlockSpec((8, NGL), lambda j: (0, 0)),
        ],
        out_specs=[
            pl.BlockSpec((PB, 1), lambda j: (j, 0)),
            pl.BlockSpec((1, 2), lambda j: (0, 0)),
        ],
        out_shape=(jax.ShapeDtypeStruct((NV, 1), i32),
                   jax.ShapeDtypeStruct((1, 2), f32)),
        scratch_shapes=[pltpu.VMEM((1, NGL), f32), pltpu.VMEM((PB, 1), f32)],
        compiler_params=pltpu.CompilerParams(
            dimension_semantics=("arbitrary",)),
    )(pred, gtt)


SB = 1024
NSB = NSP // SB


def _tc3_body(gt_ref, uu_ref, vv_ref,
              xsx_ref, xsy_ref, xsz_ref, ysx_ref, ysy_ref, ysz_ref,
              zsx_ref, zsy_ref, zsz_ref,
              ax_ref, ay_ref, az_ref, bx_ref, by_ref, bz_ref,
              nnx_ref, nny_ref, nnz_ref, sums_ref,
              loss_ref, d1min_ref, d2acc_ref):
    j = pl.program_id(0)
    uu = uu_ref[...]
    vv = vv_ref[...]
    w0 = 1.0 - uu
    w1 = uu * (1.0 - vv)
    w2 = uu * vv
    ppx = w0 * xsx_ref[...] + w1 * ysx_ref[...] + w2 * zsx_ref[...]
    ppy = w0 * xsy_ref[...] + w1 * ysy_ref[...] + w2 * zsy_ref[...]
    ppz = w0 * xsz_ref[...] + w1 * ysz_ref[...] + w2 * zsz_ref[...]
    ppt = jnp.concatenate([ppx, ppy, ppz], axis=0)
    pp2 = (ppx * ppx + ppy * ppy) + ppz * ppz
    gt = gt_ref[...]
    g2 = (gt[:, 0:1] * gt[:, 0:1] + gt[:, 1:2] * gt[:, 1:2]) \
        + gt[:, 2:3] * gt[:, 2:3]
    mm = lax.dot_general(gt.astype(jnp.bfloat16), ppt.astype(jnp.bfloat16),
                         dimension_numbers=(((1,), (0,)), ((), ())),
                         preferred_element_type=jnp.float32)
    d = (g2 + pp2) - 2.0 * mm
    lane = j * SB + lax.broadcasted_iota(jnp.int32, (1, SB), 1)
    valid = lane < NS
    dm = jnp.where(valid, d, INF)

    first = (j == 0)
    prev1 = jnp.where(first, jnp.full((NG, 1), INF, jnp.float32),
                      d1min_ref[...])
    d1col = jnp.minimum(prev1, jnp.min(dm, axis=1, keepdims=True))
    d1min_ref[...] = d1col
    m0 = jnp.min(d, axis=0)[None, :]
    prev2 = jnp.where(first, jnp.zeros((1, SB), jnp.float32), d2acc_ref[...])
    d2row = prev2 + jnp.where(valid, m0, 0.0)
    d2acc_ref[...] = d2row

    dx = ax_ref[...] - bx_ref[...]
    dy = ay_ref[...] - by_ref[...]
    dz = az_ref[...] - bz_ref[...]
    r2 = lax.broadcasted_iota(jnp.int32, (NEP // 128, 128), 0) * 128 \
        + lax.broadcasted_iota(jnp.int32, (NEP // 128, 128), 1)
    evalid = r2 < NE
    sq = (dx * dx + dy * dy) + dz * dz
    esum = jnp.sum(jnp.where(evalid, sq, 0.0))
    en = jnp.maximum(jnp.sqrt(sq), 1e-12)
    nx = nnx_ref[...]
    ny = nny_ref[...]
    nz = nnz_ref[...]
    nn = jnp.maximum(jnp.sqrt((nx * nx + ny * ny) + nz * nz), 1e-12)
    cos = jnp.abs((dx * nx + dy * ny) + dz * nz) / (en * nn)
    nsum = jnp.sum(jnp.where(evalid, cos, 0.0))

    d1 = jnp.sum(d1col) / NG
    d2 = jnp.sum(d2row) / NS
    sv = sums_ref[...]
    d1v = jnp.sum(sv[:, 0:1]) / NG
    d2v = jnp.sum(sv[:, 1:2]) / NV
    chamfer = 1.0 * (d1v + 0.55 * d2v) + 1.0 * (d1 + d2)
    total = chamfer + 0.00016 * (nsum / NE) + 0.3 * (esum / NE)
    loss_ref[...] = total.reshape(1, 1)


def _tc3_call(gt, uu, vv, samp, edge, nn, sums):
    f32 = jnp.float32
    row_spec = pl.BlockSpec((1, SB), lambda j: (0, j))
    full = lambda s: pl.BlockSpec(s, lambda j: tuple(0 for _ in s))
    return pl.pallas_call(
        _tc3_body,
        grid=(NSB,),
        in_specs=[full((NG, 3)), row_spec, row_spec]
        + [row_spec] * 9
        + [full((NEP // 128, 128))] * 6
        + [full((NEP // 128, 128))] * 3
        + [full((1, 2))],
        out_specs=pl.BlockSpec((1, 1), lambda j: (0, 0)),
        out_shape=jax.ShapeDtypeStruct((1, 1), f32),
        scratch_shapes=[pltpu.VMEM((NG, 1), f32), pltpu.VMEM((1, SB), f32)],
        compiler_params=pltpu.CompilerParams(
            dimension_semantics=("arbitrary",)),
    )(gt, uu, vv, *samp, *edge, *nn, sums)


def kernel(pred_coord, pred_coord_before_deform, points, normals,
           ori_mesh_edges, ori_mesh_faces):
    f32, i32 = jnp.float32, jnp.int32
    pred = pred_coord.reshape(NV, 3)
    gt = points.reshape(NG, 3)
    nrm = normals.reshape(NG, 3)
    faces = ori_mesh_faces.astype(i32)
    edges = ori_mesh_edges.astype(i32)

    px, py, pz = pred[:, 0], pred[:, 1], pred[:, 2]
    nx, ny, nz = nrm[:, 0], nrm[:, 1], nrm[:, 2]
    f0 = jnp.pad(faces[:, 0], (0, NFP - NF))
    f1 = jnp.pad(faces[:, 1], (0, NFP - NF))
    f2 = jnp.pad(faces[:, 2], (0, NFP - NF))
    e0 = jnp.pad(edges[:, 0], (0, NEP - NE))
    e1 = jnp.pad(edges[:, 1], (0, NEP - NE))

    key = jax.random.key(42)
    _, k2, k3 = jax.random.split(key, 3)
    uu = jnp.sqrt(jax.random.uniform(k2, (NS, 1)))
    vv = jax.random.uniform(k3, (NS, 1))
    uu = jnp.pad(uu[:, 0], (0, NSP - NS)).reshape(1, NSP)
    vv = jnp.pad(vv[:, 0], (0, NSP - NS)).reshape(1, NSP)
    xi = jax.random.uniform(jax.random.key(123), (NS,), f32)
    u = (jnp.arange(NS, dtype=f32) + xi) / NS
    u = jnp.pad(u, (0, NSP - NS))

    sc1 = _sc1_call(px, py, pz, f0, f1, f2, e0, e1)
    fverts = [v.reshape(128, 128) for v in sc1[:9]]
    edge_cols = [v.reshape(NEP // 128, 128) for v in sc1[9:15]]

    cdf, tot = _tc1_call(fverts)

    gtt = jnp.pad(gt.T, ((0, 5), (0, NGL - NG)))
    pred8 = jnp.pad(pred, ((0, 0), (0, 5)))
    idx2v, sums = _tc2_call(pred8, gtt)

    sc2 = _sc2_call(cdf.reshape(NFP), tot.reshape(L), u, f0, f1, f2,
                    px, py, pz, idx2v.reshape(NV), e0, nx, ny, nz)
    samp = [v.reshape(1, NSP) for v in sc2[:9]]
    nn = [v.reshape(NEP // 128, 128) for v in sc2[9:12]]

    loss = _tc3_call(gt, uu, vv, samp, edge_cols, nn, sums)
    return loss.reshape(())

# --- scband reference (transcript-rebuilt; emitter-appended) ---
"""Pipeline reference for scband-p2-mpploss-33449205301369 (READ-ONLY COPY).

The authoritative reference and input builder live on the scoring server;
editing this copy changes nothing except your own understanding.
"""

import jax, jax.numpy as jnp
import numpy as np

W_CHAMFER = 1.0
W_CHAMFER_OPP = 0.55
W_NORMAL = 0.00016
W_EDGE = 0.3
W_CONST = 1.0
NUM_SAMPLES = 4000

N_VERTS = 8000
N_GT = 4000
N_EDGES = 24000
N_FACES = 16000


def _normalize(x, axis, eps=1e-12):
    n = jnp.sqrt(jnp.sum(x * x, axis=axis, keepdims=True))
    return x / jnp.maximum(n, eps)


def _chamfer(a, b):
    # a: [B, P, 3], b: [B, N, 3]
    a2 = jnp.sum(a * a, axis=-1)
    b2 = jnp.sum(b * b, axis=-1)
    d = a2[:, :, None] + b2[:, None, :] - 2.0 * jnp.einsum('bpd,bnd->bpn', a, b)
    dist1 = jnp.min(d, axis=2)
    idx1 = jnp.argmin(d, axis=2)
    dist2 = jnp.min(d, axis=1)
    idx2 = jnp.argmin(d, axis=1)
    return dist1, dist2, idx1, idx2


def _sample_surface_pts(verts, faces, num, key):
    v0 = verts[:, faces[:, 0]]
    v1 = verts[:, faces[:, 1]]
    v2 = verts[:, faces[:, 2]]
    xd = v0 - v1
    yd = v1 - v2
    x1, x2, x3 = xd[..., 0:1], xd[..., 1:2], xd[..., 2:3]
    y1, y2, y3 = yd[..., 0:1], yd[..., 1:2], yd[..., 2:3]
    A = (x2 * y3 - x3 * y2) ** 2
    B = (x3 * y1 - x1 * y3) ** 2
    C = (x1 * y2 - x2 * y1) ** 2
    areas = jnp.sqrt(A + B + C) / 2.0
    areas = areas / jnp.sum(areas)
    probs = jax.lax.stop_gradient(areas.reshape(-1))
    k1, k2, k3 = jax.random.split(key, 3)
    choices = jax.random.categorical(k1, jnp.log(probs + 1e-12), shape=(num,))
    sf = faces[choices]
    xs = verts[:, sf[:, 0]]
    ys = verts[:, sf[:, 1]]
    zs = verts[:, sf[:, 2]]
    uu = jnp.sqrt(jax.random.uniform(k2, (num, 1)))
    vv = jax.random.uniform(k3, (num, 1))
    return (1.0 - uu) * xs + uu * (1.0 - vv) * ys + uu * vv * zs


def setup_inputs(seed: int = 0) -> dict:
    key = jax.random.key(seed)
    k1, k2, k3, k4, k5, k6 = jax.random.split(key, 6)
    return {
        'pred_coord': jax.random.normal(k1, (1, N_VERTS, 3), dtype=jnp.float32),
        'pred_coord_before_deform': jax.random.normal(k2, (1, N_VERTS, 3), dtype=jnp.float32),
        'points': jax.random.normal(k3, (1, N_GT, 3), dtype=jnp.float32),
        'normals': jax.random.normal(k4, (1, N_GT, 3), dtype=jnp.float32),
        'ori_mesh_edges': jax.random.randint(k5, (N_EDGES, 2), 0, N_VERTS, dtype=jnp.int64) if jax.config.jax_enable_x64 else jax.random.randint(k5, (N_EDGES, 2), 0, N_VERTS).astype(jnp.int32),
        'ori_mesh_faces': jax.random.randint(k6, (N_FACES, 3), 0, N_VERTS, dtype=jnp.int64) if jax.config.jax_enable_x64 else jax.random.randint(k6, (N_FACES, 3), 0, N_VERTS).astype(jnp.int32),
    }


def reference(pred_coord, pred_coord_before_deform, points, normals, ori_mesh_edges, ori_mesh_faces):
    edges = ori_mesh_edges
    gt_coord, gt_normal = points, normals
    pred = pred_coord
    key = jax.random.key(42)

    pred_pts = _sample_surface_pts(pred, ori_mesh_faces, NUM_SAMPLES, key)

    dist1_v, dist2_v, idx1_v, idx2_v = _chamfer(gt_coord, pred)
    dist1, dist2, idx1, idx2 = _chamfer(gt_coord, pred_pts)

    chamfer_loss = W_CHAMFER * (jnp.mean(dist1_v) + W_CHAMFER_OPP * jnp.mean(dist2_v))
    chamfer_loss = chamfer_loss + W_CHAMFER * (jnp.mean(dist1) + jnp.mean(dist2))

    # normal loss
    edge_vec = _normalize(pred[:, edges[:, 0]] - pred[:, edges[:, 1]], axis=2)
    nearest_normals = jnp.take_along_axis(gt_normal, idx2_v[:, :, None], axis=1)
    nn = _normalize(nearest_normals[:, edges[:, 0]], axis=2)
    cosine = jnp.abs(jnp.sum(edge_vec * nn, axis=2))
    normal_loss = jnp.mean(cosine)

    # edge regularization (MSE between endpoints, scaled by feature dim)
    edge_loss = jnp.mean((pred[:, edges[:, 0]] - pred[:, edges[:, 1]]) ** 2) * pred.shape[-1]

    loss = chamfer_loss + W_NORMAL * normal_loss + W_EDGE * edge_loss
    loss = loss * W_CONST
    return loss

if __name__ == "__main__":
    import jax
    _d = setup_inputs()
    print(jax.jit(kernel)(*tuple(_d.values())))

</pallas_src>

<mosaic_0001>
#map = affine_map<(d0, d1) -> (0)>
module attributes {stable_mosaic.version = 14 : i64} {
  func.func @_sc1_body(%arg0: i32, %arg1: i32, %arg2: memref<8000xf32, #tpu.memory_space<hbm>>, %arg3: memref<8000xf32, #tpu.memory_space<hbm>>, %arg4: memref<8000xf32, #tpu.memory_space<hbm>>, %arg5: memref<16384xi32, #tpu.memory_space<hbm>>, %arg6: memref<16384xi32, #tpu.memory_space<hbm>>, %arg7: memref<16384xi32, #tpu.memory_space<hbm>>, %arg8: memref<24576xi32, #tpu.memory_space<hbm>>, %arg9: memref<24576xi32, #tpu.memory_space<hbm>>, %arg10: memref<16384xf32, #tpu.memory_space<hbm>>, %arg11: memref<16384xf32, #tpu.memory_space<hbm>>, %arg12: memref<16384xf32, #tpu.memory_space<hbm>>, %arg13: memref<16384xf32, #tpu.memory_space<hbm>>, %arg14: memref<16384xf32, #tpu.memory_space<hbm>>, %arg15: memref<16384xf32, #tpu.memory_space<hbm>>, %arg16: memref<16384xf32, #tpu.memory_space<hbm>>, %arg17: memref<16384xf32, #tpu.memory_space<hbm>>, %arg18: memref<16384xf32, #tpu.memory_space<hbm>>, %arg19: memref<24576xf32, #tpu.memory_space<hbm>>, %arg20: memref<24576xf32, #tpu.memory_space<hbm>>, %arg21: memref<24576xf32, #tpu.memory_space<hbm>>, %arg22: memref<24576xf32, #tpu.memory_space<hbm>>, %arg23: memref<24576xf32, #tpu.memory_space<hbm>>, %arg24: memref<24576xf32, #tpu.memory_space<hbm>>, %arg25: memref<8000xf32, #tpu.memory_space<vmem>>, %arg26: memref<8000xf32, #tpu.memory_space<vmem>>, %arg27: memref<8000xf32, #tpu.memory_space<vmem>>, %arg28: memref<512xi32, #tpu.memory_space<vmem>>, %arg29: memref<512xi32, #tpu.memory_space<vmem>>, %arg30: memref<512xi32, #tpu.memory_space<vmem>>, %arg31: memref<768xi32, #tpu.memory_space<vmem>>, %arg32: memref<768xi32, #tpu.memory_space<vmem>>, %arg33: memref<4608xf32, #tpu.memory_space<vmem>>, %arg34: memref<4608xf32, #tpu.memory_space<vmem>>) attributes {dimension_semantics = [#tpu.dimension_semantics<core_parallel>, #tpu.dimension_semantics<subcore_parallel>], iteration_bounds = array<i64: 2, 16>, scalar_prefetch = 0 : i64, scratch_operands = 10 : i64, tpu.core_type = #tpu.core_type<sc_vector_subcore>, window_params = [{transform_indices = #map}, {transform_indices = #map}, {transform_indices = #map}, {transform_indices = #map}, {transform_indices = #map}, {transform_indices = #map}, {transform_indices = #map}, {transform_indices = #map}, {transform_indices = #map}, {transform_indices = #map}, {transform_indices = #map}, {transform_indices = #map}, {transform_indices = #map}, {transform_indices = #map}, {transform_indices = #map}, {transform_indices = #map}, {transform_indices = #map}, {transform_indices = #map}, {transform_indices = #map}, {transform_indices = #map}, {transform_indices = #map}, {transform_indices = #map}, {transform_indices = #map}]} {
    %mul3A = arith.constant 2 : i32
    %mul3A_0 = arith.muli %arg1, %mul3A : i32
    %add3A = arith.addi %mul3A_0, %arg0 : i32
    "tpu.region"() ({
      %run_scoped3A = tpu.sem_alloc : memref<!tpu.dma_semaphore, #tpu.memory_space<semaphore_mem>>
      tpu.enqueue_dma source(%arg2 : memref<8000xf32, #tpu.memory_space<hbm>>) target(%arg25 : memref<8000xf32, #tpu.memory_space<vmem>>) target_semaphore(%run_scoped3A : memref<!tpu.dma_semaphore, #tpu.memory_space<semaphore_mem>>)
      tpu.wait_dma2 semaphore(%run_scoped3A : memref<!tpu.dma_semaphore, #tpu.memory_space<semaphore_mem>>) src(%arg2 : memref<8000xf32, #tpu.memory_space<hbm>>) dst(%arg25 : memref<8000xf32, #tpu.memory_space<vmem>>)
      tpu.yield
    }) : () -> ()
    "tpu.region"() ({
      %run_scoped3A = tpu.sem_alloc : memref<!tpu.dma_semaphore, #tpu.memory_space<semaphore_mem>>
      tpu.enqueue_dma source(%arg3 : memref<8000xf32, #tpu.memory_space<hbm>>) target(%arg26 : memref<8000xf32, #tpu.memory_space<vmem>>) target_semaphore(%run_scoped3A : memref<!tpu.dma_semaphore, #tpu.memory_space<semaphore_mem>>)
      tpu.wait_dma2 semaphore(%run_scoped3A : memref<!tpu.dma_semaphore, #tpu.memory_space<semaphore_mem>>) src(%arg3 : memref<8000xf32, #tpu.memory_space<hbm>>) dst(%arg26 : memref<8000xf32, #tpu.memory_space<vmem>>)
      tpu.yield
    }) : () -> ()
    "tpu.region"() ({
      %run_scoped3A = tpu.sem_alloc : memref<!tpu.dma_semaphore, #tpu.memory_space<semaphore_mem>>
      tpu.enqueue_dma source(%arg4 : memref<8000xf32, #tpu.memory_space<hbm>>) target(%arg27 : memref<8000xf32, #tpu.memory_space<vmem>>) target_semaphore(%run_scoped3A : memref<!tpu.dma_semaphore, #tpu.memory_space<semaphore_mem>>)
      tpu.wait_dma2 semaphore(%run_scoped3A : memref<!tpu.dma_semaphore, #tpu.memory_space<semaphore_mem>>) src(%arg4 : memref<8000xf32, #tpu.memory_space<hbm>>) dst(%arg27 : memref<8000xf32, #tpu.memory_space<vmem>>)
      tpu.yield
    }) : () -> ()
    %mul3A_1 = arith.constant 512 : i32
    %mul3A_2 = arith.muli %add3A, %mul3A_1 : i32
    %mul3A_3 = arith.constant 768 : i32
    %mul3A_4 = arith.muli %add3A, %mul3A_3 : i32
    "tpu.region"() ({
      %run_scoped3A = tpu.sem_alloc : memref<!tpu.dma_semaphore, #tpu.memory_space<semaphore_mem>>
      %dma_start3A = tpu.memref_slice %arg5[%mul3A_2] : memref<16384xi32, #tpu.memory_space<hbm>> -> memref<512xi32, #tpu.memory_space<hbm>>
      %dma_start3A_14 = tpu.memref_slice %arg5[%mul3A_2] : memref<16384xi32, #tpu.memory_space<hbm>> -> memref<512xi32, #tpu.memory_space<hbm>>
      tpu.enqueue_dma source(%dma_start3A_14 : memref<512xi32, #tpu.memory_space<hbm>>) target(%arg28 : memref<512xi32, #tpu.memory_space<vmem>>) target_semaphore(%run_scoped3A : memref<!tpu.dma_semaphore, #tpu.memory_space<semaphore_mem>>)
      %dma_wait3A = tpu.memref_slice %arg5[%mul3A_2] : memref<16384xi32, #tpu.memory_space<hbm>> -> memref<512xi32, #tpu.memory_space<hbm>>
      %dma_wait3A_15 = tpu.memref_slice %arg5[%mul3A_2] : memref<16384xi32, #tpu.memory_space<hbm>> -> memref<512xi32, #tpu.memory_space<hbm>>
      tpu.wait_dma2 semaphore(%run_scoped3A : memref<!tpu.dma_semaphore, #tpu.memory_space<semaphore_mem>>) src(%dma_wait3A_15 : memref<512xi32, #tpu.memory_space<hbm>>) dst(%arg28 : memref<512xi32, #tpu.memory_space<vmem>>)
      tpu.yield
    }) : () -> ()
    "tpu.region"() ({
      %run_scoped3A = tpu.sem_alloc : memref<!tpu.dma_semaphore, #tpu.memory_space<semaphore_mem>>
      %dma_start3A = tpu.memref_slice %arg6[%mul3A_2] : memref<16384xi32, #tpu.memory_space<hbm>> -> memref<512xi32, #tpu.memory_space<hbm>>
      %dma_start3A_14 = tpu.memref_slice %arg6[%mul3A_2] : memref<16384xi32, #tpu.memory_space<hbm>> -> memref<512xi32, #tpu.memory_space<hbm>>
      tpu.enqueue_dma source(%dma_start3A_14 : memref<512xi32, #tpu.memory_space<hbm>>) target(%arg29 : memref<512xi32, #tpu.memory_space<vmem>>) target_semaphore(%run_scoped3A : memref<!tpu.dma_semaphore, #tpu.memory_space<semaphore_mem>>)
      %dma_wait3A = tpu.memref_slice %arg6[%mul3A_2] : memref<16384xi32, #tpu.memory_space<hbm>> -> memref<512xi32, #tpu.memory_space<hbm>>
      %dma_wait3A_15 = tpu.memref_slice %arg6[%mul3A_2] : memref<16384xi32, #tpu.memory_space<hbm>> -> memref<512xi32, #tpu.memory_space<hbm>>
      tpu.wait_dma2 semaphore(%run_scoped3A : memref<!tpu.dma_semaphore, #tpu.memory_space<semaphore_mem>>) src(%dma_wait3A_15 : memref<512xi32, #tpu.memory_space<hbm>>) dst(%arg29 : memref<512xi32, #tpu.memory_space<vmem>>)
      tpu.yield
    }) : () -> ()
    "tpu.region"() ({
      %run_scoped3A = tpu.sem_alloc : memref<!tpu.dma_semaphore, #tpu.memory_space<semaphore_mem>>
      %dma_start3A = tpu.memref_slice %arg7[%mul3A_2] : memref<16384xi32, #tpu.memory_space<hbm>> -> memref<512xi32, #tpu.memory_space<hbm>>
      %dma_start3A_14 = tpu.memref_slice %arg7[%mul3A_2] : memref<16384xi32, #tpu.memory_space<hbm>> -> memref<512xi32, #tpu.memory_space<hbm>>
      tpu.enqueue_dma source(%dma_start3A_14 : memref<512xi32, #tpu.memory_space<hbm>>) target(%arg30 : memref<512xi32, #tpu.memory_space<vmem>>) target_semaphore(%run_scoped3A : memref<!tpu.dma_semaphore, #tpu.memory_space<semaphore_mem>>)
      %dma_wait3A = tpu.memref_slice %arg7[%mul3A_2] : memref<16384xi32, #tpu.memory_space<hbm>> -> memref<512xi32, #tpu.memory_space<hbm>>
      %dma_wait3A_15 = tpu.memref_slice %arg7[%mul3A_2] : memref<16384xi32, #tpu.memory_space<hbm>> -> memref<512xi32, #tpu.memory_space<hbm>>
      tpu.wait_dma2 semaphore(%run_scoped3A : memref<!tpu.dma_semaphore, #tpu.memory_space<semaphore_mem>>) src(%dma_wait3A_15 : memref<512xi32, #tpu.memory_space<hbm>>) dst(%arg30 : memref<512xi32, #tpu.memory_space<vmem>>)
      tpu.yield
    }) : () -> ()
    "tpu.region"() ({
      %run_scoped3A = tpu.sem_alloc : memref<!tpu.dma_semaphore, #tpu.memory_space<semaphore_mem>>
      %dma_start3A = tpu.memref_slice %arg8[%mul3A_4] : memref<24576xi32, #tpu.memory_space<hbm>> -> memref<768xi32, #tpu.memory_space<hbm>>
      %dma_start3A_14 = tpu.memref_slice %arg8[%mul3A_4] : memref<24576xi32, #tpu.memory_space<hbm>> -> memref<768xi32, #tpu.memory_space<hbm>>
      tpu.enqueue_dma source(%dma_start3A_14 : memref<768xi32, #tpu.memory_space<hbm>>) target(%arg31 : memref<768xi32, #tpu.memory_space<vmem>>) target_semaphore(%run_scoped3A : memref<!tpu.dma_semaphore, #tpu.memory_space<semaphore_mem>>)
      %dma_wait3A = tpu.memref_slice %arg8[%mul3A_4] : memref<24576xi32, #tpu.memory_space<hbm>> -> memref<768xi32, #tpu.memory_space<hbm>>
      %dma_wait3A_15 = tpu.memref_slice %arg8[%mul3A_4] : memref<24576xi32, #tpu.memory_space<hbm>> -> memref<768xi32, #tpu.memory_space<hbm>>
      tpu.wait_dma2 semaphore(%run_scoped3A : memref<!tpu.dma_semaphore, #tpu.memory_space<semaphore_mem>>) src(%dma_wait3A_15 : memref<768xi32, #tpu.memory_space<hbm>>) dst(%arg31 : memref<768xi32, #tpu.memory_space<vmem>>)
      tpu.yield
    }) : () -> ()
    "tpu.region"() ({
      %run_scoped3A = tpu.sem_alloc : memref<!tpu.dma_semaphore, #tpu.memory_space<semaphore_mem>>
      %dma_start3A = tpu.memref_slice %arg9[%mul3A_4] : memref<24576xi32, #tpu.memory_space<hbm>> -> memref<768xi32, #tpu.memory_space<hbm>>
      %dma_start3A_14 = tpu.memref_slice %arg9[%mul3A_4] : memref<24576xi32, #tpu.memory_space<hbm>> -> memref<768xi32, #tpu.memory_space<hbm>>
      tpu.enqueue_dma source(%dma_start3A_14 : memref<768xi32, #tpu.memory_space<hbm>>) target(%arg32 : memref<768xi32, #tpu.memory_space<vmem>>) target_semaphore(%run_scoped3A : memref<!tpu.dma_semaphore, #tpu.memory_space<semaphore_mem>>)
      %dma_wait3A = tpu.memref_slice %arg9[%mul3A_4] : memref<24576xi32, #tpu.memory_space<hbm>> -> memref<768xi32, #tpu.memory_space<hbm>>
      %dma_wait3A_15 = tpu.memref_slice %arg9[%mul3A_4] : memref<24576xi32, #tpu.memory_space<hbm>> -> memref<768xi32, #tpu.memory_space<hbm>>
      tpu.wait_dma2 semaphore(%run_scoped3A : memref<!tpu.dma_semaphore, #tpu.memory_space<semaphore_mem>>) src(%dma_wait3A_15 : memref<768xi32, #tpu.memory_space<hbm>>) dst(%arg32 : memref<768xi32, #tpu.memory_space<vmem>>)
      tpu.yield
    }) : () -> ()
    %scan3A = arith.constant 0 : i32
    %scan3A_5 = arith.constant 32 : i32
    %scan3A_6 = arith.addi %scan3A, %scan3A_5 : i32
    %scan3A_7 = arith.constant 1 : i32
    scf.for %scan3A_14 = %scan3A to %scan3A_6 step %scan3A_7  : i32 {
      %mul3A_15 = arith.constant 16 : i32
      %mul3A_16 = arith.muli %scan3A_14, %mul3A_15 : i32
      %add3A_17 = arith.constant 0 : i32
      %add3A_18 = arith.addi %add3A_17, %mul3A_16 : i32
      %get3A = arith.index_cast %add3A_18 : i32 to index
      %get3A_19 = tpu.vector_load %arg28[%get3A] {strides = array<i32>} : memref<512xi32, #tpu.memory_space<vmem>>, vector<16xi32>,
      %gather3A = tpu.vector_load_idx %arg25[%get3A_19] : memref<8000xf32, #tpu.memory_space<vmem>>[vector<16xi32>], vector<16xf32>,
      %add3A_20 = arith.constant 0 : i32
      %add3A_21 = arith.addi %add3A_20, %add3A_18 : i32
      %swap3A = arith.index_cast %add3A_21 : i32 to index
      %swap3A_22 = tpu.vector_load %arg33[%swap3A] {strides = array<i32>} : memref<4608xf32, #tpu.memory_space<vmem>>, vector<16xf32>,
      tpu.vector_store %arg33[%swap3A], %gather3A {strides = array<i32>} : memref<4608xf32, #tpu.memory_space<vmem>>, vector<16xf32>,
      %gather3A_23 = tpu.vector_load_idx %arg26[%get3A_19] : memref<8000xf32, #tpu.memory_space<vmem>>[vector<16xi32>], vector<16xf32>,
      %add3A_24 = arith.constant 512 : i32
      %add3A_25 = arith.addi %add3A_24, %add3A_18 : i32
      %swap3A_26 = arith.index_cast %add3A_25 : i32 to index
      %swap3A_27 = tpu.vector_load %arg33[%swap3A_26] {strides = array<i32>} : memref<4608xf32, #tpu.memory_space<vmem>>, vector<16xf32>,
      tpu.vector_store %arg33[%swap3A_26], %gather3A_23 {strides = array<i32>} : memref<4608xf32, #tpu.memory_space<vmem>>, vector<16xf32>,
      %gather3A_28 = tpu.vector_load_idx %arg27[%get3A_19] : memref<8000xf32, #tpu.memory_space<vmem>>[vector<16xi32>], vector<16xf32>,
      %add3A_29 = arith.constant 1024 : i32
      %add3A_30 = arith.addi %add3A_29, %add3A_18 : i32
      %swap3A_31 = arith.index_cast %add3A_30 : i32 to index
      %swap3A_32 = tpu.vector_load %arg33[%swap3A_31] {strides = array<i32>} : memref<4608xf32, #tpu.memory_space<vmem>>, vector<16xf32>,
      tpu.vector_store %arg33[%swap3A_31], %gather3A_28 {strides = array<i32>} : memref<4608xf32, #tpu.memory_space<vmem>>, vector<16xf32>,
      %get3A_33 = arith.index_cast %add3A_18 : i32 to index
      %get3A_34 = tpu.vector_load %arg29[%get3A_33] {strides = array<i32>} : memref<512xi32, #tpu.memory_space<vmem>>, vector<16xi32>,
      %gather3A_35 = tpu.vector_load_idx %arg25[%get3A_34] : memref<8000xf32, #tpu.memory_space<vmem>>[vector<16xi32>], vector<16xf32>,
      %add3A_36 = arith.constant 1536 : i32
      %add3A_37 = arith.addi %add3A_36, %add3A_18 : i32
      %swap3A_38 = arith.index_cast %add3A_37 : i32 to index
      %swap3A_39 = tpu.vector_load %arg33[%swap3A_38] {strides = array<i32>} : memref<4608xf32, #tpu.memory_space<vmem>>, vector<16xf32>,
      tpu.vector_store %arg33[%swap3A_38], %gather3A_35 {strides = array<i32>} : memref<4608xf32, #tpu.memory_space<vmem>>, vector<16xf32>,
      %gather3A_40 = tpu.vector_load_idx %arg26[%get3A_34] : memref<8000xf32, #tpu.memory_space<vmem>>[vector<16xi32>], vector<16xf32>,
      %add3A_41 = arith.constant 2048 : i32
      %add3A_42 = arith.addi %add3A_41, %add3A_18 : i32
      %swap3A_43 = arith.index_cast %add3A_42 : i32 to index
      %swap3A_44 = tpu.vector_load %arg33[%swap3A_43] {strides = array<i32>} : memref<4608xf32, #tpu.memory_space<vmem>>, vector<16xf32>,
      tpu.vector_store %arg33[%swap3A_43], %gather3A_40 {strides = array<i32>} : memref<4608xf32, #tpu.memory_space<vmem>>, vector<16xf32>,
      %gather3A_45 = tpu.vector_load_idx %arg27[%get3A_34] : memref<8000xf32, #tpu.memory_space<vmem>>[vector<16xi32>], vector<16xf32>,
      %add3A_46 = arith.constant 2560 : i32
      %add3A_47 = arith.addi %add3A_46, %add3A_18 : i32
      %swap3A_48 = arith.index_cast %add3A_47 : i32 to index
      %swap3A_49 = tpu.vector_load %arg33[%swap3A_48] {strides = array<i32>} : memref<4608xf32, #tpu.memory_space<vmem>>, vector<16xf32>,
      tpu.vector_store %arg33[%swap3A_48], %gather3A_45 {strides = array<i32>} : memref<4608xf32, #tpu.memory_space<vmem>>, vector<16xf32>,
      %get3A_50 = arith.index_cast %add3A_18 : i32 to index
      %get3A_51 = tpu.vector_load %arg30[%get3A_50] {strides = array<i32>} : memref<512xi32, #tpu.memory_space<vmem>>, vector<16xi32>,
      %gather3A_52 = tpu.vector_load_idx %arg25[%get3A_51] : memref<8000xf32, #tpu.memory_space<vmem>>[vector<16xi32>], vector<16xf32>,
      %add3A_53 = arith.constant 3072 : i32
      %add3A_54 = arith.addi %add3A_53, %add3A_18 : i32
      %swap3A_55 = arith.index_cast %add3A_54 : i32 to index
      %swap3A_56 = tpu.vector_load %arg33[%swap3A_55] {strides = array<i32>} : memref<4608xf32, #tpu.memory_space<vmem>>, vector<16xf32>,
      tpu.vector_store %arg33[%swap3A_55], %gather3A_52 {strides = array<i32>} : memref<4608xf32, #tpu.memory_space<vmem>>, vector<16xf32>,
      %gather3A_57 = tpu.vector_load_idx %arg26[%get3A_51] : memref<8000xf32, #tpu.memory_space<vmem>>[vector<16xi32>], vector<16xf32>,
      %add3A_58 = arith.constant 3584 : i32
      %add3A_59 = arith.addi %add3A_58, %add3A_18 : i32
      %swap3A_60 = arith.index_cast %add3A_59 : i32 to index
      %swap3A_61 = tpu.vector_load %arg33[%swap3A_60] {strides = array<i32>} : memref<4608xf32, #tpu.memory_space<vmem>>, vector<16xf32>,
      tpu.vector_store %arg33[%swap3A_60], %gather3A_57 {strides = array<i32>} : memref<4608xf32, #tpu.memory_space<vmem>>, vector<16xf32>,
      %gather3A_62 = tpu.vector_load_idx %arg27[%get3A_51] : memref<8000xf32, #tpu.memory_space<vmem>>[vector<16xi32>], vector<16xf32>,
      %add3A_63 = arith.constant 4096 : i32
      %add3A_64 = arith.addi %add3A_63, %add3A_18 : i32
      %swap3A_65 = arith.index_cast %add3A_64 : i32 to index
      %swap3A_66 = tpu.vector_load %arg33[%swap3A_65] {strides = array<i32>} : memref<4608xf32, #tpu.memory_space<vmem>>, vector<16xf32>,
      tpu.vector_store %arg33[%swap3A_65], %gather3A_62 {strides = array<i32>} : memref<4608xf32, #tpu.memory_space<vmem>>, vector<16xf32>,
    }
    %scan3A_8 = arith.constant 32 : i32
    %scan3A_9 = arith.constant 0 : i32
    %scan3A_10 = arith.constant 48 : i32
    %scan3A_11 = arith.addi %scan3A_9, %scan3A_10 : i32
    %scan3A_12 = arith.constant 1 : i32
    scf.for %scan3A_14 = %scan3A_9 to %scan3A_11 step %scan3A_12  : i32 {
      %mul3A_15 = arith.constant 16 : i32
      %mul3A_16 = arith.muli %scan3A_14, %mul3A_15 : i32
      %add3A_17 = arith.constant 0 : i32
      %add3A_18 = arith.addi %add3A_17, %mul3A_16 : i32
      %get3A = arith.index_cast %add3A_18 : i32 to index
      %get3A_19 = tpu.vector_load %arg31[%get3A] {strides = array<i32>} : memref<768xi32, #tpu.memory_space<vmem>>, vector<16xi32>,
      %gather3A = tpu.vector_load_idx %arg25[%get3A_19] : memref<8000xf32, #tpu.memory_space<vmem>>[vector<16xi32>], vector<16xf32>,
      %add3A_20 = arith.constant 0 : i32
      %add3A_21 = arith.addi %add3A_20, %add3A_18 : i32
      %swap3A = arith.index_cast %add3A_21 : i32 to index
      %swap3A_22 = tpu.vector_load %arg34[%swap3A] {strides = array<i32>} : memref<4608xf32, #tpu.memory_space<vmem>>, vector<16xf32>,
      tpu.vector_store %arg34[%swap3A], %gather3A {strides = array<i32>} : memref<4608xf32, #tpu.memory_space<vmem>>, vector<16xf32>,
      %gather3A_23 = tpu.vector_load_idx %arg26[%get3A_19] : memref<8000xf32, #tpu.memory_space<vmem>>[vector<16xi32>], vector<16xf32>,
      %add3A_24 = arith.constant 768 : i32
      %add3A_25 = arith.addi %add3A_24, %add3A_18 : i32
      %swap3A_26 = arith.index_cast %add3A_25 : i32 to index
      %swap3A_27 = tpu.vector_load %arg34[%swap3A_26] {strides = array<i32>} : memref<4608xf32, #tpu.memory_space<vmem>>, vector<16xf32>,
      tpu.vector_store %arg34[%swap3A_26], %gather3A_23 {strides = array<i32>} : memref<4608xf32, #tpu.memory_space<vmem>>, vector<16xf32>,
      %gather3A_28 = tpu.vector_load_idx %arg27[%get3A_19] : memref<8000xf32, #tpu.memory_space<vmem>>[vector<16xi32>], vector<16xf32>,
      %add3A_29 = arith.constant 1536 : i32
      %add3A_30 = arith.addi %add3A_29, %add3A_18 : i32
      %swap3A_31 = arith.index_cast %add3A_30 : i32 to index
      %swap3A_32 = tpu.vector_load %arg34[%swap3A_31] {strides = array<i32>} : memref<4608xf32, #tpu.memory_space<vmem>>, vector<16xf32>,
      tpu.vector_store %arg34[%swap3A_31], %gather3A_28 {strides = array<i32>} : memref<4608xf32, #tpu.memory_space<vmem>>, vector<16xf32>,
      %get3A_33 = arith.index_cast %add3A_18 : i32 to index
      %get3A_34 = tpu.vector_load %arg32[%get3A_33] {strides = array<i32>} : memref<768xi32, #tpu.memory_space<vmem>>, vector<16xi32>,
      %gather3A_35 = tpu.vector_load_idx %arg25[%get3A_34] : memref<8000xf32, #tpu.memory_space<vmem>>[vector<16xi32>], vector<16xf32>,
      %add3A_36 = arith.constant 2304 : i32
      %add3A_37 = arith.addi %add3A_36, %add3A_18 : i32
      %swap3A_38 = arith.index_cast %add3A_37 : i32 to index
      %swap3A_39 = tpu.vector_load %arg34[%swap3A_38] {strides = array<i32>} : memref<4608xf32, #tpu.memory_space<vmem>>, vector<16xf32>,
      tpu.vector_store %arg34[%swap3A_38], %gather3A_35 {strides = array<i32>} : memref<4608xf32, #tpu.memory_space<vmem>>, vector<16xf32>,
      %gather3A_40 = tpu.vector_load_idx %arg26[%get3A_34] : memref<8000xf32, #tpu.memory_space<vmem>>[vector<16xi32>], vector<16xf32>,
      %add3A_41 = arith.constant 3072 : i32
      %add3A_42 = arith.addi %add3A_41, %add3A_18 : i32
      %swap3A_43 = arith.index_cast %add3A_42 : i32 to index
      %swap3A_44 = tpu.vector_load %arg34[%swap3A_43] {strides = array<i32>} : memref<4608xf32, #tpu.memory_space<vmem>>, vector<16xf32>,
      tpu.vector_store %arg34[%swap3A_43], %gather3A_40 {strides = array<i32>} : memref<4608xf32, #tpu.memory_space<vmem>>, vector<16xf32>,
      %gather3A_45 = tpu.vector_load_idx %arg27[%get3A_34] : memref<8000xf32, #tpu.memory_space<vmem>>[vector<16xi32>], vector<16xf32>,
      %add3A_46 = arith.constant 3840 : i32
      %add3A_47 = arith.addi %add3A_46, %add3A_18 : i32
      %swap3A_48 = arith.index_cast %add3A_47 : i32 to index
      %swap3A_49 = tpu.vector_load %arg34[%swap3A_48] {strides = array<i32>} : memref<4608xf32, #tpu.memory_space<vmem>>, vector<16xf32>,
      tpu.vector_store %arg34[%swap3A_48], %gather3A_45 {strides = array<i32>} : memref<4608xf32, #tpu.memory_space<vmem>>, vector<16xf32>,
    }
    %scan3A_13 = arith.constant 48 : i32
    "tpu.region"() ({
      %run_scoped3A = tpu.sem_alloc : memref<!tpu.dma_semaphore, #tpu.memory_space<semaphore_mem>>
      %dma_start3A = arith.constant 0 : i32
      %dma_start3A_14 = tpu.memref_slice %arg33[%dma_start3A] : memref<4608xf32, #tpu.memory_space<vmem>> -> memref<512xf32, #tpu.memory_space<vmem>>
      %dma_start3A_15 = tpu.memref_slice %arg10[%mul3A_2] : memref<16384xf32, #tpu.memory_space<hbm>> -> memref<512xf32, #tpu.memory_space<hbm>>
      %dma_start3A_16 = tpu.memref_slice %arg10[%mul3A_2] : memref<16384xf32, #tpu.memory_space<hbm>> -> memref<512xf32, #tpu.memory_space<hbm>>
      %dma_start3A_17 = arith.constant 0 : i32
      %dma_start3A_18 = tpu.memref_slice %arg33[%dma_start3A_17] : memref<4608xf32, #tpu.memory_space<vmem>> -> memref<512xf32, #tpu.memory_space<vmem>>
      tpu.enqueue_dma source(%dma_start3A_18 : memref<512xf32, #tpu.memory_space<vmem>>) target(%dma_start3A_16 : memref<512xf32, #tpu.memory_space<hbm>>) target_semaphore(%run_scoped3A : memref<!tpu.dma_semaphore, #tpu.memory_space<semaphore_mem>>)
      %dma_wait3A = arith.constant 0 : i32
      %dma_wait3A_19 = tpu.memref_slice %arg33[%dma_wait3A] : memref<4608xf32, #tpu.memory_space<vmem>> -> memref<512xf32, #tpu.memory_space<vmem>>
      %dma_wait3A_20 = tpu.memref_slice %arg10[%mul3A_2] : memref<16384xf32, #tpu.memory_space<hbm>> -> memref<512xf32, #tpu.memory_space<hbm>>
      %dma_wait3A_21 = tpu.memref_slice %arg10[%mul3A_2] : memref<16384xf32, #tpu.memory_space<hbm>> -> memref<512xf32, #tpu.memory_space<hbm>>
      %dma_wait3A_22 = arith.constant 0 : i32
      %dma_wait3A_23 = tpu.memref_slice %arg33[%dma_wait3A_22] : memref<4608xf32, #tpu.memory_space<vmem>> -> memref<512xf32, #tpu.memory_space<vmem>>
      tpu.wait_dma2 semaphore(%run_scoped3A : memref<!tpu.dma_semaphore, #tpu.memory_space<semaphore_mem>>) src(%dma_wait3A_23 : memref<512xf32, #tpu.memory_space<vmem>>) dst(%dma_wait3A_21 : memref<512xf32, #tpu.memory_space<hbm>>)
      tpu.yield
    }) : () -> ()
    "tpu.region"() ({
      %run_scoped3A = tpu.sem_alloc : memref<!tpu.dma_semaphore, #tpu.memory_space<semaphore_mem>>
      %dma_start3A = arith.constant 512 : i32
      %dma_start3A_14 = tpu.memref_slice %arg33[%dma_start3A] : memref<4608xf32, #tpu.memory_space<vmem>> -> memref<512xf32, #tpu.memory_space<vmem>>
      %dma_start3A_15 = tpu.memref_slice %arg11[%mul3A_2] : memref<16384xf32, #tpu.memory_space<hbm>> -> memref<512xf32, #tpu.memory_space<hbm>>
      %dma_start3A_16 = tpu.memref_slice %arg11[%mul3A_2] : memref<16384xf32, #tpu.memory_space<hbm>> -> memref<512xf32, #tpu.memory_space<hbm>>
      %dma_start3A_17 = arith.constant 512 : i32
      %dma_start3A_18 = tpu.memref_slice %arg33[%dma_start3A_17] : memref<4608xf32, #tpu.memory_space<vmem>> -> memref<512xf32, #tpu.memory_space<vmem>>
      tpu.enqueue_dma source(%dma_start3A_18 : memref<512xf32, #tpu.memory_space<vmem>>) target(%dma_start3A_16 : memref<512xf32, #tpu.memory_space<hbm>>) target_semaphore(%run_scoped3A : memref<!tpu.dma_semaphore, #tpu.memory_space<semaphore_mem>>)
      %dma_wait3A = arith.constant 512 : i32
      %dma_wait3A_19 = tpu.memref_slice %arg33[%dma_wait3A] : memref<4608xf32, #tpu.memory_space<vmem>> -> memref<512xf32, #tpu.memory_space<vmem>>
      %dma_wait3A_20 = tpu.memref_slice %arg11[%mul3A_2] : memref<16384xf32, #tpu.memory_space<hbm>> -> memref<512xf32, #tpu.memory_space<hbm>>
      %dma_wait3A_21 = tpu.memref_slice %arg11[%mul3A_2] : memref<16384xf32, #tpu.memory_space<hbm>> -> memref<512xf32, #tpu.memory_space<hbm>>
      %dma_wait3A_22 = arith.constant 512 : i32
      %dma_wait3A_23 = tpu.memref_slice %arg33[%dma_wait3A_22] : memref<4608xf32, #tpu.memory_space<vmem>> -> memref<512xf32, #tpu.memory_space<vmem>>
      tpu.wait_dma2 semaphore(%run_scoped3A : memref<!tpu.dma_semaphore, #tpu.memory_space<semaphore_mem>>) src(%dma_wait3A_23 : memref<512xf32, #tpu.memory_space<vmem>>) dst(%dma_wait3A_21 : memref<512xf32, #tpu.memory_space<hbm>>)
      tpu.yield
    }) : () -> ()
    "tpu.region"() ({
      %run_scoped3A = tpu.sem_alloc : memref<!tpu.dma_semaphore, #tpu.memory_space<semaphore_mem>>
      %dma_start3A = arith.constant 1024 : i32
      %dma_start3A_14 = tpu.memref_slice %arg33[%dma_start3A] : memref<4608xf32, #tpu.memory_space<vmem>> -> memref<512xf32, #tpu.memory_space<vmem>>
      %dma_start3A_15 = tpu.memref_slice %arg12[%mul3A_2] : memref<16384xf32, #tpu.memory_space<hbm>> -> memref<512xf32, #tpu.memory_space<hbm>>
      %dma_start3A_16 = tpu.memref_slice %arg12[%mul3A_2] : memref<16384xf32, #tpu.memory_space<hbm>> -> memref<512xf32, #tpu.memory_space<hbm>>
      %dma_start3A_17 = arith.constant 1024 : i32
      %dma_start3A_18 = tpu.memref_slice %arg33[%dma_start3A_17] : memref<4608xf32, #tpu.memory_space<vmem>> -> memref<512xf32, #tpu.memory_space<vmem>>
      tpu.enqueue_dma source(%dma_start3A_18 : memref<512xf32, #tpu.memory_space<vmem>>) target(%dma_start3A_16 : memref<512xf32, #tpu.memory_space<hbm>>) target_semaphore(%run_scoped3A : memref<!tpu.dma_semaphore, #tpu.memory_space<semaphore_mem>>)
      %dma_wait3A = arith.constant 1024 : i32
      %dma_wait3A_19 = tpu.memref_slice %arg33[%dma_wait3A] : memref<4608xf32, #tpu.memory_space<vmem>> -> memref<512xf32, #tpu.memory_space<vmem>>
      %dma_wait3A_20 = tpu.memref_slice %arg12[%mul3A_2] : memref<16384xf32, #tpu.memory_space<hbm>> -> memref<512xf32, #tpu.memory_space<hbm>>
      %dma_wait3A_21 = tpu.memref_slice %arg12[%mul3A_2] : memref<16384xf32, #tpu.memory_space<hbm>> -> memref<512xf32, #tpu.memory_space<hbm>>
      %dma_wait3A_22 = arith.constant 1024 : i32
      %dma_wait3A_23 = tpu.memref_slice %arg33[%dma_wait3A_22] : memref<4608xf32, #tpu.memory_space<vmem>> -> memref<512xf32, #tpu.memory_space<vmem>>
      tpu.wait_dma2 semaphore(%run_scoped3A : memref<!tpu.dma_semaphore, #tpu.memory_space<semaphore_mem>>) src(%dma_wait3A_23 : memref<512xf32, #tpu.memory_space<vmem>>) dst(%dma_wait3A_21 : memref<512xf32, #tpu.memory_space<hbm>>)
      tpu.yield
    }) : () -> ()
    "tpu.region"() ({
      %run_scoped3A = tpu.sem_alloc : memref<!tpu.dma_semaphore, #tpu.memory_space<semaphore_mem>>
      %dma_start3A = arith.constant 1536 : i32
      %dma_start3A_14 = tpu.memref_slice %arg33[%dma_start3A] : memref<4608xf32, #tpu.memory_space<vmem>> -> memref<512xf32, #tpu.memory_space<vmem>>
      %dma_start3A_15 = tpu.memref_slice %arg13[%mul3A_2] : memref<16384xf32, #tpu.memory_space<hbm>> -> memref<512xf32, #tpu.memory_space<hbm>>
      %dma_start3A_16 = tpu.memref_slice %arg13[%mul3A_2] : memref<16384xf32, #tpu.memory_space<hbm>> -> memref<512xf32, #tpu.memory_space<hbm>>
      %dma_start3A_17 = arith.constant 1536 : i32
      %dma_start3A_18 = tpu.memref_slice %arg33[%dma_start3A_17] : memref<4608xf32, #tpu.memory_space<vmem>> -> memref<512xf32, #tpu.memory_space<vmem>>
      tpu.enqueue_dma source(%dma_start3A_18 : memref<512xf32, #tpu.memory_space<vmem>>) target(%dma_start3A_16 : memref<512xf32, #tpu.memory_space<hbm>>) target_semaphore(%run_scoped3A : memref<!tpu.dma_semaphore, #tpu.memory_space<semaphore_mem>>)
      %dma_wait3A = arith.constant 1536 : i32
      %dma_wait3A_19 = tpu.memref_slice %arg33[%dma_wait3A] : memref<4608xf32, #tpu.memory_space<vmem>> -> memref<512xf32, #tpu.memory_space<vmem>>
      %dma_wait3A_20 = tpu.memref_slice %arg13[%mul3A_2] : memref<16384xf32, #tpu.memory_space<hbm>> -> memref<512xf32, #tpu.memory_space<hbm>>
      %dma_wait3A_21 = tpu.memref_slice %arg13[%mul3A_2] : memref<16384xf32, #tpu.memory_space<hbm>> -> memref<512xf32, #tpu.memory_space<hbm>>
      %dma_wait3A_22 = arith.constant 1536 : i32
      %dma_wait3A_23 = tpu.memref_slice %arg33[%dma_wait3A_22] : memref<4608xf32, #tpu.memory_space<vmem>> -> memref<512xf32, #tpu.memory_space<vmem>>
      tpu.wait_dma2 semaphore(%run_scoped3A : memref<!tpu.dma_semaphore, #tpu.memory_space<semaphore_mem>>) src(%dma_wait3A_23 : memref<512xf32, #tpu.memory_space<vmem>>) dst(%dma_wait3A_21 : memref<512xf32, #tpu.memory_space<hbm>>)
      tpu.yield
    }) : () -> ()
    "tpu.region"() ({
      %run_scoped3A = tpu.sem_alloc : memref<!tpu.dma_semaphore, #tpu.memory_space<semaphore_mem>>
      %dma_start3A = arith.constant 2048 : i32
      %dma_start3A_14 = tpu.memref_slice %arg33[%dma_start3A] : memref<4608xf32, #tpu.memory_space<vmem>> -> memref<512xf32, #tpu.memory_space<vmem>>
      %dma_start3A_15 = tpu.memref_slice %arg14[%mul3A_2] : memref<16384xf32, #tpu.memory_space<hbm>> -> memref<512xf32, #tpu.memory_space<hbm>>
      %dma_start3A_16 = tpu.memref_slice %arg14[%mul3A_2] : memref<16384xf32, #tpu.memory_space<hbm>> -> memref<512xf32, #tpu.memory_space<hbm>>
      %dma_start3A_17 = arith.constant 2048 : i32
      %dma_start3A_18 = tpu.memref_slice %arg33[%dma_start3A_17] : memref<4608xf32, #tpu.memory_space<vmem>> -> memref<512xf32, #tpu.memory_space<vmem>>
      tpu.enqueue_dma source(%dma_start3A_18 : memref<512xf32, #tpu.memory_space<vmem>>) target(%dma_start3A_16 : memref<512xf32, #tpu.memory_space<hbm>>) target_semaphore(%run_scoped3A : memref<!tpu.dma_semaphore, #tpu.memory_space<semaphore_mem>>)
      %dma_wait3A = arith.constant 2048 : i32
      %dma_wait3A_19 = tpu.memref_slice %arg33[%dma_wait3A] : memref<4608xf32, #tpu.memory_space<vmem>> -> memref<512xf32, #tpu.memory_space<vmem>>
      %dma_wait3A_20 = tpu.memref_slice %arg14[%mul3A_2] : memref<16384xf32, #tpu.memory_space<hbm>> -> memref<512xf32, #tpu.memory_space<hbm>>
      %dma_wait3A_21 = tpu.memref_slice %arg14[%mul3A_2] : memref<16384xf32, #tpu.memory_space<hbm>> -> memref<512xf32, #tpu.memory_space<hbm>>
      %dma_wait3A_22 = arith.constant 2048 : i32
      %dma_wait3A_23 = tpu.memref_slice %arg33[%dma_wait3A_22] : memref<4608xf32, #tpu.memory_space<vmem>> -> memref<512xf32, #tpu.memory_space<vmem>>
      tpu.wait_dma2 semaphore(%run_scoped3A : memref<!tpu.dma_semaphore, #tpu.memory_space<semaphore_mem>>) src(%dma_wait3A_23 : memref<512xf32, #tpu.memory_space<vmem>>) dst(%dma_wait3A_21 : memref<512xf32, #tpu.memory_space<hbm>>)
      tpu.yield
    }) : () -> ()
    "tpu.region"() ({
      %run_scoped3A = tpu.sem_alloc : memref<!tpu.dma_semaphore, #tpu.memory_space<semaphore_mem>>
      %dma_start3A = arith.constant 2560 : i32
      %dma_start3A_14 = tpu.memref_slice %arg33[%dma_start3A] : memref<4608xf32, #tpu.memory_space<vmem>> -> memref<512xf32, #tpu.memory_space<vmem>>
      %dma_start3A_15 = tpu.memref_slice %arg15[%mul3A_2] : memref<16384xf32, #tpu.memory_space<hbm>> -> memref<512xf32, #tpu.memory_space<hbm>>
      %dma_start3A_16 = tpu.memref_slice %arg15[%mul3A_2] : memref<16384xf32, #tpu.memory_space<hbm>> -> memref<512xf32, #tpu.memory_space<hbm>>
      %dma_start3A_17 = arith.constant 2560 : i32
      %dma_start3A_18 = tpu.memref_slice %arg33[%dma_start3A_17] : memref<4608xf32, #tpu.memory_space<vmem>> -> memref<512xf32, #tpu.memory_space<vmem>>
      tpu.enqueue_dma source(%dma_start3A_18 : memref<512xf32, #tpu.memory_space<vmem>>) target(%dma_start3A_16 : memref<512xf32, #tpu.memory_space<hbm>>) target_semaphore(%run_scoped3A : memref<!tpu.dma_semaphore, #tpu.memory_space<semaphore_mem>>)
      %dma_wait3A = arith.constant 2560 : i32
      %dma_wait3A_19 = tpu.memref_slice %arg33[%dma_wait3A] : memref<4608xf32, #tpu.memory_space<vmem>> -> memref<512xf32, #tpu.memory_space<vmem>>
      %dma_wait3A_20 = tpu.memref_slice %arg15[%mul3A_2] : memref<16384xf32, #tpu.memory_space<hbm>> -> memref<512xf32, #tpu.memory_space<hbm>>
      %dma_wait3A_21 = tpu.memref_slice %arg15[%mul3A_2] : memref<16384xf32, #tpu.memory_space<hbm>> -> memref<512xf32, #tpu.memory_space<hbm>>
      %dma_wait3A_22 = arith.constant 2560 : i32
      %dma_wait3A_23 = tpu.memref_slice %arg33[%dma_wait3A_22] : memref<4608xf32, #tpu.memory_space<vmem>> -> memref<512xf32, #tpu.memory_space<vmem>>
      tpu.wait_dma2 semaphore(%run_scoped3A : memref<!tpu.dma_semaphore, #tpu.memory_space<semaphore_mem>>) src(%dma_wait3A_23 : memref<512xf32, #tpu.memory_space<vmem>>) dst(%dma_wait3A_21 : memref<512xf32, #tpu.memory_space<hbm>>)
      tpu.yield
    }) : () -> ()
    "tpu.region"() ({
      %run_scoped3A = tpu.sem_alloc : memref<!tpu.dma_semaphore, #tpu.memory_space<semaphore_mem>>
      %dma_start3A = arith.constant 3072 : i32
      %dma_start3A_14 = tpu.memref_slice %arg33[%dma_start3A] : memref<4608xf32, #tpu.memory_space<vmem>> -> memref<512xf32, #tpu.memory_space<vmem>>
      %dma_start3A_15 = tpu.memref_slice %arg16[%mul3A_2] : memref<16384xf32, #tpu.memory_space<hbm>> -> memref<512xf32, #tpu.memory_space<hbm>>
      %dma_start3A_16 = tpu.memref_slice %arg16[%mul3A_2] : memref<16384xf32, #tpu.memory_space<hbm>> -> memref<512xf32, #tpu.memory_space<hbm>>
      %dma_start3A_17 = arith.constant 3072 : i32
      %dma_start3A_18 = tpu.memref_slice %arg33[%dma_start3A_17] : memref<4608xf32, #tpu.memory_space<vmem>> -> memref<512xf32, #tpu.memory_space<vmem>>
      tpu.enqueue_dma source(%dma_start3A_18 : memref<512xf32, #tpu.memory_space<vmem>>) target(%dma_start3A_16 : memref<512xf32, #tpu.memory_space<hbm>>) target_semaphore(%run_scoped3A : memref<!tpu.dma_semaphore, #tpu.memory_space<semaphore_mem>>)
      %dma_wait3A = arith.constant 3072 : i32
      %dma_wait3A_19 = tpu.memref_slice %arg33[%dma_wait3A] : memref<4608xf32, #tpu.memory_space<vmem>> -> memref<512xf32, #tpu.memory_space<vmem>>
      %dma_wait3A_20 = tpu.memref_slice %arg16[%mul3A_2] : memref<16384xf32, #tpu.memory_space<hbm>> -> memref<512xf32, #tpu.memory_space<hbm>>
      %dma_wait3A_21 = tpu.memref_slice %arg16[%mul3A_2] : memref<16384xf32, #tpu.memory_space<hbm>> -> memref<512xf32, #tpu.memory_space<hbm>>
      %dma_wait3A_22 = arith.constant 3072 : i32
      %dma_wait3A_23 = tpu.memref_slice %arg33[%dma_wait3A_22] : memref<4608xf32, #tpu.memory_space<vmem>> -> memref<512xf32, #tpu.memory_space<vmem>>
      tpu.wait_dma2 semaphore(%run_scoped3A : memref<!tpu.dma_semaphore, #tpu.memory_space<semaphore_mem>>) src(%dma_wait3A_23 : memref<512xf32, #tpu.memory_space<vmem>>) dst(%dma_wait3A_21 : memref<512xf32, #tpu.memory_space<hbm>>)
      tpu.yield
    }) : () -> ()
    "tpu.region"() ({
      %run_scoped3A = tpu.sem_alloc : memref<!tpu.dma_semaphore, #tpu.memory_space<semaphore_mem>>
      %dma_start3A = arith.constant 3584 : i32
      %dma_start3A_14 = tpu.memref_slice %arg33[%dma_start3A] : memref<4608xf32, #tpu.memory_space<vmem>> -> memref<512xf32, #tpu.memory_space<vmem>>
      %dma_start3A_15 = tpu.memref_slice %arg17[%mul3A_2] : memref<16384xf32, #tpu.memory_space<hbm>> -> memref<512xf32, #tpu.memory_space<hbm>>
      %dma_start3A_16 = tpu.memref_slice %arg17[%mul3A_2] : memref<16384xf32, #tpu.memory_space<hbm>> -> memref<512xf32, #tpu.memory_space<hbm>>
      %dma_start3A_17 = arith.constant 3584 : i32
      %dma_start3A_18 = tpu.memref_slice %arg33[%dma_start3A_17] : memref<4608xf32, #tpu.memory_space<vmem>> -> memref<512xf32, #tpu.memory_space<vmem>>
      tpu.enqueue_dma source(%dma_start3A_18 : memref<512xf32, #tpu.memory_space<vmem>>) target(%dma_start3A_16 : memref<512xf32, #tpu.memory_space<hbm>>) target_semaphore(%run_scoped3A : memref<!tpu.dma_semaphore, #tpu.memory_space<semaphore_mem>>)
      %dma_wait3A = arith.constant 3584 : i32
      %dma_wait3A_19 = tpu.memref_slice %arg33[%dma_wait3A] : memref<4608xf32, #tpu.memory_space<vmem>> -> memref<512xf32, #tpu.memory_space<vmem>>
      %dma_wait3A_20 = tpu.memref_slice %arg17[%mul3A_2] : memref<16384xf32, #tpu.memory_space<hbm>> -> memref<512xf32, #tpu.memory_space<hbm>>
      %dma_wait3A_21 = tpu.memref_slice %arg17[%mul3A_2] : memref<16384xf32, #tpu.memory_space<hbm>> -> memref<512xf32, #tpu.memory_space<hbm>>
      %dma_wait3A_22 = arith.constant 3584 : i32
      %dma_wait3A_23 = tpu.memref_slice %arg33[%dma_wait3A_22] : memref<4608xf32, #tpu.memory_space<vmem>> -> memref<512xf32, #tpu.memory_space<vmem>>
      tpu.wait_dma2 semaphore(%run_scoped3A : memref<!tpu.dma_semaphore, #tpu.memory_space<semaphore_mem>>) src(%dma_wait3A_23 : memref<512xf32, #tpu.memory_space<vmem>>) dst(%dma_wait3A_21 : memref<512xf32, #tpu.memory_space<hbm>>)
      tpu.yield
    }) : () -> ()
    "tpu.region"() ({
      %run_scoped3A = tpu.sem_alloc : memref<!tpu.dma_semaphore, #tpu.memory_space<semaphore_mem>>
      %dma_start3A = arith.constant 4096 : i32
      %dma_start3A_14 = tpu.memref_slice %arg33[%dma_start3A] : memref<4608xf32, #tpu.memory_space<vmem>> -> memref<512xf32, #tpu.memory_space<vmem>>
      %dma_start3A_15 = tpu.memref_slice %arg18[%mul3A_2] : memref<16384xf32, #tpu.memory_space<hbm>> -> memref<512xf32, #tpu.memory_space<hbm>>
      %dma_start3A_16 = tpu.memref_slice %arg18[%mul3A_2] : memref<16384xf32, #tpu.memory_space<hbm>> -> memref<512xf32, #tpu.memory_space<hbm>>
      %dma_start3A_17 = arith.constant 4096 : i32
      %dma_start3A_18 = tpu.memref_slice %arg33[%dma_start3A_17] : memref<4608xf32, #tpu.memory_space<vmem>> -> memref<512xf32, #tpu.memory_space<vmem>>
      tpu.enqueue_dma source(%dma_start3A_18 : memref<512xf32, #tpu.memory_space<vmem>>) target(%dma_start3A_16 : memref<512xf32, #tpu.memory_space<hbm>>) target_semaphore(%run_scoped3A : memref<!tpu.dma_semaphore, #tpu.memory_space<semaphore_mem>>)
      %dma_wait3A = arith.constant 4096 : i32
      %dma_wait3A_19 = tpu.memref_slice %arg33[%dma_wait3A] : memref<4608xf32, #tpu.memory_space<vmem>> -> memref<512xf32, #tpu.memory_space<vmem>>
      %dma_wait3A_20 = tpu.memref_slice %arg18[%mul3A_2] : memref<16384xf32, #tpu.memory_space<hbm>> -> memref<512xf32, #tpu.memory_space<hbm>>
      %dma_wait3A_21 = tpu.memref_slice %arg18[%mul3A_2] : memref<16384xf32, #tpu.memory_space<hbm>> -> memref<512xf32, #tpu.memory_space<hbm>>
      %dma_wait3A_22 = arith.constant 4096 : i32
      %dma_wait3A_23 = tpu.memref_slice %arg33[%dma_wait3A_22] : memref<4608xf32, #tpu.memory_space<vmem>> -> memref<512xf32, #tpu.memory_space<vmem>>
      tpu.wait_dma2 semaphore(%run_scoped3A : memref<!tpu.dma_semaphore, #tpu.memory_space<semaphore_mem>>) src(%dma_wait3A_23 : memref<512xf32, #tpu.memory_space<vmem>>) dst(%dma_wait3A_21 : memref<512xf32, #tpu.memory_space<hbm>>)
      tpu.yield
    }) : () -> ()
    "tpu.region"() ({
      %run_scoped3A = tpu.sem_alloc : memref<!tpu.dma_semaphore, #tpu.memory_space<semaphore_mem>>
      %dma_start3A = arith.constant 0 : i32
      %dma_start3A_14 = tpu.memref_slice %arg34[%dma_start3A] : memref<4608xf32, #tpu.memory_space<vmem>> -> memref<768xf32, #tpu.memory_space<vmem>>
      %dma_start3A_15 = tpu.memref_slice %arg19[%mul3A_4] : memref<24576xf32, #tpu.memory_space<hbm>> -> memref<768xf32, #tpu.memory_space<hbm>>
      %dma_start3A_16 = tpu.memref_slice %arg19[%mul3A_4] : memref<24576xf32, #tpu.memory_space<hbm>> -> memref<768xf32, #tpu.memory_space<hbm>>
      %dma_start3A_17 = arith.constant 0 : i32
      %dma_start3A_18 = tpu.memref_slice %arg34[%dma_start3A_17] : memref<4608xf32, #tpu.memory_space<vmem>> -> memref<768xf32, #tpu.memory_space<vmem>>
      tpu.enqueue_dma source(%dma_start3A_18 : memref<768xf32, #tpu.memory_space<vmem>>) target(%dma_start3A_16 : memref<768xf32, #tpu.memory_space<hbm>>) target_semaphore(%run_scoped3A : memref<!tpu.dma_semaphore, #tpu.memory_space<semaphore_mem>>)
      %dma_wait3A = arith.constant 0 : i32
      %dma_wait3A_19 = tpu.memref_slice %arg34[%dma_wait3A] : memref<4608xf32, #tpu.memory_space<vmem>> -> memref<768xf32, #tpu.memory_space<vmem>>
      %dma_wait3A_20 = tpu.memref_slice %arg19[%mul3A_4] : memref<24576xf32, #tpu.memory_space<hbm>> -> memref<768xf32, #tpu.memory_space<hbm>>
      %dma_wait3A_21 = tpu.memref_slice %arg19[%mul3A_4] : memref<24576xf32, #tpu.memory_space<hbm>> -> memref<768xf32, #tpu.memory_space<hbm>>
      %dma_wait3A_22 = arith.constant 0 : i32
      %dma_wait3A_23 = tpu.memref_slice %arg34[%dma_wait3A_22] : memref<4608xf32, #tpu.memory_space<vmem>> -> memref<768xf32, #tpu.memory_space<vmem>>
      tpu.wait_dma2 semaphore(%run_scoped3A : memref<!tpu.dma_semaphore, #tpu.memory_space<semaphore_mem>>) src(%dma_wait3A_23 : memref<768xf32, #tpu.memory_space<vmem>>) dst(%dma_wait3A_21 : memref<768xf32, #tpu.memory_space<hbm>>)
      tpu.yield
    }) : () -> ()
    "tpu.region"() ({
      %run_scoped3A = tpu.sem_alloc : memref<!tpu.dma_semaphore, #tpu.memory_space<semaphore_mem>>
      %dma_start3A = arith.constant 768 : i32
      %dma_start3A_14 = tpu.memref_slice %arg34[%dma_start3A] : memref<4608xf32, #tpu.memory_space<vmem>> -> memref<768xf32, #tpu.memory_space<vmem>>
      %dma_start3A_15 = tpu.memref_slice %arg20[%mul3A_4] : memref<24576xf32, #tpu.memory_space<hbm>> -> memref<768xf32, #tpu.memory_space<hbm>>
      %dma_start3A_16 = tpu.memref_slice %arg20[%mul3A_4] : memref<24576xf32, #tpu.memory_space<hbm>> -> memref<768xf32, #tpu.memory_space<hbm>>
      %dma_start3A_17 = arith.constant 768 : i32
      %dma_start3A_18 = tpu.memref_slice %arg34[%dma_start3A_17] : memref<4608xf32, #tpu.memory_space<vmem>> -> memref<768xf32, #tpu.memory_space<vmem>>
      tpu.enqueue_dma source(%dma_start3A_18 : memref<768xf32, #tpu.memory_space<vmem>>) target(%dma_start3A_16 : memref<768xf32, #tpu.memory_space<hbm>>) target_semaphore(%run_scoped3A : memref<!tpu.dma_semaphore, #tpu.memory_space<semaphore_mem>>)
      %dma_wait3A = arith.constant 768 : i32
      %dma_wait3A_19 = tpu.memref_slice %arg34[%dma_wait3A] : memref<4608xf32, #tpu.memory_space<vmem>> -> memref<768xf32, #tpu.memory_space<vmem>>
      %dma_wait3A_20 = tpu.memref_slice %arg20[%mul3A_4] : memref<24576xf32, #tpu.memory_space<hbm>> -> memref<768xf32, #tpu.memory_space<hbm>>
      %dma_wait3A_21 = tpu.memref_slice %arg20[%mul3A_4] : memref<24576xf32, #tpu.memory_space<hbm>> -> memref<768xf32, #tpu.memory_space<hbm>>
      %dma_wait3A_22 = arith.constant 768 : i32
      %dma_wait3A_23 = tpu.memref_slice %arg34[%dma_wait3A_22] : memref<4608xf32, #tpu.memory_space<vmem>> -> memref<768xf32, #tpu.memory_space<vmem>>
      tpu.wait_dma2 semaphore(%run_scoped3A : memref<!tpu.dma_semaphore, #tpu.memory_space<semaphore_mem>>) src(%dma_wait3A_23 : memref<768xf32, #tpu.memory_space<vmem>>) dst(%dma_wait3A_21 : memref<768xf32, #tpu.memory_space<hbm>>)
      tpu.yield
    }) : () -> ()
    "tpu.region"() ({
      %run_scoped3A = tpu.sem_alloc : memref<!tpu.dma_semaphore, #tpu.memory_space<semaphore_mem>>
      %dma_start3A = arith.constant 1536 : i32
      %dma_start3A_14 = tpu.memref_slice %arg34[%dma_start3A] : memref<4608xf32, #tpu.memory_space<vmem>> -> memref<768xf32, #tpu.memory_space<vmem>>
      %dma_start3A_15 = tpu.memref_slice %arg21[%mul3A_4] : memref<24576xf32, #tpu.memory_space<hbm>> -> memref<768xf32, #tpu.memory_space<hbm>>
      %dma_start3A_16 = tpu.memref_slice %arg21[%mul3A_4] : memref<24576xf32, #tpu.memory_space<hbm>> -> memref<768xf32, #tpu.memory_space<hbm>>
      %dma_start3A_17 = arith.constant 1536 : i32
      %dma_start3A_18 = tpu.memref_slice %arg34[%dma_start3A_17] : memref<4608xf32, #tpu.memory_space<vmem>> -> memref<768xf32, #tpu.memory_space<vmem>>
      tpu.enqueue_dma source(%dma_start3A_18 : memref<768xf32, #tpu.memory_space<vmem>>) target(%dma_start3A_16 : memref<768xf32, #tpu.memory_space<hbm>>) target_semaphore(%run_scoped3A : memref<!tpu.dma_semaphore, #tpu.memory_space<semaphore_mem>>)
      %dma_wait3A = arith.constant 1536 : i32
      %dma_wait3A_19 = tpu.memref_slice %arg34[%dma_wait3A] : memref<4608xf32, #tpu.memory_space<vmem>> -> memref<768xf32, #tpu.memory_space<vmem>>
      %dma_wait3A_20 = tpu.memref_slice %arg21[%mul3A_4] : memref<24576xf32, #tpu.memory_space<hbm>> -> memref<768xf32, #tpu.memory_space<hbm>>
      %dma_wait3A_21 = tpu.memref_slice %arg21[%mul3A_4] : memref<24576xf32, #tpu.memory_space<hbm>> -> memref<768xf32, #tpu.memory_space<hbm>>
      %dma_wait3A_22 = arith.constant 1536 : i32
      %dma_wait3A_23 = tpu.memref_slice %arg34[%dma_wait3A_22] : memref<4608xf32, #tpu.memory_space<vmem>> -> memref<768xf32, #tpu.memory_space<vmem>>
      tpu.wait_dma2 semaphore(%run_scoped3A : memref<!tpu.dma_semaphore, #tpu.memory_space<semaphore_mem>>) src(%dma_wait3A_23 : memref<768xf32, #tpu.memory_space<vmem>>) dst(%dma_wait3A_21 : memref<768xf32, #tpu.memory_space<hbm>>)
      tpu.yield
    }) : () -> ()
    "tpu.region"() ({
      %run_scoped3A = tpu.sem_alloc : memref<!tpu.dma_semaphore, #tpu.memory_space<semaphore_mem>>
      %dma_start3A = arith.constant 2304 : i32
      %dma_start3A_14 = tpu.memref_slice %arg34[%dma_start3A] : memref<4608xf32, #tpu.memory_space<vmem>> -> memref<768xf32, #tpu.memory_space<vmem>>
      %dma_start3A_15 = tpu.memref_slice %arg22[%mul3A_4] : memref<24576xf32, #tpu.memory_space<hbm>> -> memref<768xf32, #tpu.memory_space<hbm>>
      %dma_start3A_16 = tpu.memref_slice %arg22[%mul3A_4] : memref<24576xf32, #tpu.memory_space<hbm>> -> memref<768xf32, #tpu.memory_space<hbm>>
      %dma_start3A_17 = arith.constant 2304 : i32
      %dma_start3A_18 = tpu.memref_slice %arg34[%dma_start3A_17] : memref<4608xf32, #tpu.memory_space<vmem>> -> memref<768xf32, #tpu.memory_space<vmem>>
      tpu.enqueue_dma source(%dma_start3A_18 : memref<768xf32, #tpu.memory_space<vmem>>) target(%dma_start3A_16 : memref<768xf32, #tpu.memory_space<hbm>>) target_semaphore(%run_scoped3A : memref<!tpu.dma_semaphore, #tpu.memory_space<semaphore_mem>>)
      %dma_wait3A = arith.constant 2304 : i32
      %dma_wait3A_19 = tpu.memref_slice %arg34[%dma_wait3A] : memref<4608xf32, #tpu.memory_space<vmem>> -> memref<768xf32, #tpu.memory_space<vmem>>
      %dma_wait3A_20 = tpu.memref_slice %arg22[%mul3A_4] : memref<24576xf32, #tpu.memory_space<hbm>> -> memref<768xf32, #tpu.memory_space<hbm>>
      %dma_wait3A_21 = tpu.memref_slice %arg22[%mul3A_4] : memref<24576xf32, #tpu.memory_space<hbm>> -> memref<768xf32, #tpu.memory_space<hbm>>
      %dma_wait3A_22 = arith.constant 2304 : i32
      %dma_wait3A_23 = tpu.memref_slice %arg34[%dma_wait3A_22] : memref<4608xf32, #tpu.memory_space<vmem>> -> memref<768xf32, #tpu.memory_space<vmem>>
      tpu.wait_dma2 semaphore(%run_scoped3A : memref<!tpu.dma_semaphore, #tpu.memory_space<semaphore_mem>>) src(%dma_wait3A_23 : memref<768xf32, #tpu.memory_space<vmem>>) dst(%dma_wait3A_21 : memref<768xf32, #tpu.memory_space<hbm>>)
      tpu.yield
    }) : () -> ()
    "tpu.region"() ({
      %run_scoped3A = tpu.sem_alloc : memref<!tpu.dma_semaphore, #tpu.memory_space<semaphore_mem>>
      %dma_start3A = arith.constant 3072 : i32
      %dma_start3A_14 = tpu.memref_slice %arg34[%dma_start3A] : memref<4608xf32, #tpu.memory_space<vmem>> -> memref<768xf32, #tpu.memory_space<vmem>>
      %dma_start3A_15 = tpu.memref_slice %arg23[%mul3A_4] : memref<24576xf32, #tpu.memory_space<hbm>> -> memref<768xf32, #tpu.memory_space<hbm>>
      %dma_start3A_16 = tpu.memref_slice %arg23[%mul3A_4] : memref<24576xf32, #tpu.memory_space<hbm>> -> memref<768xf32, #tpu.memory_space<hbm>>
      %dma_start3A_17 = arith.constant 3072 : i32
      %dma_start3A_18 = tpu.memref_slice %arg34[%dma_start3A_17] : memref<4608xf32, #tpu.memory_space<vmem>> -> memref<768xf32, #tpu.memory_space<vmem>>
      tpu.enqueue_dma source(%dma_start3A_18 : memref<768xf32, #tpu.memory_space<vmem>>) target(%dma_start3A_16 : memref<768xf32, #tpu.memory_space<hbm>>) target_semaphore(%run_scoped3A : memref<!tpu.dma_semaphore, #tpu.memory_space<semaphore_mem>>)
      %dma_wait3A = arith.constant 3072 : i32
      %dma_wait3A_19 = tpu.memref_slice %arg34[%dma_wait3A] : memref<4608xf32, #tpu.memory_space<vmem>> -> memref<768xf32, #tpu.memory_space<vmem>>
      %dma_wait3A_20 = tpu.memref_slice %arg23[%mul3A_4] : memref<24576xf32, #tpu.memory_space<hbm>> -> memref<768xf32, #tpu.memory_space<hbm>>
      %dma_wait3A_21 = tpu.memref_slice %arg23[%mul3A_4] : memref<24576xf32, #tpu.memory_space<hbm>> -> memref<768xf32, #tpu.memory_space<hbm>>
      %dma_wait3A_22 = arith.constant 3072 : i32
      %dma_wait3A_23 = tpu.memref_slice %arg34[%dma_wait3A_22] : memref<4608xf32, #tpu.memory_space<vmem>> -> memref<768xf32, #tpu.memory_space<vmem>>
      tpu.wait_dma2 semaphore(%run_scoped3A : memref<!tpu.dma_semaphore, #tpu.memory_space<semaphore_mem>>) src(%dma_wait3A_23 : memref<768xf32, #tpu.memory_space<vmem>>) dst(%dma_wait3A_21 : memref<768xf32, #tpu.memory_space<hbm>>)
      tpu.yield
    }) : () -> ()
    "tpu.region"() ({
      %run_scoped3A = tpu.sem_alloc : memref<!tpu.dma_semaphore, #tpu.memory_space<semaphore_mem>>
      %dma_start3A = arith.constant 3840 : i32
      %dma_start3A_14 = tpu.memref_slice %arg34[%dma_start3A] : memref<4608xf32, #tpu.memory_space<vmem>> -> memref<768xf32, #tpu.memory_space<vmem>>
      %dma_start3A_15 = tpu.memref_slice %arg24[%mul3A_4] : memref<24576xf32, #tpu.memory_space<hbm>> -> memref<768xf32, #tpu.memory_space<hbm>>
      %dma_start3A_16 = tpu.memref_slice %arg24[%mul3A_4] : memref<24576xf32, #tpu.memory_space<hbm>> -> memref<768xf32, #tpu.memory_space<hbm>>
      %dma_start3A_17 = arith.constant 3840 : i32
      %dma_start3A_18 = tpu.memref_slice %arg34[%dma_start3A_17] : memref<4608xf32, #tpu.memory_space<vmem>> -> memref<768xf32, #tpu.memory_space<vmem>>
      tpu.enqueue_dma source(%dma_start3A_18 : memref<768xf32, #tpu.memory_space<vmem>>) target(%dma_start3A_16 : memref<768xf32, #tpu.memory_space<hbm>>) target_semaphore(%run_scoped3A : memref<!tpu.dma_semaphore, #tpu.memory_space<semaphore_mem>>)
      %dma_wait3A = arith.constant 3840 : i32
      %dma_wait3A_19 = tpu.memref_slice %arg34[%dma_wait3A] : memref<4608xf32, #tpu.memory_space<vmem>> -> memref<768xf32, #tpu.memory_space<vmem>>
      %dma_wait3A_20 = tpu.memref_slice %arg24[%mul3A_4] : memref<24576xf32, #tpu.memory_space<hbm>> -> memref<768xf32, #tpu.memory_space<hbm>>
      %dma_wait3A_21 = tpu.memref_slice %arg24[%mul3A_4] : memref<24576xf32, #tpu.memory_space<hbm>> -> memref<768xf32, #tpu.memory_space<hbm>>
      %dma_wait3A_22 = arith.constant 3840 : i32
      %dma_wait3A_23 = tpu.memref_slice %arg34[%dma_wait3A_22] : memref<4608xf32, #tpu.memory_space<vmem>> -> memref<768xf32, #tpu.memory_space<vmem>>
      tpu.wait_dma2 semaphore(%run_scoped3A : memref<!tpu.dma_semaphore, #tpu.memory_space<semaphore_mem>>) src(%dma_wait3A_23 : memref<768xf32, #tpu.memory_space<vmem>>) dst(%dma_wait3A_21 : memref<768xf32, #tpu.memory_space<hbm>>)
      tpu.yield
    }) : () -> ()
    return
  }
}

#map = affine_map<(d0, d1) -> (0)>
module attributes {stable_mosaic.version = 14 : i64} {
  func.func @_sc2_body(%arg0: i32, %arg1: i32, %arg2: memref<16384xf32, #tpu.memory_space<hbm>>, %arg3: memref<16xf32, #tpu.memory_space<hbm>>, %arg4: memref<4096xf32, #tpu.memory_space<hbm>>, %arg5: memref<16384xi32, #tpu.memory_space<hbm>>, %arg6: memref<16384xi32, #tpu.memory_space<hbm>>, %arg7: memref<16384xi32, #tpu.memory_space<hbm>>, %arg8: memref<8000xf32, #tpu.memory_space<hbm>>, %arg9: memref<8000xf32, #tpu.memory_space<hbm>>, %arg10: memref<8000xf32, #tpu.memory_space<hbm>>, %arg11: memref<8000xi32, #tpu.memory_space<hbm>>, %arg12: memref<24576xi32, #tpu.memory_space<hbm>>, %arg13: memref<4000xf32, #tpu.memory_space<hbm>>, %arg14: memref<4000xf32, #tpu.memory_space<hbm>>, %arg15: memref<4000xf32, #tpu.memory_space<hbm>>, %arg16: memref<4096xf32, #tpu.memory_space<hbm>>, %arg17: memref<4096xf32, #tpu.memory_space<hbm>>, %arg18: memref<4096xf32, #tpu.memory_space<hbm>>, %arg19: memref<4096xf32, #tpu.memory_space<hbm>>, %arg20: memref<4096xf32, #tpu.memory_space<hbm>>, %arg21: memref<4096xf32, #tpu.memory_space<hbm>>, %arg22: memref<4096xf32, #tpu.memory_space<hbm>>, %arg23: memref<4096xf32, #tpu.memory_space<hbm>>, %arg24: memref<4096xf32, #tpu.memory_space<hbm>>, %arg25: memref<24576xf32, #tpu.memory_space<hbm>>, %arg26: memref<24576xf32, #tpu.memory_space<hbm>>, %arg27: memref<24576xf32, #tpu.memory_space<hbm>>, %arg28: memref<16384xf32, #tpu.memory_space<vmem>>, %arg29: memref<16384xi32, #tpu.memory_space<vmem>>, %arg30: memref<16384xi32, #tpu.memory_space<vmem>>, %arg31: memref<16384xi32, #tpu.memory_space<vmem>>, %arg32: memref<8000xf32, #tpu.memory_space<vmem>>, %arg33: memref<8000xf32, #tpu.memory_space<vmem>>, %arg34: memref<8000xf32, #tpu.memory_space<vmem>>, %arg35: memref<8000xi32, #tpu.memory_space<vmem>>, %arg36: memref<4000xf32, #tpu.memory_space<vmem>>, %arg37: memref<4000xf32, #tpu.memory_space<vmem>>, %arg38: memref<4000xf32, #tpu.memory_space<vmem>>, %arg39: memref<256xf32, #tpu.memory_space<vmem>>, %arg40: memref<1536xi32, #tpu.memory_space<vmem>>, %arg41: memref<2304xf32, #tpu.memory_space<vmem>>, %arg42: memref<4608xf32, #tpu.memory_space<vmem>>, %arg43: memref<16xf32, #tpu.memory_space<vmem>>) attributes {dimension_semantics = [#tpu.dimension_semantics<core_parallel>, #tpu.dimension_semantics<subcore_parallel>], iteration_bounds = array<i64: 2, 16>, scalar_prefetch = 0 : i64, scratch_operands = 16 : i64, tpu.core_type = #tpu.core_type<sc_vector_subcore>, window_params = [{transform_indices = #map}, {transform_indices = #map}, {transform_indices = #map}, {transform_indices = #map}, {transform_indices = #map}, {transform_indices = #map}, {transform_indices = #map}, {transform_indices = #map}, {transform_indices = #map}, {transform_indices = #map}, {transform_indices = #map}, {transform_indices = #map}, {transform_indices = #map}, {transform_indices = #map}, {transform_indices = #map}, {transform_indices = #map}, {transform_indices = #map}, {transform_indices = #map}, {transform_indices = #map}, {transform_indices = #map}, {transform_indices = #map}, {transform_indices = #map}, {transform_indices = #map}, {transform_indices = #map}, {transform_indices = #map}, {transform_indices = #map}]} {
    %mul3A = arith.constant 2 : i32
    %mul3A_0 = arith.muli %arg1, %mul3A : i32
    %add3A = arith.addi %mul3A_0, %arg0 : i32
    %lt3A = arith.constant 16 : i32
    %lt3A_1 = arith.cmpi slt, %add3A, %lt3A : i32
    %convert_element_type3A = arith.extui %lt3A_1 : i1 to i32
    %cond3A = arith.constant 0 : i32
    %cond3A_2 = arith.cmpi ne, %convert_element_type3A, %cond3A : i32
    scf.if %cond3A_2 {
      "tpu.region"() ({
        %run_scoped3A = tpu.sem_alloc : memref<!tpu.dma_semaphore, #tpu.memory_space<semaphore_mem>>
        tpu.enqueue_dma source(%arg2 : memref<16384xf32, #tpu.memory_space<hbm>>) target(%arg28 : memref<16384xf32, #tpu.memory_space<vmem>>) target_semaphore(%run_scoped3A : memref<!tpu.dma_semaphore, #tpu.memory_space<semaphore_mem>>)
        tpu.wait_dma2 semaphore(%run_scoped3A : memref<!tpu.dma_semaphore, #tpu.memory_space<semaphore_mem>>) src(%arg2 : memref<16384xf32, #tpu.memory_space<hbm>>) dst(%arg28 : memref<16384xf32, #tpu.memory_space<vmem>>)
        tpu.yield
      }) : () -> ()
      "tpu.region"() ({
        %run_scoped3A = tpu.sem_alloc : memref<!tpu.dma_semaphore, #tpu.memory_space<semaphore_mem>>
        tpu.enqueue_dma source(%arg5 : memref<16384xi32, #tpu.memory_space<hbm>>) target(%arg29 : memref<16384xi32, #tpu.memory_space<vmem>>) target_semaphore(%run_scoped3A : memref<!tpu.dma_semaphore, #tpu.memory_space<semaphore_mem>>)
        tpu.wait_dma2 semaphore(%run_scoped3A : memref<!tpu.dma_semaphore, #tpu.memory_space<semaphore_mem>>) src(%arg5 : memref<16384xi32, #tpu.memory_space<hbm>>) dst(%arg29 : memref<16384xi32, #tpu.memory_space<vmem>>)
        tpu.yield
      }) : () -> ()
      "tpu.region"() ({
        %run_scoped3A = tpu.sem_alloc : memref<!tpu.dma_semaphore, #tpu.memory_space<semaphore_mem>>
        tpu.enqueue_dma source(%arg6 : memref<16384xi32, #tpu.memory_space<hbm>>) target(%arg30 : memref<16384xi32, #tpu.memory_space<vmem>>) target_semaphore(%run_scoped3A : memref<!tpu.dma_semaphore, #tpu.memory_space<semaphore_mem>>)
        tpu.wait_dma2 semaphore(%run_scoped3A : memref<!tpu.dma_semaphore, #tpu.memory_space<semaphore_mem>>) src(%arg6 : memref<16384xi32, #tpu.memory_space<hbm>>) dst(%arg30 : memref<16384xi32, #tpu.memory_space<vmem>>)
        tpu.yield
      }) : () -> ()
      "tpu.region"() ({
        %run_scoped3A = tpu.sem_alloc : memref<!tpu.dma_semaphore, #tpu.memory_space<semaphore_mem>>
        tpu.enqueue_dma source(%arg7 : memref<16384xi32, #tpu.memory_space<hbm>>) target(%arg31 : memref<16384xi32, #tpu.memory_space<vmem>>) target_semaphore(%run_scoped3A : memref<!tpu.dma_semaphore, #tpu.memory_space<semaphore_mem>>)
        tpu.wait_dma2 semaphore(%run_scoped3A : memref<!tpu.dma_semaphore, #tpu.memory_space<semaphore_mem>>) src(%arg7 : memref<16384xi32, #tpu.memory_space<hbm>>) dst(%arg31 : memref<16384xi32, #tpu.memory_space<vmem>>)
        tpu.yield
      }) : () -> ()
      "tpu.region"() ({
        %run_scoped3A = tpu.sem_alloc : memref<!tpu.dma_semaphore, #tpu.memory_space<semaphore_mem>>
        tpu.enqueue_dma source(%arg8 : memref<8000xf32, #tpu.memory_space<hbm>>) target(%arg32 : memref<8000xf32, #tpu.memory_space<vmem>>) target_semaphore(%run_scoped3A : memref<!tpu.dma_semaphore, #tpu.memory_space<semaphore_mem>>)
        tpu.wait_dma2 semaphore(%run_scoped3A : memref<!tpu.dma_semaphore, #tpu.memory_space<semaphore_mem>>) src(%arg8 : memref<8000xf32, #tpu.memory_space<hbm>>) dst(%arg32 : memref<8000xf32, #tpu.memory_space<vmem>>)
        tpu.yield
      }) : () -> ()
      "tpu.region"() ({
        %run_scoped3A = tpu.sem_alloc : memref<!tpu.dma_semaphore, #tpu.memory_space<semaphore_mem>>
        tpu.enqueue_dma source(%arg9 : memref<8000xf32, #tpu.memory_space<hbm>>) target(%arg33 : memref<8000xf32, #tpu.memory_space<vmem>>) target_semaphore(%run_scoped3A : memref<!tpu.dma_semaphore, #tpu.memory_space<semaphore_mem>>)
        tpu.wait_dma2 semaphore(%run_scoped3A : memref<!tpu.dma_semaphore, #tpu.memory_space<semaphore_mem>>) src(%arg9 : memref<8000xf32, #tpu.memory_space<hbm>>) dst(%arg33 : memref<8000xf32, #tpu.memory_space<vmem>>)
        tpu.yield
      }) : () -> ()
      "tpu.region"() ({
        %run_scoped3A = tpu.sem_alloc : memref<!tpu.dma_semaphore, #tpu.memory_space<semaphore_mem>>
        tpu.enqueue_dma source(%arg10 : memref<8000xf32, #tpu.memory_space<hbm>>) target(%arg34 : memref<8000xf32, #tpu.memory_space<vmem>>) target_semaphore(%run_scoped3A : memref<!tpu.dma_semaphore, #tpu.memory_space<semaphore_mem>>)
        tpu.wait_dma2 semaphore(%run_scoped3A : memref<!tpu.dma_semaphore, #tpu.memory_space<semaphore_mem>>) src(%arg10 : memref<8000xf32, #tpu.memory_space<hbm>>) dst(%arg34 : memref<8000xf32, #tpu.memory_space<vmem>>)
        tpu.yield
      }) : () -> ()
      %mul3A_7 = arith.constant 256 : i32
      %mul3A_8 = arith.muli %add3A, %mul3A_7 : i32
      "tpu.region"() ({
        %run_scoped3A = tpu.sem_alloc : memref<!tpu.dma_semaphore, #tpu.memory_space<semaphore_mem>>
        %dma_start3A = tpu.memref_slice %arg4[%mul3A_8] : memref<4096xf32, #tpu.memory_space<hbm>> -> memref<256xf32, #tpu.memory_space<hbm>>
        %dma_start3A_14 = tpu.memref_slice %arg4[%mul3A_8] : memref<4096xf32, #tpu.memory_space<hbm>> -> memref<256xf32, #tpu.memory_space<hbm>>
        tpu.enqueue_dma source(%dma_start3A_14 : memref<256xf32, #tpu.memory_space<hbm>>) target(%arg39 : memref<256xf32, #tpu.memory_space<vmem>>) target_semaphore(%run_scoped3A : memref<!tpu.dma_semaphore, #tpu.memory_space<semaphore_mem>>)
        %dma_wait3A = tpu.memref_slice %arg4[%mul3A_8] : memref<4096xf32, #tpu.memory_space<hbm>> -> memref<256xf32, #tpu.memory_space<hbm>>
        %dma_wait3A_15 = tpu.memref_slice %arg4[%mul3A_8] : memref<4096xf32, #tpu.memory_space<hbm>> -> memref<256xf32, #tpu.memory_space<hbm>>
        tpu.wait_dma2 semaphore(%run_scoped3A : memref<!tpu.dma_semaphore, #tpu.memory_space<semaphore_mem>>) src(%dma_wait3A_15 : memref<256xf32, #tpu.memory_space<hbm>>) dst(%arg39 : memref<256xf32, #tpu.memory_space<vmem>>)
        tpu.yield
      }) : () -> ()
      "tpu.region"() ({
        %run_scoped3A = tpu.sem_alloc : memref<!tpu.dma_semaphore, #tpu.memory_space<semaphore_mem>>
        tpu.enqueue_dma source(%arg3 : memref<16xf32, #tpu.memory_space<hbm>>) target(%arg43 : memref<16xf32, #tpu.memory_space<vmem>>) target_semaphore(%run_scoped3A : memref<!tpu.dma_semaphore, #tpu.memory_space<semaphore_mem>>)
        tpu.wait_dma2 semaphore(%run_scoped3A : memref<!tpu.dma_semaphore, #tpu.memory_space<semaphore_mem>>) src(%arg3 : memref<16xf32, #tpu.memory_space<hbm>>) dst(%arg43 : memref<16xf32, #tpu.memory_space<vmem>>)
        tpu.yield
      }) : () -> ()
      %get3A = arith.constant 0 : index
      %get3A_9 = tpu.vector_load %arg43[%get3A] {strides = array<i32>} : memref<16xf32, #tpu.memory_space<vmem>>, vector<16xf32>,
      %scan3A = arith.constant 0 : i32
      %scan3A_10 = arith.constant 16 : i32
      %scan3A_11 = arith.addi %scan3A, %scan3A_10 : i32
      %scan3A_12 = arith.constant 1 : i32
      scf.for %scan3A_14 = %scan3A to %scan3A_11 step %scan3A_12  : i32 {
        %mul3A_15 = arith.constant 16 : i32
        %mul3A_16 = arith.muli %scan3A_14, %mul3A_15 : i32
        %add3A_17 = arith.constant 0 : i32
        %add3A_18 = arith.addi %add3A_17, %mul3A_16 : i32
        %get3A_19 = arith.index_cast %add3A_18 : i32 to index
        %get3A_20 = tpu.vector_load %arg39[%get3A_19] {strides = array<i32>} : memref<256xf32, #tpu.memory_space<vmem>>, vector<16xf32>,
        %mul3A_21 = arith.mulf %get3A_20, %get3A_9 : vector<16xf32>
        %broadcast_in_dim3A = arith.constant 0 : i32
        %broadcast_in_dim3A_22 = vector.broadcast %broadcast_in_dim3A : i32 to vector<16xi32>
        %add3A_23 = arith.constant 8191 : i32
        %add3A_24 = vector.broadcast %add3A_23 : i32 to vector<16xi32>
        %add3A_25 = arith.addi %broadcast_in_dim3A_22, %add3A_24 : vector<16xi32>
        %gather3A = tpu.vector_load_idx %arg28[%add3A_25] : memref<16384xf32, #tpu.memory_space<vmem>>[vector<16xi32>], vector<16xf32>,
        %lt3A_26 = arith.cmpf olt, %gather3A, %mul3A_21 : vector<16xf32>
        %add3A_27 = arith.constant 8192 : i32
        %add3A_28 = vector.broadcast %add3A_27 : i32 to vector<16xi32>
        %add3A_29 = arith.addi %broadcast_in_dim3A_22, %add3A_28 : vector<16xi32>
        %select_n3A = arith.select %lt3A_26, %add3A_29, %broadcast_in_dim3A_22 : vector<16xi1>, vector<16xi32>
        %add3A_30 = arith.constant 4095 : i32
        %add3A_31 = vector.broadcast %add3A_30 : i32 to vector<16xi32>
        %add3A_32 = arith.addi %select_n3A, %add3A_31 : vector<16xi32>
        %gather3A_33 = tpu.vector_load_idx %arg28[%add3A_32] : memref<16384xf32, #tpu.memory_space<vmem>>[vector<16xi32>], vector<16xf32>,
        %lt3A_34 = arith.cmpf olt, %gather3A_33, %mul3A_21 : vector<16xf32>
        %add3A_35 = arith.constant 4096 : i32
        %add3A_36 = vector.broadcast %add3A_35 : i32 to vector<16xi32>
        %add3A_37 = arith.addi %select_n3A, %add3A_36 : vector<16xi32>
        %select_n3A_38 = arith.select %lt3A_34, %add3A_37, %select_n3A : vector<16xi1>, vector<16xi32>
        %add3A_39 = arith.constant 2047 : i32
        %add3A_40 = vector.broadcast %add3A_39 : i32 to vector<16xi32>
        %add3A_41 = arith.addi %select_n3A_38, %add3A_40 : vector<16xi32>
        %gather3A_42 = tpu.vector_load_idx %arg28[%add3A_41] : memref<16384xf32, #tpu.memory_space<vmem>>[vector<16xi32>], vector<16xf32>,
        %lt3A_43 = arith.cmpf olt, %gather3A_42, %mul3A_21 : vector<16xf32>
        %add3A_44 = arith.constant 2048 : i32
        %add3A_45 = vector.broadcast %add3A_44 : i32 to vector<16xi32>
        %add3A_46 = arith.addi %select_n3A_38, %add3A_45 : vector<16xi32>
        %select_n3A_47 = arith.select %lt3A_43, %add3A_46, %select_n3A_38 : vector<16xi1>, vector<16xi32>
        %add3A_48 = arith.constant 1023 : i32
        %add3A_49 = vector.broadcast %add3A_48 : i32 to vector<16xi32>
        %add3A_50 = arith.addi %select_n3A_47, %add3A_49 : vector<16xi32>
        %gather3A_51 = tpu.vector_load_idx %arg28[%add3A_50] : memref<16384xf32, #tpu.memory_space<vmem>>[vector<16xi32>], vector<16xf32>,
        %lt3A_52 = arith.cmpf olt, %gather3A_51, %mul3A_21 : vector<16xf32>
        %add3A_53 = arith.constant 1024 : i32
        %add3A_54 = vector.broadcast %add3A_53 : i32 to vector<16xi32>
        %add3A_55 = arith.addi %select_n3A_47, %add3A_54 : vector<16xi32>
        %select_n3A_56 = arith.select %lt3A_52, %add3A_55, %select_n3A_47 : vector<16xi1>, vector<16xi32>
        %add3A_57 = arith.constant 511 : i32
        %add3A_58 = vector.broadcast %add3A_57 : i32 to vector<16xi32>
        %add3A_59 = arith.addi %select_n3A_56, %add3A_58 : vector<16xi32>
        %gather3A_60 = tpu.vector_load_idx %arg28[%add3A_59] : memref<16384xf32, #tpu.memory_space<vmem>>[vector<16xi32>], vector<16xf32>,
        %lt3A_61 = arith.cmpf olt, %gather3A_60, %mul3A_21 : vector<16xf32>
        %add3A_62 = arith.constant 512 : i32
        %add3A_63 = vector.broadcast %add3A_62 : i32 to vector<16xi32>
        %add3A_64 = arith.addi %select_n3A_56, %add3A_63 : vector<16xi32>
        %select_n3A_65 = arith.select %lt3A_61, %add3A_64, %select_n3A_56 : vector<16xi1>, vector<16xi32>
        %add3A_66 = arith.constant 255 : i32
        %add3A_67 = vector.broadcast %add3A_66 : i32 to vector<16xi32>
        %add3A_68 = arith.addi %select_n3A_65, %add3A_67 : vector<16xi32>
        %gather3A_69 = tpu.vector_load_idx %arg28[%add3A_68] : memref<16384xf32, #tpu.memory_space<vmem>>[vector<16xi32>], vector<16xf32>,
        %lt3A_70 = arith.cmpf olt, %gather3A_69, %mul3A_21 : vector<16xf32>
        %add3A_71 = arith.constant 256 : i32
        %add3A_72 = vector.broadcast %add3A_71 : i32 to vector<16xi32>
        %add3A_73 = arith.addi %select_n3A_65, %add3A_72 : vector<16xi32>
        %select_n3A_74 = arith.select %lt3A_70, %add3A_73, %select_n3A_65 : vector<16xi1>, vector<16xi32>
        %add3A_75 = arith.constant 127 : i32
        %add3A_76 = vector.broadcast %add3A_75 : i32 to vector<16xi32>
        %add3A_77 = arith.addi %select_n3A_74, %add3A_76 : vector<16xi32>
        %gather3A_78 = tpu.vector_load_idx %arg28[%add3A_77] : memref<16384xf32, #tpu.memory_space<vmem>>[vector<16xi32>], vector<16xf32>,
        %lt3A_79 = arith.cmpf olt, %gather3A_78, %mul3A_21 : vector<16xf32>
        %add3A_80 = arith.constant 128 : i32
        %add3A_81 = vector.broadcast %add3A_80 : i32 to vector<16xi32>
        %add3A_82 = arith.addi %select_n3A_74, %add3A_81 : vector<16xi32>
        %select_n3A_83 = arith.select %lt3A_79, %add3A_82, %select_n3A_74 : vector<16xi1>, vector<16xi32>
        %add3A_84 = arith.constant 63 : i32
        %add3A_85 = vector.broadcast %add3A_84 : i32 to vector<16xi32>
        %add3A_86 = arith.addi %select_n3A_83, %add3A_85 : vector<16xi32>
        %gather3A_87 = tpu.vector_load_idx %arg28[%add3A_86] : memref<16384xf32, #tpu.memory_space<vmem>>[vector<16xi32>], vector<16xf32>,
        %lt3A_88 = arith.cmpf olt, %gather3A_87, %mul3A_21 : vector<16xf32>
        %add3A_89 = arith.constant 64 : i32
        %add3A_90 = vector.broadcast %add3A_89 : i32 to vector<16xi32>
        %add3A_91 = arith.addi %select_n3A_83, %add3A_90 : vector<16xi32>
        %select_n3A_92 = arith.select %lt3A_88, %add3A_91, %select_n3A_83 : vector<16xi1>, vector<16xi32>
        %add3A_93 = arith.constant 31 : i32
        %add3A_94 = vector.broadcast %add3A_93 : i32 to vector<16xi32>
        %add3A_95 = arith.addi %select_n3A_92, %add3A_94 : vector<16xi32>
        %gather3A_96 = tpu.vector_load_idx %arg28[%add3A_95] : memref<16384xf32, #tpu.memory_space<vmem>>[vector<16xi32>], vector<16xf32>,
        %lt3A_97 = arith.cmpf olt, %gather3A_96, %mul3A_21 : vector<16xf32>
        %add3A_98 = arith.constant 32 : i32
        %add3A_99 = vector.broadcast %add3A_98 : i32 to vector<16xi32>
        %add3A_100 = arith.addi %select_n3A_92, %add3A_99 : vector<16xi32>
        %select_n3A_101 = arith.select %lt3A_97, %add3A_100, %select_n3A_92 : vector<16xi1>, vector<16xi32>
        %add3A_102 = arith.constant 15 : i32
        %add3A_103 = vector.broadcast %add3A_102 : i32 to vector<16xi32>
        %add3A_104 = arith.addi %select_n3A_101, %add3A_103 : vector<16xi32>
        %gather3A_105 = tpu.vector_load_idx %arg28[%add3A_104] : memref<16384xf32, #tpu.memory_space<vmem>>[vector<16xi32>], vector<16xf32>,
        %lt3A_106 = arith.cmpf olt, %gather3A_105, %mul3A_21 : vector<16xf32>
        %add3A_107 = arith.constant 16 : i32
        %add3A_108 = vector.broadcast %add3A_107 : i32 to vector<16xi32>
        %add3A_109 = arith.addi %select_n3A_101, %add3A_108 : vector<16xi32>
        %select_n3A_110 = arith.select %lt3A_106, %add3A_109, %select_n3A_101 : vector<16xi1>, vector<16xi32>
        %add3A_111 = arith.constant 7 : i32
        %add3A_112 = vector.broadcast %add3A_111 : i32 to vector<16xi32>
        %add3A_113 = arith.addi %select_n3A_110, %add3A_112 : vector<16xi32>
        %gather3A_114 = tpu.vector_load_idx %arg28[%add3A_113] : memref<16384xf32, #tpu.memory_space<vmem>>[vector<16xi32>], vector<16xf32>,
        %lt3A_115 = arith.cmpf olt, %gather3A_114, %mul3A_21 : vector<16xf32>
        %add3A_116 = arith.constant 8 : i32
        %add3A_117 = vector.broadcast %add3A_116 : i32 to vector<16xi32>
        %add3A_118 = arith.addi %select_n3A_110, %add3A_117 : vector<16xi32>
        %select_n3A_119 = arith.select %lt3A_115, %add3A_118, %select_n3A_110 : vector<16xi1>, vector<16xi32>
        %add3A_120 = arith.constant 3 : i32
        %add3A_121 = vector.broadcast %add3A_120 : i32 to vector<16xi32>
        %add3A_122 = arith.addi %select_n3A_119, %add3A_121 : vector<16xi32>
        %gather3A_123 = tpu.vector_load_idx %arg28[%add3A_122] : memref<16384xf32, #tpu.memory_space<vmem>>[vector<16xi32>], vector<16xf32>,
        %lt3A_124 = arith.cmpf olt, %gather3A_123, %mul3A_21 : vector<16xf32>
        %add3A_125 = arith.constant 4 : i32
        %add3A_126 = vector.broadcast %add3A_125 : i32 to vector<16xi32>
        %add3A_127 = arith.addi %select_n3A_119, %add3A_126 : vector<16xi32>
        %select_n3A_128 = arith.select %lt3A_124, %add3A_127, %select_n3A_119 : vector<16xi1>, vector<16xi32>
        %add3A_129 = arith.constant 1 : i32
        %add3A_130 = vector.broadcast %add3A_129 : i32 to vector<16xi32>
        %add3A_131 = arith.addi %select_n3A_128, %add3A_130 : vector<16xi32>
        %gather3A_132 = tpu.vector_load_idx %arg28[%add3A_131] : memref<16384xf32, #tpu.memory_space<vmem>>[vector<16xi32>], vector<16xf32>,
        %lt3A_133 = arith.cmpf olt, %gather3A_132, %mul3A_21 : vector<16xf32>
        %add3A_134 = arith.constant 2 : i32
        %add3A_135 = vector.broadcast %add3A_134 : i32 to vector<16xi32>
        %add3A_136 = arith.addi %select_n3A_128, %add3A_135 : vector<16xi32>
        %select_n3A_137 = arith.select %lt3A_133, %add3A_136, %select_n3A_128 : vector<16xi1>, vector<16xi32>
        %add3A_138 = arith.constant 0 : i32
        %add3A_139 = vector.broadcast %add3A_138 : i32 to vector<16xi32>
        %add3A_140 = arith.addi %select_n3A_137, %add3A_139 : vector<16xi32>
        %gather3A_141 = tpu.vector_load_idx %arg28[%add3A_140] : memref<16384xf32, #tpu.memory_space<vmem>>[vector<16xi32>], vector<16xf32>,
        %lt3A_142 = arith.cmpf olt, %gather3A_141, %mul3A_21 : vector<16xf32>
        %add3A_143 = arith.constant 1 : i32
        %add3A_144 = vector.broadcast %add3A_143 : i32 to vector<16xi32>
        %add3A_145 = arith.addi %select_n3A_137, %add3A_144 : vector<16xi32>
        %select_n3A_146 = arith.select %lt3A_142, %add3A_145, %select_n3A_137 : vector<16xi1>, vector<16xi32>
        %gather3A_147 = tpu.vector_load_idx %arg29[%select_n3A_146] : memref<16384xi32, #tpu.memory_space<vmem>>[vector<16xi32>], vector<16xi32>,
        %gather3A_148 = tpu.vector_load_idx %arg30[%select_n3A_146] : memref<16384xi32, #tpu.memory_space<vmem>>[vector<16xi32>], vector<16xi32>,
        %gather3A_149 = tpu.vector_load_idx %arg31[%select_n3A_146] : memref<16384xi32, #tpu.memory_space<vmem>>[vector<16xi32>], vector<16xi32>,
        %gather3A_150 = tpu.vector_load_idx %arg32[%gather3A_147] : memref<8000xf32, #tpu.memory_space<vmem>>[vector<16xi32>], vector<16xf32>,
        %add3A_151 = arith.constant 0 : i32
        %add3A_152 = arith.addi %add3A_151, %add3A_18 : i32
        %swap3A = arith.index_cast %add3A_152 : i32 to index
        %swap3A_153 = tpu.vector_load %arg41[%swap3A] {strides = array<i32>} : memref<2304xf32, #tpu.memory_space<vmem>>, vector<16xf32>,
        tpu.vector_store %arg41[%swap3A], %gather3A_150 {strides = array<i32>} : memref<2304xf32, #tpu.memory_space<vmem>>, vector<16xf32>,
        %gather3A_154 = tpu.vector_load_idx %arg33[%gather3A_147] : memref<8000xf32, #tpu.memory_space<vmem>>[vector<16xi32>], vector<16xf32>,
        %add3A_155 = arith.constant 256 : i32
        %add3A_156 = arith.addi %add3A_155, %add3A_18 : i32
        %swap3A_157 = arith.index_cast %add3A_156 : i32 to index
        %swap3A_158 = tpu.vector_load %arg41[%swap3A_157] {strides = array<i32>} : memref<2304xf32, #tpu.memory_space<vmem>>, vector<16xf32>,
        tpu.vector_store %arg41[%swap3A_157], %gather3A_154 {strides = array<i32>} : memref<2304xf32, #tpu.memory_space<vmem>>, vector<16xf32>,
        %gather3A_159 = tpu.vector_load_idx %arg34[%gather3A_147] : memref<8000xf32, #tpu.memory_space<vmem>>[vector<16xi32>], vector<16xf32>,
        %add3A_160 = arith.constant 512 : i32
        %add3A_161 = arith.addi %add3A_160, %add3A_18 : i32
        %swap3A_162 = arith.index_cast %add3A_161 : i32 to index
        %swap3A_163 = tpu.vector_load %arg41[%swap3A_162] {strides = array<i32>} : memref<2304xf32, #tpu.memory_space<vmem>>, vector<16xf32>,
        tpu.vector_store %arg41[%swap3A_162], %gather3A_159 {strides = array<i32>} : memref<2304xf32, #tpu.memory_space<vmem>>, vector<16xf32>,
        %gather3A_164 = tpu.vector_load_idx %arg32[%gather3A_148] : memref<8000xf32, #tpu.memory_space<vmem>>[vector<16xi32>], vector<16xf32>,
        %add3A_165 = arith.constant 768 : i32
        %add3A_166 = arith.addi %add3A_165, %add3A_18 : i32
        %swap3A_167 = arith.index_cast %add3A_166 : i32 to index
        %swap3A_168 = tpu.vector_load %arg41[%swap3A_167] {strides = array<i32>} : memref<2304xf32, #tpu.memory_space<vmem>>, vector<16xf32>,
        tpu.vector_store %arg41[%swap3A_167], %gather3A_164 {strides = array<i32>} : memref<2304xf32, #tpu.memory_space<vmem>>, vector<16xf32>,
        %gather3A_169 = tpu.vector_load_idx %arg33[%gather3A_148] : memref<8000xf32, #tpu.memory_space<vmem>>[vector<16xi32>], vector<16xf32>,
        %add3A_170 = arith.constant 1024 : i32
        %add3A_171 = arith.addi %add3A_170, %add3A_18 : i32
        %swap3A_172 = arith.index_cast %add3A_171 : i32 to index
        %swap3A_173 = tpu.vector_load %arg41[%swap3A_172] {strides = array<i32>} : memref<2304xf32, #tpu.memory_space<vmem>>, vector<16xf32>,
        tpu.vector_store %arg41[%swap3A_172], %gather3A_169 {strides = array<i32>} : memref<2304xf32, #tpu.memory_space<vmem>>, vector<16xf32>,
        %gather3A_174 = tpu.vector_load_idx %arg34[%gather3A_148] : memref<8000xf32, #tpu.memory_space<vmem>>[vector<16xi32>], vector<16xf32>,
        %add3A_175 = arith.constant 1280 : i32
        %add3A_176 = arith.addi %add3A_175, %add3A_18 : i32
        %swap3A_177 = arith.index_cast %add3A_176 : i32 to index
        %swap3A_178 = tpu.vector_load %arg41[%swap3A_177] {strides = array<i32>} : memref<2304xf32, #tpu.memory_space<vmem>>, vector<16xf32>,
        tpu.vector_store %arg41[%swap3A_177], %gather3A_174 {strides = array<i32>} : memref<2304xf32, #tpu.memory_space<vmem>>, vector<16xf32>,
        %gather3A_179 = tpu.vector_load_idx %arg32[%gather3A_149] : memref<8000xf32, #tpu.memory_space<vmem>>[vector<16xi32>], vector<16xf32>,
        %add3A_180 = arith.constant 1536 : i32
        %add3A_181 = arith.addi %add3A_180, %add3A_18 : i32
        %swap3A_182 = arith.index_cast %add3A_181 : i32 to index
        %swap3A_183 = tpu.vector_load %arg41[%swap3A_182] {strides = array<i32>} : memref<2304xf32, #tpu.memory_space<vmem>>, vector<16xf32>,
        tpu.vector_store %arg41[%swap3A_182], %gather3A_179 {strides = array<i32>} : memref<2304xf32, #tpu.memory_space<vmem>>, vector<16xf32>,
        %gather3A_184 = tpu.vector_load_idx %arg33[%gather3A_149] : memref<8000xf32, #tpu.memory_space<vmem>>[vector<16xi32>], vector<16xf32>,
        %add3A_185 = arith.constant 1792 : i32
        %add3A_186 = arith.addi %add3A_185, %add3A_18 : i32
        %swap3A_187 = arith.index_cast %add3A_186 : i32 to index
        %swap3A_188 = tpu.vector_load %arg41[%swap3A_187] {strides = array<i32>} : memref<2304xf32, #tpu.memory_space<vmem>>, vector<16xf32>,
        tpu.vector_store %arg41[%swap3A_187], %gather3A_184 {strides = array<i32>} : memref<2304xf32, #tpu.memory_space<vmem>>, vector<16xf32>,
        %gather3A_189 = tpu.vector_load_idx %arg34[%gather3A_149] : memref<8000xf32, #tpu.memory_space<vmem>>[vector<16xi32>], vector<16xf32>,
        %add3A_190 = arith.constant 2048 : i32
        %add3A_191 = arith.addi %add3A_190, %add3A_18 : i32
        %swap3A_192 = arith.index_cast %add3A_191 : i32 to index
        %swap3A_193 = tpu.vector_load %arg41[%swap3A_192] {strides = array<i32>} : memref<2304xf32, #tpu.memory_space<vmem>>, vector<16xf32>,
        tpu.vector_store %arg41[%swap3A_192], %gather3A_189 {strides = array<i32>} : memref<2304xf32, #tpu.memory_space<vmem>>, vector<16xf32>,
      }
      %scan3A_13 = arith.constant 16 : i32
      "tpu.region"() ({
        %run_scoped3A = tpu.sem_alloc : memref<!tpu.dma_semaphore, #tpu.memory_space<semaphore_mem>>
        %dma_start3A = arith.constant 0 : i32
        %dma_start3A_14 = tpu.memref_slice %arg41[%dma_start3A] : memref<2304xf32, #tpu.memory_space<vmem>> -> memref<256xf32, #tpu.memory_space<vmem>>
        %dma_start3A_15 = tpu.memref_slice %arg16[%mul3A_8] : memref<4096xf32, #tpu.memory_space<hbm>> -> memref<256xf32, #tpu.memory_space<hbm>>
        %dma_start3A_16 = tpu.memref_slice %arg16[%mul3A_8] : memref<4096xf32, #tpu.memory_space<hbm>> -> memref<256xf32, #tpu.memory_space<hbm>>
        %dma_start3A_17 = arith.constant 0 : i32
        %dma_start3A_18 = tpu.memref_slice %arg41[%dma_start3A_17] : memref<2304xf32, #tpu.memory_space<vmem>> -> memref<256xf32, #tpu.memory_space<vmem>>
        tpu.enqueue_dma source(%dma_start3A_18 : memref<256xf32, #tpu.memory_space<vmem>>) target(%dma_start3A_16 : memref<256xf32, #tpu.memory_space<hbm>>) target_semaphore(%run_scoped3A : memref<!tpu.dma_semaphore, #tpu.memory_space<semaphore_mem>>)
        %dma_wait3A = arith.constant 0 : i32
        %dma_wait3A_19 = tpu.memref_slice %arg41[%dma_wait3A] : memref<2304xf32, #tpu.memory_space<vmem>> -> memref<256xf32, #tpu.memory_space<vmem>>
        %dma_wait3A_20 = tpu.memref_slice %arg16[%mul3A_8] : memref<4096xf32, #tpu.memory_space<hbm>> -> memref<256xf32, #tpu.memory_space<hbm>>
        %dma_wait3A_21 = tpu.memref_slice %arg16[%mul3A_8] : memref<4096xf32, #tpu.memory_space<hbm>> -> memref<256xf32, #tpu.memory_space<hbm>>
        %dma_wait3A_22 = arith.constant 0 : i32
        %dma_wait3A_23 = tpu.memref_slice %arg41[%dma_wait3A_22] : memref<2304xf32, #tpu.memory_space<vmem>> -> memref<256xf32, #tpu.memory_space<vmem>>
        tpu.wait_dma2 semaphore(%run_scoped3A : memref<!tpu.dma_semaphore, #tpu.memory_space<semaphore_mem>>) src(%dma_wait3A_23 : memref<256xf32, #tpu.memory_space<vmem>>) dst(%dma_wait3A_21 : memref<256xf32, #tpu.memory_space<hbm>>)
        tpu.yield
      }) : () -> ()
      "tpu.region"() ({
        %run_scoped3A = tpu.sem_alloc : memref<!tpu.dma_semaphore, #tpu.memory_space<semaphore_mem>>
        %dma_start3A = arith.constant 256 : i32
        %dma_start3A_14 = tpu.memref_slice %arg41[%dma_start3A] : memref<2304xf32, #tpu.memory_space<vmem>> -> memref<256xf32, #tpu.memory_space<vmem>>
        %dma_start3A_15 = tpu.memref_slice %arg17[%mul3A_8] : memref<4096xf32, #tpu.memory_space<hbm>> -> memref<256xf32, #tpu.memory_space<hbm>>
        %dma_start3A_16 = tpu.memref_slice %arg17[%mul3A_8] : memref<4096xf32, #tpu.memory_space<hbm>> -> memref<256xf32, #tpu.memory_space<hbm>>
        %dma_start3A_17 = arith.constant 256 : i32
        %dma_start3A_18 = tpu.memref_slice %arg41[%dma_start3A_17] : memref<2304xf32, #tpu.memory_space<vmem>> -> memref<256xf32, #tpu.memory_space<vmem>>
        tpu.enqueue_dma source(%dma_start3A_18 : memref<256xf32, #tpu.memory_space<vmem>>) target(%dma_start3A_16 : memref<256xf32, #tpu.memory_space<hbm>>) target_semaphore(%run_scoped3A : memref<!tpu.dma_semaphore, #tpu.memory_space<semaphore_mem>>)
        %dma_wait3A = arith.constant 256 : i32
        %dma_wait3A_19 = tpu.memref_slice %arg41[%dma_wait3A] : memref<2304xf32, #tpu.memory_space<vmem>> -> memref<256xf32, #tpu.memory_space<vmem>>
        %dma_wait3A_20 = tpu.memref_slice %arg17[%mul3A_8] : memref<4096xf32, #tpu.memory_space<hbm>> -> memref<256xf32, #tpu.memory_space<hbm>>
        %dma_wait3A_21 = tpu.memref_slice %arg17[%mul3A_8] : memref<4096xf32, #tpu.memory_space<hbm>> -> memref<256xf32, #tpu.memory_space<hbm>>
        %dma_wait3A_22 = arith.constant 256 : i32
        %dma_wait3A_23 = tpu.memref_slice %arg41[%dma_wait3A_22] : memref<2304xf32, #tpu.memory_space<vmem>> -> memref<256xf32, #tpu.memory_space<vmem>>
        tpu.wait_dma2 semaphore(%run_scoped3A : memref<!tpu.dma_semaphore, #tpu.memory_space<semaphore_mem>>) src(%dma_wait3A_23 : memref<256xf32, #tpu.memory_space<vmem>>) dst(%dma_wait3A_21 : memref<256xf32, #tpu.memory_space<hbm>>)
        tpu.yield
      }) : () -> ()
      "tpu.region"() ({
        %run_scoped3A = tpu.sem_alloc : memref<!tpu.dma_semaphore, #tpu.memory_space<semaphore_mem>>
        %dma_start3A = arith.constant 512 : i32
        %dma_start3A_14 = tpu.memref_slice %arg41[%dma_start3A] : memref<2304xf32, #tpu.memory_space<vmem>> -> memref<256xf32, #tpu.memory_space<vmem>>
        %dma_start3A_15 = tpu.memref_slice %arg18[%mul3A_8] : memref<4096xf32, #tpu.memory_space<hbm>> -> memref<256xf32, #tpu.memory_space<hbm>>
        %dma_start3A_16 = tpu.memref_slice %arg18[%mul3A_8] : memref<4096xf32, #tpu.memory_space<hbm>> -> memref<256xf32, #tpu.memory_space<hbm>>
        %dma_start3A_17 = arith.constant 512 : i32
        %dma_start3A_18 = tpu.memref_slice %arg41[%dma_start3A_17] : memref<2304xf32, #tpu.memory_space<vmem>> -> memref<256xf32, #tpu.memory_space<vmem>>
        tpu.enqueue_dma source(%dma_start3A_18 : memref<256xf32, #tpu.memory_space<vmem>>) target(%dma_start3A_16 : memref<256xf32, #tpu.memory_space<hbm>>) target_semaphore(%run_scoped3A : memref<!tpu.dma_semaphore, #tpu.memory_space<semaphore_mem>>)
        %dma_wait3A = arith.constant 512 : i32
        %dma_wait3A_19 = tpu.memref_slice %arg41[%dma_wait3A] : memref<2304xf32, #tpu.memory_space<vmem>> -> memref<256xf32, #tpu.memory_space<vmem>>
        %dma_wait3A_20 = tpu.memref_slice %arg18[%mul3A_8] : memref<4096xf32, #tpu.memory_space<hbm>> -> memref<256xf32, #tpu.memory_space<hbm>>
        %dma_wait3A_21 = tpu.memref_slice %arg18[%mul3A_8] : memref<4096xf32, #tpu.memory_space<hbm>> -> memref<256xf32, #tpu.memory_space<hbm>>
        %dma_wait3A_22 = arith.constant 512 : i32
        %dma_wait3A_23 = tpu.memref_slice %arg41[%dma_wait3A_22] : memref<2304xf32, #tpu.memory_space<vmem>> -> memref<256xf32, #tpu.memory_space<vmem>>
        tpu.wait_dma2 semaphore(%run_scoped3A : memref<!tpu.dma_semaphore, #tpu.memory_space<semaphore_mem>>) src(%dma_wait3A_23 : memref<256xf32, #tpu.memory_space<vmem>>) dst(%dma_wait3A_21 : memref<256xf32, #tpu.memory_space<hbm>>)
        tpu.yield
      }) : () -> ()
      "tpu.region"() ({
        %run_scoped3A = tpu.sem_alloc : memref<!tpu.dma_semaphore, #tpu.memory_space<semaphore_mem>>
        %dma_start3A = arith.constant 768 : i32
        %dma_start3A_14 = tpu.memref_slice %arg41[%dma_start3A] : memref<2304xf32, #tpu.memory_space<vmem>> -> memref<256xf32, #tpu.memory_space<vmem>>
        %dma_start3A_15 = tpu.memref_slice %arg19[%mul3A_8] : memref<4096xf32, #tpu.memory_space<hbm>> -> memref<256xf32, #tpu.memory_space<hbm>>
        %dma_start3A_16 = tpu.memref_slice %arg19[%mul3A_8] : memref<4096xf32, #tpu.memory_space<hbm>> -> memref<256xf32, #tpu.memory_space<hbm>>
        %dma_start3A_17 = arith.constant 768 : i32
        %dma_start3A_18 = tpu.memref_slice %arg41[%dma_start3A_17] : memref<2304xf32, #tpu.memory_space<vmem>> -> memref<256xf32, #tpu.memory_space<vmem>>
        tpu.enqueue_dma source(%dma_start3A_18 : memref<256xf32, #tpu.memory_space<vmem>>) target(%dma_start3A_16 : memref<256xf32, #tpu.memory_space<hbm>>) target_semaphore(%run_scoped3A : memref<!tpu.dma_semaphore, #tpu.memory_space<semaphore_mem>>)
        %dma_wait3A = arith.constant 768 : i32
        %dma_wait3A_19 = tpu.memref_slice %arg41[%dma_wait3A] : memref<2304xf32, #tpu.memory_space<vmem>> -> memref<256xf32, #tpu.memory_space<vmem>>
        %dma_wait3A_20 = tpu.memref_slice %arg19[%mul3A_8] : memref<4096xf32, #tpu.memory_space<hbm>> -> memref<256xf32, #tpu.memory_space<hbm>>
        %dma_wait3A_21 = tpu.memref_slice %arg19[%mul3A_8] : memref<4096xf32, #tpu.memory_space<hbm>> -> memref<256xf32, #tpu.memory_space<hbm>>
        %dma_wait3A_22 = arith.constant 768 : i32
        %dma_wait3A_23 = tpu.memref_slice %arg41[%dma_wait3A_22] : memref<2304xf32, #tpu.memory_space<vmem>> -> memref<256xf32, #tpu.memory_space<vmem>>
        tpu.wait_dma2 semaphore(%run_scoped3A : memref<!tpu.dma_semaphore, #tpu.memory_space<semaphore_mem>>) src(%dma_wait3A_23 : memref<256xf32, #tpu.memory_space<vmem>>) dst(%dma_wait3A_21 : memref<256xf32, #tpu.memory_space<hbm>>)
        tpu.yield
      }) : () -> ()
      "tpu.region"() ({
        %run_scoped3A = tpu.sem_alloc : memref<!tpu.dma_semaphore, #tpu.memory_space<semaphore_mem>>
        %dma_start3A = arith.constant 1024 : i32
        %dma_start3A_14 = tpu.memref_slice %arg41[%dma_start3A] : memref<2304xf32, #tpu.memory_space<vmem>> -> memref<256xf32, #tpu.memory_space<vmem>>
        %dma_start3A_15 = tpu.memref_slice %arg20[%mul3A_8] : memref<4096xf32, #tpu.memory_space<hbm>> -> memref<256xf32, #tpu.memory_space<hbm>>
        %dma_start3A_16 = tpu.memref_slice %arg20[%mul3A_8] : memref<4096xf32, #tpu.memory_space<hbm>> -> memref<256xf32, #tpu.memory_space<hbm>>
        %dma_start3A_17 = arith.constant 1024 : i32
        %dma_start3A_18 = tpu.memref_slice %arg41[%dma_start3A_17] : memref<2304xf32, #tpu.memory_space<vmem>> -> memref<256xf32, #tpu.memory_space<vmem>>
        tpu.enqueue_dma source(%dma_start3A_18 : memref<256xf32, #tpu.memory_space<vmem>>) target(%dma_start3A_16 : memref<256xf32, #tpu.memory_space<hbm>>) target_semaphore(%run_scoped3A : memref<!tpu.dma_semaphore, #tpu.memory_space<semaphore_mem>>)
        %dma_wait3A = arith.constant 1024 : i32
        %dma_wait3A_19 = tpu.memref_slice %arg41[%dma_wait3A] : memref<2304xf32, #tpu.memory_space<vmem>> -> memref<256xf32, #tpu.memory_space<vmem>>
        %dma_wait3A_20 = tpu.memref_slice %arg20[%mul3A_8] : memref<4096xf32, #tpu.memory_space<hbm>> -> memref<256xf32, #tpu.memory_space<hbm>>
        %dma_wait3A_21 = tpu.memref_slice %arg20[%mul3A_8] : memref<4096xf32, #tpu.memory_space<hbm>> -> memref<256xf32, #tpu.memory_space<hbm>>
        %dma_wait3A_22 = arith.constant 1024 : i32
        %dma_wait3A_23 = tpu.memref_slice %arg41[%dma_wait3A_22] : memref<2304xf32, #tpu.memory_space<vmem>> -> memref<256xf32, #tpu.memory_space<vmem>>
        tpu.wait_dma2 semaphore(%run_scoped3A : memref<!tpu.dma_semaphore, #tpu.memory_space<semaphore_mem>>) src(%dma_wait3A_23 : memref<256xf32, #tpu.memory_space<vmem>>) dst(%dma_wait3A_21 : memref<256xf32, #tpu.memory_space<hbm>>)
        tpu.yield
      }) : () -> ()
      "tpu.region"() ({
        %run_scoped3A = tpu.sem_alloc : memref<!tpu.dma_semaphore, #tpu.memory_space<semaphore_mem>>
        %dma_start3A = arith.constant 1280 : i32
        %dma_start3A_14 = tpu.memref_slice %arg41[%dma_start3A] : memref<2304xf32, #tpu.memory_space<vmem>> -> memref<256xf32, #tpu.memory_space<vmem>>
        %dma_start3A_15 = tpu.memref_slice %arg21[%mul3A_8] : memref<4096xf32, #tpu.memory_space<hbm>> -> memref<256xf32, #tpu.memory_space<hbm>>
        %dma_start3A_16 = tpu.memref_slice %arg21[%mul3A_8] : memref<4096xf32, #tpu.memory_space<hbm>> -> memref<256xf32, #tpu.memory_space<hbm>>
        %dma_start3A_17 = arith.constant 1280 : i32
        %dma_start3A_18 = tpu.memref_slice %arg41[%dma_start3A_17] : memref<2304xf32, #tpu.memory_space<vmem>> -> memref<256xf32, #tpu.memory_space<vmem>>
        tpu.enqueue_dma source(%dma_start3A_18 : memref<256xf32, #tpu.memory_space<vmem>>) target(%dma_start3A_16 : memref<256xf32, #tpu.memory_space<hbm>>) target_semaphore(%run_scoped3A : memref<!tpu.dma_semaphore, #tpu.memory_space<semaphore_mem>>)
        %dma_wait3A = arith.constant 1280 : i32
        %dma_wait3A_19 = tpu.memref_slice %arg41[%dma_wait3A] : memref<2304xf32, #tpu.memory_space<vmem>> -> memref<256xf32, #tpu.memory_space<vmem>>
        %dma_wait3A_20 = tpu.memref_slice %arg21[%mul3A_8] : memref<4096xf32, #tpu.memory_space<hbm>> -> memref<256xf32, #tpu.memory_space<hbm>>
        %dma_wait3A_21 = tpu.memref_slice %arg21[%mul3A_8] : memref<4096xf32, #tpu.memory_space<hbm>> -> memref<256xf32, #tpu.memory_space<hbm>>
        %dma_wait3A_22 = arith.constant 1280 : i32
        %dma_wait3A_23 = tpu.memref_slice %arg41[%dma_wait3A_22] : memref<2304xf32, #tpu.memory_space<vmem>> -> memref<256xf32, #tpu.memory_space<vmem>>
        tpu.wait_dma2 semaphore(%run_scoped3A : memref<!tpu.dma_semaphore, #tpu.memory_space<semaphore_mem>>) src(%dma_wait3A_23 : memref<256xf32, #tpu.memory_space<vmem>>) dst(%dma_wait3A_21 : memref<256xf32, #tpu.memory_space<hbm>>)
        tpu.yield
      }) : () -> ()
      "tpu.region"() ({
        %run_scoped3A = tpu.sem_alloc : memref<!tpu.dma_semaphore, #tpu.memory_space<semaphore_mem>>
        %dma_start3A = arith.constant 1536 : i32
        %dma_start3A_14 = tpu.memref_slice %arg41[%dma_start3A] : memref<2304xf32, #tpu.memory_space<vmem>> -> memref<256xf32, #tpu.memory_space<vmem>>
        %dma_start3A_15 = tpu.memref_slice %arg22[%mul3A_8] : memref<4096xf32, #tpu.memory_space<hbm>> -> memref<256xf32, #tpu.memory_space<hbm>>
        %dma_start3A_16 = tpu.memref_slice %arg22[%mul3A_8] : memref<4096xf32, #tpu.memory_space<hbm>> -> memref<256xf32, #tpu.memory_space<hbm>>
        %dma_start3A_17 = arith.constant 1536 : i32
        %dma_start3A_18 = tpu.memref_slice %arg41[%dma_start3A_17] : memref<2304xf32, #tpu.memory_space<vmem>> -> memref<256xf32, #tpu.memory_space<vmem>>
        tpu.enqueue_dma source(%dma_start3A_18 : memref<256xf32, #tpu.memory_space<vmem>>) target(%dma_start3A_16 : memref<256xf32, #tpu.memory_space<hbm>>) target_semaphore(%run_scoped3A : memref<!tpu.dma_semaphore, #tpu.memory_space<semaphore_mem>>)
        %dma_wait3A = arith.constant 1536 : i32
        %dma_wait3A_19 = tpu.memref_slice %arg41[%dma_wait3A] : memref<2304xf32, #tpu.memory_space<vmem>> -> memref<256xf32, #tpu.memory_space<vmem>>
        %dma_wait3A_20 = tpu.memref_slice %arg22[%mul3A_8] : memref<4096xf32, #tpu.memory_space<hbm>> -> memref<256xf32, #tpu.memory_space<hbm>>
        %dma_wait3A_21 = tpu.memref_slice %arg22[%mul3A_8] : memref<4096xf32, #tpu.memory_space<hbm>> -> memref<256xf32, #tpu.memory_space<hbm>>
        %dma_wait3A_22 = arith.constant 1536 : i32
        %dma_wait3A_23 = tpu.memref_slice %arg41[%dma_wait3A_22] : memref<2304xf32, #tpu.memory_space<vmem>> -> memref<256xf32, #tpu.memory_space<vmem>>
        tpu.wait_dma2 semaphore(%run_scoped3A : memref<!tpu.dma_semaphore, #tpu.memory_space<semaphore_mem>>) src(%dma_wait3A_23 : memref<256xf32, #tpu.memory_space<vmem>>) dst(%dma_wait3A_21 : memref<256xf32, #tpu.memory_space<hbm>>)
        tpu.yield
      }) : () -> ()
      "tpu.region"() ({
        %run_scoped3A = tpu.sem_alloc : memref<!tpu.dma_semaphore, #tpu.memory_space<semaphore_mem>>
        %dma_start3A = arith.constant 1792 : i32
        %dma_start3A_14 = tpu.memref_slice %arg41[%dma_start3A] : memref<2304xf32, #tpu.memory_space<vmem>> -> memref<256xf32, #tpu.memory_space<vmem>>
        %dma_start3A_15 = tpu.memref_slice %arg23[%mul3A_8] : memref<4096xf32, #tpu.memory_space<hbm>> -> memref<256xf32, #tpu.memory_space<hbm>>
        %dma_start3A_16 = tpu.memref_slice %arg23[%mul3A_8] : memref<4096xf32, #tpu.memory_space<hbm>> -> memref<256xf32, #tpu.memory_space<hbm>>
        %dma_start3A_17 = arith.constant 1792 : i32
        %dma_start3A_18 = tpu.memref_slice %arg41[%dma_start3A_17] : memref<2304xf32, #tpu.memory_space<vmem>> -> memref<256xf32, #tpu.memory_space<vmem>>
        tpu.enqueue_dma source(%dma_start3A_18 : memref<256xf32, #tpu.memory_space<vmem>>) target(%dma_start3A_16 : memref<256xf32, #tpu.memory_space<hbm>>) target_semaphore(%run_scoped3A : memref<!tpu.dma_semaphore, #tpu.memory_space<semaphore_mem>>)
        %dma_wait3A = arith.constant 1792 : i32
        %dma_wait3A_19 = tpu.memref_slice %arg41[%dma_wait3A] : memref<2304xf32, #tpu.memory_space<vmem>> -> memref<256xf32, #tpu.memory_space<vmem>>
        %dma_wait3A_20 = tpu.memref_slice %arg23[%mul3A_8] : memref<4096xf32, #tpu.memory_space<hbm>> -> memref<256xf32, #tpu.memory_space<hbm>>
        %dma_wait3A_21 = tpu.memref_slice %arg23[%mul3A_8] : memref<4096xf32, #tpu.memory_space<hbm>> -> memref<256xf32, #tpu.memory_space<hbm>>
        %dma_wait3A_22 = arith.constant 1792 : i32
        %dma_wait3A_23 = tpu.memref_slice %arg41[%dma_wait3A_22] : memref<2304xf32, #tpu.memory_space<vmem>> -> memref<256xf32, #tpu.memory_space<vmem>>
        tpu.wait_dma2 semaphore(%run_scoped3A : memref<!tpu.dma_semaphore, #tpu.memory_space<semaphore_mem>>) src(%dma_wait3A_23 : memref<256xf32, #tpu.memory_space<vmem>>) dst(%dma_wait3A_21 : memref<256xf32, #tpu.memory_space<hbm>>)
        tpu.yield
      }) : () -> ()
      "tpu.region"() ({
        %run_scoped3A = tpu.sem_alloc : memref<!tpu.dma_semaphore, #tpu.memory_space<semaphore_mem>>
        %dma_start3A = arith.constant 2048 : i32
        %dma_start3A_14 = tpu.memref_slice %arg41[%dma_start3A] : memref<2304xf32, #tpu.memory_space<vmem>> -> memref<256xf32, #tpu.memory_space<vmem>>
        %dma_start3A_15 = tpu.memref_slice %arg24[%mul3A_8] : memref<4096xf32, #tpu.memory_space<hbm>> -> memref<256xf32, #tpu.memory_space<hbm>>
        %dma_start3A_16 = tpu.memref_slice %arg24[%mul3A_8] : memref<4096xf32, #tpu.memory_space<hbm>> -> memref<256xf32, #tpu.memory_space<hbm>>
        %dma_start3A_17 = arith.constant 2048 : i32
        %dma_start3A_18 = tpu.memref_slice %arg41[%dma_start3A_17] : memref<2304xf32, #tpu.memory_space<vmem>> -> memref<256xf32, #tpu.memory_space<vmem>>
        tpu.enqueue_dma source(%dma_start3A_18 : memref<256xf32, #tpu.memory_space<vmem>>) target(%dma_start3A_16 : memref<256xf32, #tpu.memory_space<hbm>>) target_semaphore(%run_scoped3A : memref<!tpu.dma_semaphore, #tpu.memory_space<semaphore_mem>>)
        %dma_wait3A = arith.constant 2048 : i32
        %dma_wait3A_19 = tpu.memref_slice %arg41[%dma_wait3A] : memref<2304xf32, #tpu.memory_space<vmem>> -> memref<256xf32, #tpu.memory_space<vmem>>
        %dma_wait3A_20 = tpu.memref_slice %arg24[%mul3A_8] : memref<4096xf32, #tpu.memory_space<hbm>> -> memref<256xf32, #tpu.memory_space<hbm>>
        %dma_wait3A_21 = tpu.memref_slice %arg24[%mul3A_8] : memref<4096xf32, #tpu.memory_space<hbm>> -> memref<256xf32, #tpu.memory_space<hbm>>
        %dma_wait3A_22 = arith.constant 2048 : i32
        %dma_wait3A_23 = tpu.memref_slice %arg41[%dma_wait3A_22] : memref<2304xf32, #tpu.memory_space<vmem>> -> memref<256xf32, #tpu.memory_space<vmem>>
        tpu.wait_dma2 semaphore(%run_scoped3A : memref<!tpu.dma_semaphore, #tpu.memory_space<semaphore_mem>>) src(%dma_wait3A_23 : memref<256xf32, #tpu.memory_space<vmem>>) dst(%dma_wait3A_21 : memref<256xf32, #tpu.memory_space<hbm>>)
        tpu.yield
      }) : () -> ()
    } else {
    }
    %ge3A = arith.constant 16 : i32
    %ge3A_3 = arith.cmpi sge, %add3A, %ge3A : i32
    %convert_element_type3A_4 = arith.extui %ge3A_3 : i1 to i32
    %cond3A_5 = arith.constant 0 : i32
    %cond3A_6 = arith.cmpi ne, %convert_element_type3A_4, %cond3A_5 : i32
    scf.if %cond3A_6 {
      "tpu.region"() ({
        %run_scoped3A = tpu.sem_alloc : memref<!tpu.dma_semaphore, #tpu.memory_space<semaphore_mem>>
        tpu.enqueue_dma source(%arg11 : memref<8000xi32, #tpu.memory_space<hbm>>) target(%arg35 : memref<8000xi32, #tpu.memory_space<vmem>>) target_semaphore(%run_scoped3A : memref<!tpu.dma_semaphore, #tpu.memory_space<semaphore_mem>>)
        tpu.wait_dma2 semaphore(%run_scoped3A : memref<!tpu.dma_semaphore, #tpu.memory_space<semaphore_mem>>) src(%arg11 : memref<8000xi32, #tpu.memory_space<hbm>>) dst(%arg35 : memref<8000xi32, #tpu.memory_space<vmem>>)
        tpu.yield
      }) : () -> ()
      "tpu.region"() ({
        %run_scoped3A = tpu.sem_alloc : memref<!tpu.dma_semaphore, #tpu.memory_space<semaphore_mem>>
        tpu.enqueue_dma source(%arg13 : memref<4000xf32, #tpu.memory_space<hbm>>) target(%arg36 : memref<4000xf32, #tpu.memory_space<vmem>>) target_semaphore(%run_scoped3A : memref<!tpu.dma_semaphore, #tpu.memory_space<semaphore_mem>>)
        tpu.wait_dma2 semaphore(%run_scoped3A : memref<!tpu.dma_semaphore, #tpu.memory_space<semaphore_mem>>) src(%arg13 : memref<4000xf32, #tpu.memory_space<hbm>>) dst(%arg36 : memref<4000xf32, #tpu.memory_space<vmem>>)
        tpu.yield
      }) : () -> ()
      "tpu.region"() ({
        %run_scoped3A = tpu.sem_alloc : memref<!tpu.dma_semaphore, #tpu.memory_space<semaphore_mem>>
        tpu.enqueue_dma source(%arg14 : memref<4000xf32, #tpu.memory_space<hbm>>) target(%arg37 : memref<4000xf32, #tpu.memory_space<vmem>>) target_semaphore(%run_scoped3A : memref<!tpu.dma_semaphore, #tpu.memory_space<semaphore_mem>>)
        tpu.wait_dma2 semaphore(%run_scoped3A : memref<!tpu.dma_semaphore, #tpu.memory_space<semaphore_mem>>) src(%arg14 : memref<4000xf32, #tpu.memory_space<hbm>>) dst(%arg37 : memref<4000xf32, #tpu.memory_space<vmem>>)
        tpu.yield
      }) : () -> ()
      "tpu.region"() ({
        %run_scoped3A = tpu.sem_alloc : memref<!tpu.dma_semaphore, #tpu.memory_space<semaphore_mem>>
        tpu.enqueue_dma source(%arg15 : memref<4000xf32, #tpu.memory_space<hbm>>) target(%arg38 : memref<4000xf32, #tpu.memory_space<vmem>>) target_semaphore(%run_scoped3A : memref<!tpu.dma_semaphore, #tpu.memory_space<semaphore_mem>>)
        tpu.wait_dma2 semaphore(%run_scoped3A : memref<!tpu.dma_semaphore, #tpu.memory_space<semaphore_mem>>) src(%arg15 : memref<4000xf32, #tpu.memory_space<hbm>>) dst(%arg38 : memref<4000xf32, #tpu.memory_space<vmem>>)
        tpu.yield
      }) : () -> ()
      %sub3A = arith.constant 16 : i32
      %sub3A_7 = arith.subi %add3A, %sub3A : i32
      %mul3A_8 = arith.constant 1536 : i32
      %mul3A_9 = arith.muli %sub3A_7, %mul3A_8 : i32
      "tpu.region"() ({
        %run_scoped3A = tpu.sem_alloc : memref<!tpu.dma_semaphore, #tpu.memory_space<semaphore_mem>>
        %dma_start3A = tpu.memref_slice %arg12[%mul3A_9] : memref<24576xi32, #tpu.memory_space<hbm>> -> memref<1536xi32, #tpu.memory_space<hbm>>
        %dma_start3A_14 = tpu.memref_slice %arg12[%mul3A_9] : memref<24576xi32, #tpu.memory_space<hbm>> -> memref<1536xi32, #tpu.memory_space<hbm>>
        tpu.enqueue_dma source(%dma_start3A_14 : memref<1536xi32, #tpu.memory_space<hbm>>) target(%arg40 : memref<1536xi32, #tpu.memory_space<vmem>>) target_semaphore(%run_scoped3A : memref<!tpu.dma_semaphore, #tpu.memory_space<semaphore_mem>>)
        %dma_wait3A = tpu.memref_slice %arg12[%mul3A_9] : memref<24576xi32, #tpu.memory_space<hbm>> -> memref<1536xi32, #tpu.memory_space<hbm>>
        %dma_wait3A_15 = tpu.memref_slice %arg12[%mul3A_9] : memref<24576xi32, #tpu.memory_space<hbm>> -> memref<1536xi32, #tpu.memory_space<hbm>>
        tpu.wait_dma2 semaphore(%run_scoped3A : memref<!tpu.dma_semaphore, #tpu.memory_space<semaphore_mem>>) src(%dma_wait3A_15 : memref<1536xi32, #tpu.memory_space<hbm>>) dst(%arg40 : memref<1536xi32, #tpu.memory_space<vmem>>)
        tpu.yield
      }) : () -> ()
      %scan3A = arith.constant 0 : i32
      %scan3A_10 = arith.constant 96 : i32
      %scan3A_11 = arith.addi %scan3A, %scan3A_10 : i32
      %scan3A_12 = arith.constant 1 : i32
      scf.for %scan3A_14 = %scan3A to %scan3A_11 step %scan3A_12  : i32 {
        %mul3A_15 = arith.constant 16 : i32
        %mul3A_16 = arith.muli %scan3A_14, %mul3A_15 : i32
        %add3A_17 = arith.constant 0 : i32
        %add3A_18 = arith.addi %add3A_17, %mul3A_16 : i32
        %get3A = arith.index_cast %add3A_18 : i32 to index
        %get3A_19 = tpu.vector_load %arg40[%get3A] {strides = array<i32>} : memref<1536xi32, #tpu.memory_space<vmem>>, vector<16xi32>,
        %gather3A = tpu.vector_load_idx %arg35[%get3A_19] : memref<8000xi32, #tpu.memory_space<vmem>>[vector<16xi32>], vector<16xi32>,
        %gather3A_20 = tpu.vector_load_idx %arg36[%gather3A] : memref<4000xf32, #tpu.memory_space<vmem>>[vector<16xi32>], vector<16xf32>,
        %add3A_21 = arith.constant 0 : i32
        %add3A_22 = arith.addi %add3A_21, %add3A_18 : i32
        %swap3A = arith.index_cast %add3A_22 : i32 to index
        %swap3A_23 = tpu.vector_load %arg42[%swap3A] {strides = array<i32>} : memref<4608xf32, #tpu.memory_space<vmem>>, vector<16xf32>,
        tpu.vector_store %arg42[%swap3A], %gather3A_20 {strides = array<i32>} : memref<4608xf32, #tpu.memory_space<vmem>>, vector<16xf32>,
        %gather3A_24 = tpu.vector_load_idx %arg37[%gather3A] : memref<4000xf32, #tpu.memory_space<vmem>>[vector<16xi32>], vector<16xf32>,
        %add3A_25 = arith.constant 1536 : i32
        %add3A_26 = arith.addi %add3A_25, %add3A_18 : i32
        %swap3A_27 = arith.index_cast %add3A_26 : i32 to index
        %swap3A_28 = tpu.vector_load %arg42[%swap3A_27] {strides = array<i32>} : memref<4608xf32, #tpu.memory_space<vmem>>, vector<16xf32>,
        tpu.vector_store %arg42[%swap3A_27], %gather3A_24 {strides = array<i32>} : memref<4608xf32, #tpu.memory_space<vmem>>, vector<16xf32>,
        %gather3A_29 = tpu.vector_load_idx %arg38[%gather3A] : memref<4000xf32, #tpu.memory_space<vmem>>[vector<16xi32>], vector<16xf32>,
        %add3A_30 = arith.constant 3072 : i32
        %add3A_31 = arith.addi %add3A_30, %add3A_18 : i32
        %swap3A_32 = arith.index_cast %add3A_31 : i32 to index
        %swap3A_33 = tpu.vector_load %arg42[%swap3A_32] {strides = array<i32>} : memref<4608xf32, #tpu.memory_space<vmem>>, vector<16xf32>,
        tpu.vector_store %arg42[%swap3A_32], %gather3A_29 {strides = array<i32>} : memref<4608xf32, #tpu.memory_space<vmem>>, vector<16xf32>,
      }
      %scan3A_13 = arith.constant 96 : i32
      "tpu.region"() ({
        %run_scoped3A = tpu.sem_alloc : memref<!tpu.dma_semaphore, #tpu.memory_space<semaphore_mem>>
        %dma_start3A = arith.constant 0 : i32
        %dma_start3A_14 = tpu.memref_slice %arg42[%dma_start3A] : memref<4608xf32, #tpu.memory_space<vmem>> -> memref<1536xf32, #tpu.memory_space<vmem>>
        %dma_start3A_15 = tpu.memref_slice %arg25[%mul3A_9] : memref<24576xf32, #tpu.memory_space<hbm>> -> memref<1536xf32, #tpu.memory_space<hbm>>
        %dma_start3A_16 = tpu.memref_slice %arg25[%mul3A_9] : memref<24576xf32, #tpu.memory_space<hbm>> -> memref<1536xf32, #tpu.memory_space<hbm>>
        %dma_start3A_17 = arith.constant 0 : i32
        %dma_start3A_18 = tpu.memref_slice %arg42[%dma_start3A_17] : memref<4608xf32, #tpu.memory_space<vmem>> -> memref<1536xf32, #tpu.memory_space<vmem>>
        tpu.enqueue_dma source(%dma_start3A_18 : memref<1536xf32, #tpu.memory_space<vmem>>) target(%dma_start3A_16 : memref<1536xf32, #tpu.memory_space<hbm>>) target_semaphore(%run_scoped3A : memref<!tpu.dma_semaphore, #tpu.memory_space<semaphore_mem>>)
        %dma_wait3A = arith.constant 0 : i32
        %dma_wait3A_19 = tpu.memref_slice %arg42[%dma_wait3A] : memref<4608xf32, #tpu.memory_space<vmem>> -> memref<1536xf32, #tpu.memory_space<vmem>>
        %dma_wait3A_20 = tpu.memref_slice %arg25[%mul3A_9] : memref<24576xf32, #tpu.memory_space<hbm>> -> memref<1536xf32, #tpu.memory_space<hbm>>
        %dma_wait3A_21 = tpu.memref_slice %arg25[%mul3A_9] : memref<24576xf32, #tpu.memory_space<hbm>> -> memref<1536xf32, #tpu.memory_space<hbm>>
        %dma_wait3A_22 = arith.constant 0 : i32
        %dma_wait3A_23 = tpu.memref_slice %arg42[%dma_wait3A_22] : memref<4608xf32, #tpu.memory_space<vmem>> -> memref<1536xf32, #tpu.memory_space<vmem>>
        tpu.wait_dma2 semaphore(%run_scoped3A : memref<!tpu.dma_semaphore, #tpu.memory_space<semaphore_mem>>) src(%dma_wait3A_23 : memref<1536xf32, #tpu.memory_space<vmem>>) dst(%dma_wait3A_21 : memref<1536xf32, #tpu.memory_space<hbm>>)
        tpu.yield
      }) : () -> ()
      "tpu.region"() ({
        %run_scoped3A = tpu.sem_alloc : memref<!tpu.dma_semaphore, #tpu.memory_space<semaphore_mem>>
        %dma_start3A = arith.constant 1536 : i32
        %dma_start3A_14 = tpu.memref_slice %arg42[%dma_start3A] : memref<4608xf32, #tpu.memory_space<vmem>> -> memref<1536xf32, #tpu.memory_space<vmem>>
        %dma_start3A_15 = tpu.memref_slice %arg26[%mul3A_9] : memref<24576xf32, #tpu.memory_space<hbm>> -> memref<1536xf32, #tpu.memory_space<hbm>>
        %dma_start3A_16 = tpu.memref_slice %arg26[%mul3A_9] : memref<24576xf32, #tpu.memory_space<hbm>> -> memref<1536xf32, #tpu.memory_space<hbm>>
        %dma_start3A_17 = arith.constant 1536 : i32
        %dma_start3A_18 = tpu.memref_slice %arg42[%dma_start3A_17] : memref<4608xf32, #tpu.memory_space<vmem>> -> memref<1536xf32, #tpu.memory_space<vmem>>
        tpu.enqueue_dma source(%dma_start3A_18 : memref<1536xf32, #tpu.memory_space<vmem>>) target(%dma_start3A_16 : memref<1536xf32, #tpu.memory_space<hbm>>) target_semaphore(%run_scoped3A : memref<!tpu.dma_semaphore, #tpu.memory_space<semaphore_mem>>)
        %dma_wait3A = arith.constant 1536 : i32
        %dma_wait3A_19 = tpu.memref_slice %arg42[%dma_wait3A] : memref<4608xf32, #tpu.memory_space<vmem>> -> memref<1536xf32, #tpu.memory_space<vmem>>
        %dma_wait3A_20 = tpu.memref_slice %arg26[%mul3A_9] : memref<24576xf32, #tpu.memory_space<hbm>> -> memref<1536xf32, #tpu.memory_space<hbm>>
        %dma_wait3A_21 = tpu.memref_slice %arg26[%mul3A_9] : memref<24576xf32, #tpu.memory_space<hbm>> -> memref<1536xf32, #tpu.memory_space<hbm>>
        %dma_wait3A_22 = arith.constant 1536 : i32
        %dma_wait3A_23 = tpu.memref_slice %arg42[%dma_wait3A_22] : memref<4608xf32, #tpu.memory_space<vmem>> -> memref<1536xf32, #tpu.memory_space<vmem>>
        tpu.wait_dma2 semaphore(%run_scoped3A : memref<!tpu.dma_semaphore, #tpu.memory_space<semaphore_mem>>) src(%dma_wait3A_23 : memref<1536xf32, #tpu.memory_space<vmem>>) dst(%dma_wait3A_21 : memref<1536xf32, #tpu.memory_space<hbm>>)
        tpu.yield
      }) : () -> ()
      "tpu.region"() ({
        %run_scoped3A = tpu.sem_alloc : memref<!tpu.dma_semaphore, #tpu.memory_space<semaphore_mem>>
        %dma_start3A = arith.constant 3072 : i32
        %dma_start3A_14 = tpu.memref_slice %arg42[%dma_start3A] : memref<4608xf32, #tpu.memory_space<vmem>> -> memref<1536xf32, #tpu.memory_space<vmem>>
        %dma_start3A_15 = tpu.memref_slice %arg27[%mul3A_9] : memref<24576xf32, #tpu.memory_space<hbm>> -> memref<1536xf32, #tpu.memory_space<hbm>>
        %dma_start3A_16 = tpu.memref_slice %arg27[%mul3A_9] : memref<24576xf32, #tpu.memory_space<hbm>> -> memref<1536xf32, #tpu.memory_space<hbm>>
        %dma_start3A_17 = arith.constant 3072 : i32
        %dma_start3A_18 = tpu.memref_slice %arg42[%dma_start3A_17] : memref<4608xf32, #tpu.memory_space<vmem>> -> memref<1536xf32, #tpu.memory_space<vmem>>
        tpu.enqueue_dma source(%dma_start3A_18 : memref<1536xf32, #tpu.memory_space<vmem>>) target(%dma_start3A_16 : memref<1536xf32, #tpu.memory_space<hbm>>) target_semaphore(%run_scoped3A : memref<!tpu.dma_semaphore, #tpu.memory_space<semaphore_mem>>)
        %dma_wait3A = arith.constant 3072 : i32
        %dma_wait3A_19 = tpu.memref_slice %arg42[%dma_wait3A] : memref<4608xf32, #tpu.memory_space<vmem>> -> memref<1536xf32, #tpu.memory_space<vmem>>
        %dma_wait3A_20 = tpu.memref_slice %arg27[%mul3A_9] : memref<24576xf32, #tpu.memory_space<hbm>> -> memref<1536xf32, #tpu.memory_space<hbm>>
        %dma_wait3A_21 = tpu.memref_slice %arg27[%mul3A_9] : memref<24576xf32, #tpu.memory_space<hbm>> -> memref<1536xf32, #tpu.memory_space<hbm>>
        %dma_wait3A_22 = arith.constant 3072 : i32
        %dma_wait3A_23 = tpu.memref_slice %arg42[%dma_wait3A_22] : memref<4608xf32, #tpu.memory_space<vmem>> -> memref<1536xf32, #tpu.memory_space<vmem>>
        tpu.wait_dma2 semaphore(%run_scoped3A : memref<!tpu.dma_semaphore, #tpu.memory_space<semaphore_mem>>) src(%dma_wait3A_23 : memref<1536xf32, #tpu.memory_space<vmem>>) dst(%dma_wait3A_21 : memref<1536xf32, #tpu.memory_space<hbm>>)
        tpu.yield
      }) : () -> ()
    } else {
    }
    return
  }
}

module attributes {stable_mosaic.version = 14 : i64} {
  func.func @_tc2_body(%arg0: i32, %arg1: memref<1000x8xf32, #tpu.memory_space<vmem>>, %arg2: memref<8x4096xf32, #tpu.memory_space<vmem>>, %arg3: memref<1000x1xi32, #tpu.memory_space<vmem>>, %arg4: memref<1x2xf32, #tpu.memory_space<vmem>>, %arg5: memref<1x4096xf32, #tpu.memory_space<vmem>>, %arg6: memref<1000x1xf32, #tpu.memory_space<vmem>>) attributes {dimension_semantics = [#tpu.dimension_semantics<arbitrary>], iteration_bounds = array<i64: 8>, scalar_prefetch = 0 : i64, scratch_operands = 2 : i64, tpu.core_type = #tpu.core_type<tc>, window_params = [{transform_indices = @transform_0, window_bounds = array<i64: 1000, 8>}, {pipeline_mode = #tpu.pipeline_mode<synchronous>, transform_indices = @transform_1, window_bounds = array<i64: 8, 4096>}, {transform_indices = @transform_2, window_bounds = array<i64: 1000, 1>}, {pipeline_mode = #tpu.pipeline_mode<synchronous>, transform_indices = @transform_3, window_bounds = array<i64: 1, 2>}]} {
    %get3A = arith.constant 0 : index
    %get3A_0 = arith.constant 0 : index
    %get3A_1 = vector.load %arg1[%get3A, %get3A_0] : memref<1000x8xf32, #tpu.memory_space<vmem>>, vector<1000x8xf32>
    %get3A_2 = arith.constant 0 : index
    %get3A_3 = arith.constant 0 : index
    %get3A_4 = vector.load %arg2[%get3A_2, %get3A_3] : memref<8x4096xf32, #tpu.memory_space<vmem>>, vector<8x4096xf32>
    %slice3A = vector.extract_strided_slice %get3A_1 {offsets = [0, 0], sizes = [1000, 1], strides = [1, 1]} : vector<1000x8xf32> to vector<1000x1xf32>
    %slice3A_5 = vector.extract_strided_slice %get3A_1 {offsets = [0, 0], sizes = [1000, 1], strides = [1, 1]} : vector<1000x8xf32> to vector<1000x1xf32>
    %mul3A = arith.mulf %slice3A, %slice3A_5 : vector<1000x1xf32>
    %slice3A_6 = vector.extract_strided_slice %get3A_1 {offsets = [0, 1], sizes = [1000, 1], strides = [1, 1]} : vector<1000x8xf32> to vector<1000x1xf32>
    %slice3A_7 = vector.extract_strided_slice %get3A_1 {offsets = [0, 1], sizes = [1000, 1], strides = [1, 1]} : vector<1000x8xf32> to vector<1000x1xf32>
    %mul3A_8 = arith.mulf %slice3A_6, %slice3A_7 : vector<1000x1xf32>
    %add3A = arith.addf %mul3A, %mul3A_8 : vector<1000x1xf32>
    %slice3A_9 = vector.extract_strided_slice %get3A_1 {offsets = [0, 2], sizes = [1000, 1], strides = [1, 1]} : vector<1000x8xf32> to vector<1000x1xf32>
    %slice3A_10 = vector.extract_strided_slice %get3A_1 {offsets = [0, 2], sizes = [1000, 1], strides = [1, 1]} : vector<1000x8xf32> to vector<1000x1xf32>
    %mul3A_11 = arith.mulf %slice3A_9, %slice3A_10 : vector<1000x1xf32>
    %add3A_12 = arith.addf %add3A, %mul3A_11 : vector<1000x1xf32>
    %slice3A_13 = vector.extract_strided_slice %get3A_4 {offsets = [0, 0], sizes = [1, 4096], strides = [1, 1]} : vector<8x4096xf32> to vector<1x4096xf32>
    %slice3A_14 = vector.extract_strided_slice %get3A_4 {offsets = [0, 0], sizes = [1, 4096], strides = [1, 1]} : vector<8x4096xf32> to vector<1x4096xf32>
    %mul3A_15 = arith.mulf %slice3A_13, %slice3A_14 : vector<1x4096xf32>
    %slice3A_16 = vector.extract_strided_slice %get3A_4 {offsets = [1, 0], sizes = [1, 4096], strides = [1, 1]} : vector<8x4096xf32> to vector<1x4096xf32>
    %slice3A_17 = vector.extract_strided_slice %get3A_4 {offsets = [1, 0], sizes = [1, 4096], strides = [1, 1]} : vector<8x4096xf32> to vector<1x4096xf32>
    %mul3A_18 = arith.mulf %slice3A_16, %slice3A_17 : vector<1x4096xf32>
    %add3A_19 = arith.addf %mul3A_15, %mul3A_18 : vector<1x4096xf32>
    %slice3A_20 = vector.extract_strided_slice %get3A_4 {offsets = [2, 0], sizes = [1, 4096], strides = [1, 1]} : vector<8x4096xf32> to vector<1x4096xf32>
    %slice3A_21 = vector.extract_strided_slice %get3A_4 {offsets = [2, 0], sizes = [1, 4096], strides = [1, 1]} : vector<8x4096xf32> to vector<1x4096xf32>
    %mul3A_22 = arith.mulf %slice3A_20, %slice3A_21 : vector<1x4096xf32>
    %add3A_23 = arith.addf %add3A_19, %mul3A_22 : vector<1x4096xf32>
    %convert_element_type3A = arith.truncf %get3A_1 : vector<1000x8xf32> to vector<1000x8xbf16>
    %convert_element_type3A_24 = arith.truncf %get3A_4 : vector<8x4096xf32> to vector<8x4096xbf16>
    %dot_general3A = arith.constant dense<0.000000e+00> : vector<1000x4096xf32>
    %dot_general3A_25 = tpu.matmul %convert_element_type3A, %convert_element_type3A_24, %dot_general3A {dimension_numbers = #tpu.dot_dimension_numbers<[1], [0], [0], [1], [0, 0, 1, 1], [], []>, transpose_lhs_hint = false} : vector<1000x8xbf16>, vector<8x4096xbf16>, vector<1000x4096xf32> -> vector<1000x4096xf32>
    %add3A_26 = vector.broadcast %add3A_23 : vector<1x4096xf32> to vector<1000x4096xf32>
    %add3A_27 = vector.broadcast %add3A_12 : vector<1000x1xf32> to vector<1000x4096xf32>
    %add3A_28 = arith.addf %add3A_26, %add3A_27 : vector<1000x4096xf32>
    %mul3A_29 = arith.constant 2.000000e+00 : f32
    %mul3A_30 = vector.broadcast %mul3A_29 : f32 to vector<1000x4096xf32>
    %mul3A_31 = arith.mulf %mul3A_30, %dot_general3A_25 : vector<1000x4096xf32>
    %sub3A = arith.subf %add3A_28, %mul3A_31 : vector<1000x4096xf32>
    %iota3A = tpu.iota {dimensions = array<i32: 1>} : vector<1x4096xi32>
    %lt3A = arith.constant 4000 : i32
    %lt3A_32 = vector.broadcast %lt3A : i32 to vector<1x4096xi32>
    %lt3A_33 = arith.cmpi slt, %iota3A, %lt3A_32 : vector<1x4096xi32>
    %jit3A = arith.constant 3.400000e+38 : f32
    %broadcast_in_dim3A = vector.shape_cast %lt3A_33 : vector<1x4096xi1> to vector<1x4096xi1>
    %broadcast_in_dim3A_34 = vector.broadcast %broadcast_in_dim3A : vector<1x4096xi1> to vector<1000x4096xi1>
    %broadcast_in_dim3A_35 = vector.broadcast %jit3A : f32 to vector<1000x4096xf32>
    %select_n3A = arith.select %broadcast_in_dim3A_34, %sub3A, %broadcast_in_dim3A_35 : vector<1000x4096xi1>, vector<1000x4096xf32>
    %eq3A = arith.constant 0 : i32
    %eq3A_36 = arith.cmpi eq, %arg0, %eq3A : i32
    %broadcast_in_dim3A_37 = arith.constant 3.400000e+38 : f32
    %broadcast_in_dim3A_38 = vector.broadcast %broadcast_in_dim3A_37 : f32 to vector<1x4096xf32>
    %get3A_39 = arith.constant 0 : index
    %get3A_40 = arith.constant 0 : index
    %get3A_41 = vector.load %arg5[%get3A_39, %get3A_40] : memref<1x4096xf32, #tpu.memory_space<vmem>>, vector<1x4096xf32>
    %select_n3A_42 = arith.select %eq3A_36, %broadcast_in_dim3A_38, %get3A_41 : vector<1x4096xf32>
    %reduce_min3A = arith.constant dense<0x7F800000> : vector<4096xf32>
    %reduce_min3A_43 = vector.multi_reduction <minimumf>, %select_n3A, %reduce_min3A [0] : vector<1000x4096xf32> to vector<4096xf32>
    %broadcast_in_dim3A_44 = vector.shape_cast %reduce_min3A_43 : vector<4096xf32> to vector<1x4096xf32>
    %min3A = arith.minimumf %select_n3A_42, %broadcast_in_dim3A_44 : vector<1x4096xf32>
    %swap3A = arith.constant 0 : index
    %swap3A_45 = arith.constant 0 : index
    %swap3A_46 = vector.load %arg5[%swap3A, %swap3A_45] : memref<1x4096xf32, #tpu.memory_space<vmem>>, vector<1x4096xf32>
    tpu.vector_store %arg5[%swap3A, %swap3A_45], %min3A {strides = array<i32>} : memref<1x4096xf32, #tpu.memory_space<vmem>>, vector<1x4096xf32>,
    %reduce_min3A_47 = arith.constant dense<0x7F800000> : vector<1000xf32>
    %reduce_min3A_48 = vector.multi_reduction <minimumf>, %select_n3A, %reduce_min3A_47 [1] : vector<1000x4096xf32> to vector<1000xf32>
    %broadcast_in_dim3A_49 = vector.shape_cast %reduce_min3A_48 : vector<1000xf32> to vector<1000x1xf32>
    %iota3A_50 = tpu.iota {dimensions = array<i32: 1>} : vector<1000x4096xi32>
    %eq3A_51 = vector.broadcast %broadcast_in_dim3A_49 : vector<1000x1xf32> to vector<1000x4096xf32>
    %eq3A_52 = arith.cmpf oeq, %select_n3A, %eq3A_51 : vector<1000x4096xf32>
    %jit3A_53 = arith.constant 4096 : i32
    %broadcast_in_dim3A_54 = vector.broadcast %jit3A_53 : i32 to vector<1000x4096xi32>
    %select_n3A_55 = arith.select %eq3A_52, %iota3A_50, %broadcast_in_dim3A_54 : vector<1000x4096xi1>, vector<1000x4096xi32>
    %reduce_min3A_56 = arith.constant dense<2147483647> : vector<1000xi32>
    %reduce_min3A_57 = vector.multi_reduction <minsi>, %select_n3A_55, %reduce_min3A_56 [1] : vector<1000x4096xi32> to vector<1000xi32>
    %broadcast_in_dim3A_58 = vector.shape_cast %reduce_min3A_57 : vector<1000xi32> to vector<1000x1xi32>
    %swap3A_59 = arith.constant 0 : index
    %swap3A_60 = arith.constant 0 : index
    %swap3A_61 = vector.load %arg3[%swap3A_59, %swap3A_60] : memref<1000x1xi32, #tpu.memory_space<vmem>>, vector<1000x1xi32>
    tpu.vector_store %arg3[%swap3A_59, %swap3A_60], %broadcast_in_dim3A_58 {strides = array<i32>} : memref<1000x1xi32, #tpu.memory_space<vmem>>, vector<1000x1xi32>,
    %broadcast_in_dim3A_62 = arith.constant 0.000000e+00 : f32
    %broadcast_in_dim3A_63 = vector.broadcast %broadcast_in_dim3A_62 : f32 to vector<1000x1xf32>
    %get3A_64 = arith.constant 0 : index
    %get3A_65 = arith.constant 0 : index
    %get3A_66 = vector.load %arg6[%get3A_64, %get3A_65] : memref<1000x1xf32, #tpu.memory_space<vmem>>, vector<1000x1xf32>
    %select_n3A_67 = arith.select %eq3A_36, %broadcast_in_dim3A_63, %get3A_66 : vector<1000x1xf32>
    %add3A_68 = arith.addf %select_n3A_67, %broadcast_in_dim3A_49 : vector<1000x1xf32>
    %swap3A_69 = arith.constant 0 : index
    %swap3A_70 = arith.constant 0 : index
    %swap3A_71 = vector.load %arg6[%swap3A_69, %swap3A_70] : memref<1000x1xf32, #tpu.memory_space<vmem>>, vector<1000x1xf32>
    tpu.vector_store %arg6[%swap3A_69, %swap3A_70], %add3A_68 {strides = array<i32>} : memref<1000x1xf32, #tpu.memory_space<vmem>>, vector<1000x1xf32>,
    %lt3A_72 = arith.constant 4000 : i32
    %lt3A_73 = vector.broadcast %lt3A_72 : i32 to vector<1x4096xi32>
    %lt3A_74 = arith.cmpi slt, %iota3A, %lt3A_73 : vector<1x4096xi32>
    %jit3A_75 = arith.constant 0.000000e+00 : f32
    %broadcast_in_dim3A_76 = vector.broadcast %jit3A_75 : f32 to vector<1x4096xf32>
    %select_n3A_77 = arith.select %lt3A_74, %min3A, %broadcast_in_dim3A_76 : vector<1x4096xi1>, vector<1x4096xf32>
    %reduce_sum3A = vector.shape_cast %select_n3A_77 : vector<1x4096xf32> to vector<1x1x4096xf32>
    %reduce_sum3A_78 = arith.constant dense<0.000000e+00> : vector<1xf32>
    %reduce_sum3A_79 = vector.multi_reduction <add>, %reduce_sum3A, %reduce_sum3A_78 [1, 2] : vector<1x1x4096xf32> to vector<1xf32>
    %reduce_sum3A_80 = vector.shape_cast %reduce_sum3A_79 : vector<1xf32> to vector<1x1x1xf32>
    %reduce_sum3A_81 = vector.extract %reduce_sum3A_80[0, 0, 0] : f32 from vector<1x1x1xf32>
    %reduce_sum3A_82 = vector.shape_cast %add3A_68 : vector<1000x1xf32> to vector<1x1000x1xf32>
    %reduce_sum3A_83 = arith.constant dense<0.000000e+00> : vector<1xf32>
    %reduce_sum3A_84 = vector.multi_reduction <add>, %reduce_sum3A_82, %reduce_sum3A_83 [1, 2] : vector<1x1000x1xf32> to vector<1xf32>
    %reduce_sum3A_85 = vector.shape_cast %reduce_sum3A_84 : vector<1xf32> to vector<1x1x1xf32>
    %reduce_sum3A_86 = vector.extract %reduce_sum3A_85[0, 0, 0] : f32 from vector<1x1x1xf32>
    %stack3A = vector.broadcast %reduce_sum3A_81 : f32 to vector<1xf32>
    %stack3A_87 = vector.broadcast %reduce_sum3A_86 : f32 to vector<1xf32>
    %stack3A_88 = tpu.concatenate %stack3A, %stack3A_87 in 0 : vector<1xf32>, vector<1xf32> -> vector<2xf32>
    %reshape3A = vector.shape_cast %stack3A_88 : vector<2xf32> to vector<1x2xf32>
    %swap3A_89 = arith.constant 0 : index
    %swap3A_90 = arith.constant 0 : index
    %swap3A_91 = vector.load %arg4[%swap3A_89, %swap3A_90] : memref<1x2xf32, #tpu.memory_space<vmem>>, vector<1x2xf32>
    tpu.vector_store %arg4[%swap3A_89, %swap3A_90], %reshape3A {strides = array<i32>} : memref<1x2xf32, #tpu.memory_space<vmem>>, vector<1x2xf32>,
    return
  }
  func.func @transform_0(%arg0: i32) -> (i32, i32) {
    %c0_i32 = arith.constant 0 : i32
    %c0_i32_0 = arith.constant 0 : i32
    return %arg0, %c0_i32 : i32, i32
  }
  func.func @transform_1(%arg0: i32) -> (i32, i32) {
    %c0_i32 = arith.constant 0 : i32
    %c0_i32_0 = arith.constant 0 : i32
    %c0_i32_1 = arith.constant 0 : i32
    return %c0_i32, %c0_i32_0 : i32, i32
  }
  func.func @transform_2(%arg0: i32) -> (i32, i32) {
    %c0_i32 = arith.constant 0 : i32
    %c0_i32_0 = arith.constant 0 : i32
    return %arg0, %c0_i32 : i32, i32
  }
  func.func @transform_3(%arg0: i32) -> (i32, i32) {
    %c0_i32 = arith.constant 0 : i32
    %c0_i32_0 = arith.constant 0 : i32
    %c0_i32_1 = arith.constant 0 : i32
    return %c0_i32, %c0_i32_0 : i32, i32
  }
}

module attributes {stable_mosaic.version = 14 : i64} {
  func.func @_tc1_body(%arg0: memref<128x128xf32, #tpu.memory_space<vmem>>, %arg1: memref<128x128xf32, #tpu.memory_space<vmem>>, %arg2: memref<128x128xf32, #tpu.memory_space<vmem>>, %arg3: memref<128x128xf32, #tpu.memory_space<vmem>>, %arg4: memref<128x128xf32, #tpu.memory_space<vmem>>, %arg5: memref<128x128xf32, #tpu.memory_space<vmem>>, %arg6: memref<128x128xf32, #tpu.memory_space<vmem>>, %arg7: memref<128x128xf32, #tpu.memory_space<vmem>>, %arg8: memref<128x128xf32, #tpu.memory_space<vmem>>, %arg9: memref<128x128xf32, #tpu.memory_space<vmem>>, %arg10: memref<1x16xf32, #tpu.memory_space<vmem>>) attributes {dimension_semantics = [], scalar_prefetch = 0 : i64, scratch_operands = 0 : i64, tpu.core_type = #tpu.core_type<tc>} {
    %get3A = arith.constant 0 : index
    %get3A_0 = arith.constant 0 : index
    %get3A_1 = vector.load %arg0[%get3A, %get3A_0] : memref<128x128xf32, #tpu.memory_space<vmem>>, vector<128x128xf32>
    %get3A_2 = arith.constant 0 : index
    %get3A_3 = arith.constant 0 : index
    %get3A_4 = vector.load %arg3[%get3A_2, %get3A_3] : memref<128x128xf32, #tpu.memory_space<vmem>>, vector<128x128xf32>
    %sub3A = arith.subf %get3A_1, %get3A_4 : vector<128x128xf32>
    %get3A_5 = arith.constant 0 : index
    %get3A_6 = arith.constant 0 : index
    %get3A_7 = vector.load %arg1[%get3A_5, %get3A_6] : memref<128x128xf32, #tpu.memory_space<vmem>>, vector<128x128xf32>
    %get3A_8 = arith.constant 0 : index
    %get3A_9 = arith.constant 0 : index
    %get3A_10 = vector.load %arg4[%get3A_8, %get3A_9] : memref<128x128xf32, #tpu.memory_space<vmem>>, vector<128x128xf32>
    %sub3A_11 = arith.subf %get3A_7, %get3A_10 : vector<128x128xf32>
    %get3A_12 = arith.constant 0 : index
    %get3A_13 = arith.constant 0 : index
    %get3A_14 = vector.load %arg2[%get3A_12, %get3A_13] : memref<128x128xf32, #tpu.memory_space<vmem>>, vector<128x128xf32>
    %get3A_15 = arith.constant 0 : index
    %get3A_16 = arith.constant 0 : index
    %get3A_17 = vector.load %arg5[%get3A_15, %get3A_16] : memref<128x128xf32, #tpu.memory_space<vmem>>, vector<128x128xf32>
    %sub3A_18 = arith.subf %get3A_14, %get3A_17 : vector<128x128xf32>
    %get3A_19 = arith.constant 0 : index
    %get3A_20 = arith.constant 0 : index
    %get3A_21 = vector.load %arg3[%get3A_19, %get3A_20] : memref<128x128xf32, #tpu.memory_space<vmem>>, vector<128x128xf32>
    %get3A_22 = arith.constant 0 : index
    %get3A_23 = arith.constant 0 : index
    %get3A_24 = vector.load %arg6[%get3A_22, %get3A_23] : memref<128x128xf32, #tpu.memory_space<vmem>>, vector<128x128xf32>
    %sub3A_25 = arith.subf %get3A_21, %get3A_24 : vector<128x128xf32>
    %get3A_26 = arith.constant 0 : index
    %get3A_27 = arith.constant 0 : index
    %get3A_28 = vector.load %arg4[%get3A_26, %get3A_27] : memref<128x128xf32, #tpu.memory_space<vmem>>, vector<128x128xf32>
    %get3A_29 = arith.constant 0 : index
    %get3A_30 = arith.constant 0 : index
    %get3A_31 = vector.load %arg7[%get3A_29, %get3A_30] : memref<128x128xf32, #tpu.memory_space<vmem>>, vector<128x128xf32>
    %sub3A_32 = arith.subf %get3A_28, %get3A_31 : vector<128x128xf32>
    %get3A_33 = arith.constant 0 : index
    %get3A_34 = arith.constant 0 : index
    %get3A_35 = vector.load %arg5[%get3A_33, %get3A_34] : memref<128x128xf32, #tpu.memory_space<vmem>>, vector<128x128xf32>
    %get3A_36 = arith.constant 0 : index
    %get3A_37 = arith.constant 0 : index
    %get3A_38 = vector.load %arg8[%get3A_36, %get3A_37] : memref<128x128xf32, #tpu.memory_space<vmem>>, vector<128x128xf32>
    %sub3A_39 = arith.subf %get3A_35, %get3A_38 : vector<128x128xf32>
    %mul3A = arith.mulf %sub3A_11, %sub3A_39 : vector<128x128xf32>
    %mul3A_40 = arith.mulf %sub3A_18, %sub3A_32 : vector<128x128xf32>
    %sub3A_41 = arith.subf %mul3A, %mul3A_40 : vector<128x128xf32>
    %integer_pow3A = arith.mulf %sub3A_41, %sub3A_41 : vector<128x128xf32>
    %mul3A_42 = arith.mulf %sub3A_18, %sub3A_25 : vector<128x128xf32>
    %mul3A_43 = arith.mulf %sub3A, %sub3A_39 : vector<128x128xf32>
    %sub3A_44 = arith.subf %mul3A_42, %mul3A_43 : vector<128x128xf32>
    %integer_pow3A_45 = arith.mulf %sub3A_44, %sub3A_44 : vector<128x128xf32>
    %mul3A_46 = arith.mulf %sub3A, %sub3A_32 : vector<128x128xf32>
    %mul3A_47 = arith.mulf %sub3A_11, %sub3A_25 : vector<128x128xf32>
    %sub3A_48 = arith.subf %mul3A_46, %mul3A_47 : vector<128x128xf32>
    %integer_pow3A_49 = arith.mulf %sub3A_48, %sub3A_48 : vector<128x128xf32>
    %add3A = arith.addf %integer_pow3A, %integer_pow3A_45 : vector<128x128xf32>
    %add3A_50 = arith.addf %add3A, %integer_pow3A_49 : vector<128x128xf32>
    %sqrt3A = math.sqrt %add3A_50 : vector<128x128xf32>
    %div3A = arith.constant 2.000000e+00 : f32
    %div3A_51 = vector.broadcast %div3A : f32 to vector<128x128xf32>
    %div3A_52 = arith.divf %sqrt3A, %div3A_51 : vector<128x128xf32>
    %iota3A = tpu.iota {dimensions = array<i32: 0>} : vector<128x128xi32>
    %lt3A = arith.constant 125 : i32
    %lt3A_53 = vector.broadcast %lt3A : i32 to vector<128x128xi32>
    %lt3A_54 = arith.cmpi slt, %iota3A, %lt3A_53 : vector<128x128xi32>
    %jit3A = arith.constant 0.000000e+00 : f32
    %broadcast_in_dim3A = vector.broadcast %jit3A : f32 to vector<128x128xf32>
    %select_n3A = arith.select %lt3A_54, %div3A_52, %broadcast_in_dim3A : vector<128x128xi1>, vector<128x128xf32>
    %iota3A_55 = tpu.iota {dimensions = array<i32: 0>} : vector<128x128xi32>
    %iota3A_56 = tpu.iota {dimensions = array<i32: 1>} : vector<128x128xi32>
    %le3A = arith.cmpi sle, %iota3A_55, %iota3A_56 : vector<128x128xi32>
    %convert_element_type3A = arith.extui %le3A : vector<128x128xi1> to vector<128x128xi32>
    %convert_element_type3A_57 = arith.sitofp %convert_element_type3A : vector<128x128xi32> to vector<128x128xf32>
    %gt3A = arith.cmpi sgt, %iota3A_55, %iota3A_56 : vector<128x128xi32>
    %convert_element_type3A_58 = arith.extui %gt3A : vector<128x128xi1> to vector<128x128xi32>
    %convert_element_type3A_59 = arith.sitofp %convert_element_type3A_58 : vector<128x128xi32> to vector<128x128xf32>
    %dot_general3A = arith.constant dense<0.000000e+00> : vector<128x128xf32>
    %dot_general3A_60 = tpu.matmul %select_n3A, %convert_element_type3A_57, %dot_general3A {dimension_numbers = #tpu.dot_dimension_numbers<[1], [0], [0], [1], [0, 0, 1, 1], [], []>, precision = #tpu.contract_precision<fp32>, transpose_lhs_hint = false} : vector<128x128xf32>, vector<128x128xf32>, vector<128x128xf32> -> vector<128x128xf32>
    %slice3A = vector.extract_strided_slice %dot_general3A_60 {offsets = [0, 127], sizes = [128, 1], strides = [1, 1]} : vector<128x128xf32> to vector<128x1xf32>
    %dot_general3A_61 = arith.constant dense<0.000000e+00> : vector<128x1xf32>
    %dot_general3A_62 = tpu.matmul %convert_element_type3A_59, %slice3A, %dot_general3A_61 {dimension_numbers = #tpu.dot_dimension_numbers<[1], [0], [0], [1], [0, 0, 1, 1], [], []>, precision = #tpu.contract_precision<fp32>, transpose_lhs_hint = false} : vector<128x128xf32>, vector<128x1xf32>, vector<128x1xf32> -> vector<128x1xf32>
    %add3A_63 = vector.broadcast %dot_general3A_62 : vector<128x1xf32> to vector<128x128xf32>
    %add3A_64 = arith.addf %dot_general3A_60, %add3A_63 : vector<128x128xf32>
    %swap3A = arith.constant 0 : index
    %swap3A_65 = arith.constant 0 : index
    %swap3A_66 = vector.load %arg9[%swap3A, %swap3A_65] : memref<128x128xf32, #tpu.memory_space<vmem>>, vector<128x128xf32>
    tpu.vector_store %arg9[%swap3A, %swap3A_65], %add3A_64 {strides = array<i32>} : memref<128x128xf32, #tpu.memory_space<vmem>>, vector<128x128xf32>,
    %slice3A_67 = vector.extract_strided_slice %add3A_64 {offsets = [127, 127], sizes = [1, 1], strides = [1, 1]} : vector<128x128xf32> to vector<1x1xf32>
    %broadcast_in_dim3A_68 = vector.shape_cast %slice3A_67 : vector<1x1xf32> to vector<1x1xf32>
    %broadcast_in_dim3A_69 = vector.broadcast %broadcast_in_dim3A_68 : vector<1x1xf32> to vector<1x16xf32>
    %swap3A_70 = arith.constant 0 : index
    %swap3A_71 = arith.constant 0 : index
    %swap3A_72 = vector.load %arg10[%swap3A_70, %swap3A_71] : memref<1x16xf32, #tpu.memory_space<vmem>>, vector<1x16xf32>
    tpu.vector_store %arg10[%swap3A_70, %swap3A_71], %broadcast_in_dim3A_69 {strides = array<i32>} : memref<1x16xf32, #tpu.memory_space<vmem>>, vector<1x16xf32>,
    return
  }
}

module attributes {stable_mosaic.version = 14 : i64} {
  func.func @_tc3_body(%arg0: i32, %arg1: memref<4000x3xf32, #tpu.memory_space<vmem>>, %arg2: memref<1x1024xf32, #tpu.memory_space<vmem>>, %arg3: memref<1x1024xf32, #tpu.memory_space<vmem>>, %arg4: memref<1x1024xf32, #tpu.memory_space<vmem>>, %arg5: memref<1x1024xf32, #tpu.memory_space<vmem>>, %arg6: memref<1x1024xf32, #tpu.memory_space<vmem>>, %arg7: memref<1x1024xf32, #tpu.memory_space<vmem>>, %arg8: memref<1x1024xf32, #tpu.memory_space<vmem>>, %arg9: memref<1x1024xf32, #tpu.memory_space<vmem>>, %arg10: memref<1x1024xf32, #tpu.memory_space<vmem>>, %arg11: memref<1x1024xf32, #tpu.memory_space<vmem>>, %arg12: memref<1x1024xf32, #tpu.memory_space<vmem>>, %arg13: memref<192x128xf32, #tpu.memory_space<vmem>>, %arg14: memref<192x128xf32, #tpu.memory_space<vmem>>, %arg15: memref<192x128xf32, #tpu.memory_space<vmem>>, %arg16: memref<192x128xf32, #tpu.memory_space<vmem>>, %arg17: memref<192x128xf32, #tpu.memory_space<vmem>>, %arg18: memref<192x128xf32, #tpu.memory_space<vmem>>, %arg19: memref<192x128xf32, #tpu.memory_space<vmem>>, %arg20: memref<192x128xf32, #tpu.memory_space<vmem>>, %arg21: memref<192x128xf32, #tpu.memory_space<vmem>>, %arg22: memref<1x2xf32, #tpu.memory_space<vmem>>, %arg23: memref<1x1xf32, #tpu.memory_space<vmem>>, %arg24: memref<4000x1xf32, #tpu.memory_space<vmem>>, %arg25: memref<1x1024xf32, #tpu.memory_space<vmem>>) attributes {dimension_semantics = [#tpu.dimension_semantics<arbitrary>], iteration_bounds = array<i64: 4>, scalar_prefetch = 0 : i64, scratch_operands = 2 : i64, tpu.core_type = #tpu.core_type<tc>, window_params = [{pipeline_mode = #tpu.pipeline_mode<synchronous>, transform_indices = @transform_0, window_bounds = array<i64: 4000, 3>}, {transform_indices = @transform_1, window_bounds = array<i64: 1, 1024>}, {transform_indices = @transform_2, window_bounds = array<i64: 1, 1024>}, {transform_indices = @transform_3, window_bounds = array<i64: 1, 1024>}, {transform_indices = @transform_4, window_bounds = array<i64: 1, 1024>}, {transform_indices = @transform_5, window_bounds = array<i64: 1, 1024>}, {transform_indices = @transform_6, window_bounds = array<i64: 1, 1024>}, {transform_indices = @transform_7, window_bounds = array<i64: 1, 1024>}, {transform_indices = @transform_8, window_bounds = array<i64: 1, 1024>}, {transform_indices = @transform_9, window_bounds = array<i64: 1, 1024>}, {transform_indices = @transform_10, window_bounds = array<i64: 1, 1024>}, {transform_indices = @transform_11, window_bounds = array<i64: 1, 1024>}, {pipeline_mode = #tpu.pipeline_mode<synchronous>, transform_indices = @transform_12, window_bounds = array<i64: 192, 128>}, {pipeline_mode = #tpu.pipeline_mode<synchronous>, transform_indices = @transform_13, window_bounds = array<i64: 192, 128>}, {pipeline_mode = #tpu.pipeline_mode<synchronous>, transform_indices = @transform_14, window_bounds = array<i64: 192, 128>}, {pipeline_mode = #tpu.pipeline_mode<synchronous>, transform_indices = @transform_15, window_bounds = array<i64: 192, 128>}, {pipeline_mode = #tpu.pipeline_mode<synchronous>, transform_indices = @transform_16, window_bounds = array<i64: 192, 128>}, {pipeline_mode = #tpu.pipeline_mode<synchronous>, transform_indices = @transform_17, window_bounds = array<i64: 192, 128>}, {pipeline_mode = #tpu.pipeline_mode<synchronous>, transform_indices = @transform_18, window_bounds = array<i64: 192, 128>}, {pipeline_mode = #tpu.pipeline_mode<synchronous>, transform_indices = @transform_19, window_bounds = array<i64: 192, 128>}, {pipeline_mode = #tpu.pipeline_mode<synchronous>, transform_indices = @transform_20, window_bounds = array<i64: 192, 128>}, {pipeline_mode = #tpu.pipeline_mode<synchronous>, transform_indices = @transform_21, window_bounds = array<i64: 1, 2>}, {pipeline_mode = #tpu.pipeline_mode<synchronous>, transform_indices = @transform_22, window_bounds = array<i64: 1, 1>}]} {
    %get3A = arith.constant 0 : index
    %get3A_0 = arith.constant 0 : index
    %get3A_1 = vector.load %arg2[%get3A, %get3A_0] : memref<1x1024xf32, #tpu.memory_space<vmem>>, vector<1x1024xf32>
    %get3A_2 = arith.constant 0 : index
    %get3A_3 = arith.constant 0 : index
    %get3A_4 = vector.load %arg3[%get3A_2, %get3A_3] : memref<1x1024xf32, #tpu.memory_space<vmem>>, vector<1x1024xf32>
    %sub3A = arith.constant 1.000000e+00 : f32
    %sub3A_5 = vector.broadcast %sub3A : f32 to vector<1x1024xf32>
    %sub3A_6 = arith.subf %sub3A_5, %get3A_1 : vector<1x1024xf32>
    %sub3A_7 = arith.constant 1.000000e+00 : f32
    %sub3A_8 = vector.broadcast %sub3A_7 : f32 to vector<1x1024xf32>
    %sub3A_9 = arith.subf %sub3A_8, %get3A_4 : vector<1x1024xf32>
    %mul3A = arith.mulf %get3A_1, %sub3A_9 : vector<1x1024xf32>
    %mul3A_10 = arith.mulf %get3A_1, %get3A_4 : vector<1x1024xf32>
    %get3A_11 = arith.constant 0 : index
    %get3A_12 = arith.constant 0 : index
    %get3A_13 = vector.load %arg4[%get3A_11, %get3A_12] : memref<1x1024xf32, #tpu.memory_space<vmem>>, vector<1x1024xf32>
    %mul3A_14 = arith.mulf %sub3A_6, %get3A_13 : vector<1x1024xf32>
    %get3A_15 = arith.constant 0 : index
    %get3A_16 = arith.constant 0 : index
    %get3A_17 = vector.load %arg7[%get3A_15, %get3A_16] : memref<1x1024xf32, #tpu.memory_space<vmem>>, vector<1x1024xf32>
    %mul3A_18 = arith.mulf %mul3A, %get3A_17 : vector<1x1024xf32>
    %add3A = arith.addf %mul3A_14, %mul3A_18 : vector<1x1024xf32>
    %get3A_19 = arith.constant 0 : index
    %get3A_20 = arith.constant 0 : index
    %get3A_21 = vector.load %arg10[%get3A_19, %get3A_20] : memref<1x1024xf32, #tpu.memory_space<vmem>>, vector<1x1024xf32>
    %mul3A_22 = arith.mulf %mul3A_10, %get3A_21 : vector<1x1024xf32>
    %add3A_23 = arith.addf %add3A, %mul3A_22 : vector<1x1024xf32>
    %get3A_24 = arith.constant 0 : index
    %get3A_25 = arith.constant 0 : index
    %get3A_26 = vector.load %arg5[%get3A_24, %get3A_25] : memref<1x1024xf32, #tpu.memory_space<vmem>>, vector<1x1024xf32>
    %mul3A_27 = arith.mulf %sub3A_6, %get3A_26 : vector<1x1024xf32>
    %get3A_28 = arith.constant 0 : index
    %get3A_29 = arith.constant 0 : index
    %get3A_30 = vector.load %arg8[%get3A_28, %get3A_29] : memref<1x1024xf32, #tpu.memory_space<vmem>>, vector<1x1024xf32>
    %mul3A_31 = arith.mulf %mul3A, %get3A_30 : vector<1x1024xf32>
    %add3A_32 = arith.addf %mul3A_27, %mul3A_31 : vector<1x1024xf32>
    %get3A_33 = arith.constant 0 : index
    %get3A_34 = arith.constant 0 : index
    %get3A_35 = vector.load %arg11[%get3A_33, %get3A_34] : memref<1x1024xf32, #tpu.memory_space<vmem>>, vector<1x1024xf32>
    %mul3A_36 = arith.mulf %mul3A_10, %get3A_35 : vector<1x1024xf32>
    %add3A_37 = arith.addf %add3A_32, %mul3A_36 : vector<1x1024xf32>
    %get3A_38 = arith.constant 0 : index
    %get3A_39 = arith.constant 0 : index
    %get3A_40 = vector.load %arg6[%get3A_38, %get3A_39] : memref<1x1024xf32, #tpu.memory_space<vmem>>, vector<1x1024xf32>
    %mul3A_41 = arith.mulf %sub3A_6, %get3A_40 : vector<1x1024xf32>
    %get3A_42 = arith.constant 0 : index
    %get3A_43 = arith.constant 0 : index
    %get3A_44 = vector.load %arg9[%get3A_42, %get3A_43] : memref<1x1024xf32, #tpu.memory_space<vmem>>, vector<1x1024xf32>
    %mul3A_45 = arith.mulf %mul3A, %get3A_44 : vector<1x1024xf32>
    %add3A_46 = arith.addf %mul3A_41, %mul3A_45 : vector<1x1024xf32>
    %get3A_47 = arith.constant 0 : index
    %get3A_48 = arith.constant 0 : index
    %get3A_49 = vector.load %arg12[%get3A_47, %get3A_48] : memref<1x1024xf32, #tpu.memory_space<vmem>>, vector<1x1024xf32>
    %mul3A_50 = arith.mulf %mul3A_10, %get3A_49 : vector<1x1024xf32>
    %add3A_51 = arith.addf %add3A_46, %mul3A_50 : vector<1x1024xf32>
    %concatenate3A = tpu.concatenate %add3A_23, %add3A_37, %add3A_51 in 0 : vector<1x1024xf32>, vector<1x1024xf32>, vector<1x1024xf32> -> vector<3x1024xf32>
    %mul3A_52 = arith.mulf %add3A_23, %add3A_23 : vector<1x1024xf32>
    %mul3A_53 = arith.mulf %add3A_37, %add3A_37 : vector<1x1024xf32>
    %add3A_54 = arith.addf %mul3A_52, %mul3A_53 : vector<1x1024xf32>
    %mul3A_55 = arith.mulf %add3A_51, %add3A_51 : vector<1x1024xf32>
    %add3A_56 = arith.addf %add3A_54, %mul3A_55 : vector<1x1024xf32>
    %get3A_57 = arith.constant 0 : index
    %get3A_58 = arith.constant 0 : index
    %get3A_59 = vector.load %arg1[%get3A_57, %get3A_58] : memref<4000x3xf32, #tpu.memory_space<vmem>>, vector<4000x3xf32>
    %slice3A = vector.extract_strided_slice %get3A_59 {offsets = [0, 0], sizes = [4000, 1], strides = [1, 1]} : vector<4000x3xf32> to vector<4000x1xf32>
    %slice3A_60 = vector.extract_strided_slice %get3A_59 {offsets = [0, 0], sizes = [4000, 1], strides = [1, 1]} : vector<4000x3xf32> to vector<4000x1xf32>
    %mul3A_61 = arith.mulf %slice3A, %slice3A_60 : vector<4000x1xf32>
    %slice3A_62 = vector.extract_strided_slice %get3A_59 {offsets = [0, 1], sizes = [4000, 1], strides = [1, 1]} : vector<4000x3xf32> to vector<4000x1xf32>
    %slice3A_63 = vector.extract_strided_slice %get3A_59 {offsets = [0, 1], sizes = [4000, 1], strides = [1, 1]} : vector<4000x3xf32> to vector<4000x1xf32>
    %mul3A_64 = arith.mulf %slice3A_62, %slice3A_63 : vector<4000x1xf32>
    %add3A_65 = arith.addf %mul3A_61, %mul3A_64 : vector<4000x1xf32>
    %slice3A_66 = vector.extract_strided_slice %get3A_59 {offsets = [0, 2], sizes = [4000, 1], strides = [1, 1]} : vector<4000x3xf32> to vector<4000x1xf32>
    %slice3A_67 = vector.extract_strided_slice %get3A_59 {offsets = [0, 2], sizes = [4000, 1], strides = [1, 1]} : vector<4000x3xf32> to vector<4000x1xf32>
    %mul3A_68 = arith.mulf %slice3A_66, %slice3A_67 : vector<4000x1xf32>
    %add3A_69 = arith.addf %add3A_65, %mul3A_68 : vector<4000x1xf32>
    %convert_element_type3A = arith.truncf %get3A_59 : vector<4000x3xf32> to vector<4000x3xbf16>
    %convert_element_type3A_70 = arith.truncf %concatenate3A : vector<3x1024xf32> to vector<3x1024xbf16>
    %dot_general3A = arith.constant dense<0.000000e+00> : vector<4000x1024xf32>
    %dot_general3A_71 = tpu.matmul %convert_element_type3A, %convert_element_type3A_70, %dot_general3A {dimension_numbers = #tpu.dot_dimension_numbers<[1], [0], [0], [1], [0, 0, 1, 1], [], []>, transpose_lhs_hint = false} : vector<4000x3xbf16>, vector<3x1024xbf16>, vector<4000x1024xf32> -> vector<4000x1024xf32>
    %add3A_72 = vector.broadcast %add3A_69 : vector<4000x1xf32> to vector<4000x1024xf32>
    %add3A_73 = vector.broadcast %add3A_56 : vector<1x1024xf32> to vector<4000x1024xf32>
    %add3A_74 = arith.addf %add3A_72, %add3A_73 : vector<4000x1024xf32>
    %mul3A_75 = arith.constant 2.000000e+00 : f32
    %mul3A_76 = vector.broadcast %mul3A_75 : f32 to vector<4000x1024xf32>
    %mul3A_77 = arith.mulf %mul3A_76, %dot_general3A_71 : vector<4000x1024xf32>
    %sub3A_78 = arith.subf %add3A_74, %mul3A_77 : vector<4000x1024xf32>
    %mul3A_79 = arith.constant 1024 : i32
    %mul3A_80 = arith.muli %arg0, %mul3A_79 : i32
    %iota3A = tpu.iota {dimensions = array<i32: 1>} : vector<1x1024xi32>
    %add3A_81 = vector.broadcast %mul3A_80 : i32 to vector<1x1024xi32>
    %add3A_82 = arith.addi %add3A_81, %iota3A : vector<1x1024xi32>
    %lt3A = arith.constant 4000 : i32
    %lt3A_83 = vector.broadcast %lt3A : i32 to vector<1x1024xi32>
    %lt3A_84 = arith.cmpi slt, %add3A_82, %lt3A_83 : vector<1x1024xi32>
    %jit3A = arith.constant 3.400000e+38 : f32
    %broadcast_in_dim3A = vector.shape_cast %lt3A_84 : vector<1x1024xi1> to vector<1x1024xi1>
    %broadcast_in_dim3A_85 = vector.broadcast %broadcast_in_dim3A : vector<1x1024xi1> to vector<4000x1024xi1>
    %broadcast_in_dim3A_86 = vector.broadcast %jit3A : f32 to vector<4000x1024xf32>
    %select_n3A = arith.select %broadcast_in_dim3A_85, %sub3A_78, %broadcast_in_dim3A_86 : vector<4000x1024xi1>, vector<4000x1024xf32>
    %eq3A = arith.constant 0 : i32
    %eq3A_87 = arith.cmpi eq, %arg0, %eq3A : i32
    %broadcast_in_dim3A_88 = arith.constant 3.400000e+38 : f32
    %broadcast_in_dim3A_89 = vector.broadcast %broadcast_in_dim3A_88 : f32 to vector<4000x1xf32>
    %get3A_90 = arith.constant 0 : index
    %get3A_91 = arith.constant 0 : index
    %get3A_92 = vector.load %arg24[%get3A_90, %get3A_91] : memref<4000x1xf32, #tpu.memory_space<vmem>>, vector<4000x1xf32>
    %select_n3A_93 = arith.select %eq3A_87, %broadcast_in_dim3A_89, %get3A_92 : vector<4000x1xf32>
    %reduce_min3A = arith.constant dense<0x7F800000> : vector<4000xf32>
    %reduce_min3A_94 = vector.multi_reduction <minimumf>, %select_n3A, %reduce_min3A [1] : vector<4000x1024xf32> to vector<4000xf32>
    %broadcast_in_dim3A_95 = vector.shape_cast %reduce_min3A_94 : vector<4000xf32> to vector<4000x1xf32>
    %min3A = arith.minimumf %select_n3A_93, %broadcast_in_dim3A_95 : vector<4000x1xf32>
    %swap3A = arith.constant 0 : index
    %swap3A_96 = arith.constant 0 : index
    %swap3A_97 = vector.load %arg24[%swap3A, %swap3A_96] : memref<4000x1xf32, #tpu.memory_space<vmem>>, vector<4000x1xf32>
    tpu.vector_store %arg24[%swap3A, %swap3A_96], %min3A {strides = array<i32>} : memref<4000x1xf32, #tpu.memory_space<vmem>>, vector<4000x1xf32>,
    %reduce_min3A_98 = arith.constant dense<0x7F800000> : vector<1024xf32>
    %reduce_min3A_99 = vector.multi_reduction <minimumf>, %sub3A_78, %reduce_min3A_98 [0] : vector<4000x1024xf32> to vector<1024xf32>
    %broadcast_in_dim3A_100 = vector.shape_cast %reduce_min3A_99 : vector<1024xf32> to vector<1x1024xf32>
    %broadcast_in_dim3A_101 = arith.constant 0.000000e+00 : f32
    %broadcast_in_dim3A_102 = vector.broadcast %broadcast_in_dim3A_101 : f32 to vector<1x1024xf32>
    %get3A_103 = arith.constant 0 : index
    %get3A_104 = arith.constant 0 : index
    %get3A_105 = vector.load %arg25[%get3A_103, %get3A_104] : memref<1x1024xf32, #tpu.memory_space<vmem>>, vector<1x1024xf32>
    %select_n3A_106 = arith.select %eq3A_87, %broadcast_in_dim3A_102, %get3A_105 : vector<1x1024xf32>
    %jit3A_107 = arith.constant 0.000000e+00 : f32
    %broadcast_in_dim3A_108 = vector.broadcast %jit3A_107 : f32 to vector<1x1024xf32>
    %select_n3A_109 = arith.select %lt3A_84, %broadcast_in_dim3A_100, %broadcast_in_dim3A_108 : vector<1x1024xi1>, vector<1x1024xf32>
    %add3A_110 = arith.addf %select_n3A_106, %select_n3A_109 : vector<1x1024xf32>
    %swap3A_111 = arith.constant 0 : index
    %swap3A_112 = arith.constant 0 : index
    %swap3A_113 = vector.load %arg25[%swap3A_111, %swap3A_112] : memref<1x1024xf32, #tpu.memory_space<vmem>>, vector<1x1024xf32>
    tpu.vector_store %arg25[%swap3A_111, %swap3A_112], %add3A_110 {strides = array<i32>} : memref<1x1024xf32, #tpu.memory_space<vmem>>, vector<1x1024xf32>,
    %get3A_114 = arith.constant 0 : index
    %get3A_115 = arith.constant 0 : index
    %get3A_116 = vector.load %arg13[%get3A_114, %get3A_115] : memref<192x128xf32, #tpu.memory_space<vmem>>, vector<192x128xf32>
    %get3A_117 = arith.constant 0 : index
    %get3A_118 = arith.constant 0 : index
    %get3A_119 = vector.load %arg16[%get3A_117, %get3A_118] : memref<192x128xf32, #tpu.memory_space<vmem>>, vector<192x128xf32>
    %sub3A_120 = arith.subf %get3A_116, %get3A_119 : vector<192x128xf32>
    %get3A_121 = arith.constant 0 : index
    %get3A_122 = arith.constant 0 : index
    %get3A_123 = vector.load %arg14[%get3A_121, %get3A_122] : memref<192x128xf32, #tpu.memory_space<vmem>>, vector<192x128xf32>
    %get3A_124 = arith.constant 0 : index
    %get3A_125 = arith.constant 0 : index
    %get3A_126 = vector.load %arg17[%get3A_124, %get3A_125] : memref<192x128xf32, #tpu.memory_space<vmem>>, vector<192x128xf32>
    %sub3A_127 = arith.subf %get3A_123, %get3A_126 : vector<192x128xf32>
    %get3A_128 = arith.constant 0 : index
    %get3A_129 = arith.constant 0 : index
    %get3A_130 = vector.load %arg15[%get3A_128, %get3A_129] : memref<192x128xf32, #tpu.memory_space<vmem>>, vector<192x128xf32>
    %get3A_131 = arith.constant 0 : index
    %get3A_132 = arith.constant 0 : index
    %get3A_133 = vector.load %arg18[%get3A_131, %get3A_132] : memref<192x128xf32, #tpu.memory_space<vmem>>, vector<192x128xf32>
    %sub3A_134 = arith.subf %get3A_130, %get3A_133 : vector<192x128xf32>
    %iota3A_135 = tpu.iota {dimensions = array<i32: 0>} : vector<192x128xi32>
    %mul3A_136 = arith.constant 128 : i32
    %mul3A_137 = vector.broadcast %mul3A_136 : i32 to vector<192x128xi32>
    %mul3A_138 = arith.muli %iota3A_135, %mul3A_137 : vector<192x128xi32>
    %iota3A_139 = tpu.iota {dimensions = array<i32: 1>} : vector<192x128xi32>
    %add3A_140 = arith.addi %mul3A_138, %iota3A_139 : vector<192x128xi32>
    %lt3A_141 = arith.constant 24000 : i32
    %lt3A_142 = vector.broadcast %lt3A_141 : i32 to vector<192x128xi32>
    %lt3A_143 = arith.cmpi slt, %add3A_140, %lt3A_142 : vector<192x128xi32>
    %mul3A_144 = arith.mulf %sub3A_120, %sub3A_120 : vector<192x128xf32>
    %mul3A_145 = arith.mulf %sub3A_127, %sub3A_127 : vector<192x128xf32>
    %add3A_146 = arith.addf %mul3A_144, %mul3A_145 : vector<192x128xf32>
    %mul3A_147 = arith.mulf %sub3A_134, %sub3A_134 : vector<192x128xf32>
    %add3A_148 = arith.addf %add3A_146, %mul3A_147 : vector<192x128xf32>
    %jit3A_149 = arith.constant 0.000000e+00 : f32
    %broadcast_in_dim3A_150 = vector.broadcast %jit3A_149 : f32 to vector<192x128xf32>
    %select_n3A_151 = arith.select %lt3A_143, %add3A_148, %broadcast_in_dim3A_150 : vector<192x128xi1>, vector<192x128xf32>
    %reduce_sum3A = vector.shape_cast %select_n3A_151 : vector<192x128xf32> to vector<1x192x128xf32>
    %reduce_sum3A_152 = arith.constant dense<0.000000e+00> : vector<1xf32>
    %reduce_sum3A_153 = vector.multi_reduction <add>, %reduce_sum3A, %reduce_sum3A_152 [1, 2] : vector<1x192x128xf32> to vector<1xf32>
    %reduce_sum3A_154 = vector.shape_cast %reduce_sum3A_153 : vector<1xf32> to vector<1x1x1xf32>
    %reduce_sum3A_155 = vector.extract %reduce_sum3A_154[0, 0, 0] : f32 from vector<1x1x1xf32>
    %sqrt3A = math.sqrt %add3A_148 : vector<192x128xf32>
    %max3A = arith.constant 9.99999996E-13 : f32
    %max3A_156 = vector.broadcast %max3A : f32 to vector<192x128xf32>
    %max3A_157 = arith.maximumf %sqrt3A, %max3A_156 : vector<192x128xf32>
    %get3A_158 = arith.constant 0 : index
    %get3A_159 = arith.constant 0 : index
    %get3A_160 = vector.load %arg19[%get3A_158, %get3A_159] : memref<192x128xf32, #tpu.memory_space<vmem>>, vector<192x128xf32>
    %get3A_161 = arith.constant 0 : index
    %get3A_162 = arith.constant 0 : index
    %get3A_163 = vector.load %arg20[%get3A_161, %get3A_162] : memref<192x128xf32, #tpu.memory_space<vmem>>, vector<192x128xf32>
    %get3A_164 = arith.constant 0 : index
    %get3A_165 = arith.constant 0 : index
    %get3A_166 = vector.load %arg21[%get3A_164, %get3A_165] : memref<192x128xf32, #tpu.memory_space<vmem>>, vector<192x128xf32>
    %mul3A_167 = arith.mulf %get3A_160, %get3A_160 : vector<192x128xf32>
    %mul3A_168 = arith.mulf %get3A_163, %get3A_163 : vector<192x128xf32>
    %add3A_169 = arith.addf %mul3A_167, %mul3A_168 : vector<192x128xf32>
    %mul3A_170 = arith.mulf %get3A_166, %get3A_166 : vector<192x128xf32>
    %add3A_171 = arith.addf %add3A_169, %mul3A_170 : vector<192x128xf32>
    %sqrt3A_172 = math.sqrt %add3A_171 : vector<192x128xf32>
    %max3A_173 = arith.constant 9.99999996E-13 : f32
    %max3A_174 = vector.broadcast %max3A_173 : f32 to vector<192x128xf32>
    %max3A_175 = arith.maximumf %sqrt3A_172, %max3A_174 : vector<192x128xf32>
    %mul3A_176 = arith.mulf %sub3A_120, %get3A_160 : vector<192x128xf32>
    %mul3A_177 = arith.mulf %sub3A_127, %get3A_163 : vector<192x128xf32>
    %add3A_178 = arith.addf %mul3A_176, %mul3A_177 : vector<192x128xf32>
    %mul3A_179 = arith.mulf %sub3A_134, %get3A_166 : vector<192x128xf32>
    %add3A_180 = arith.addf %add3A_178, %mul3A_179 : vector<192x128xf32>
    %abs3A = math.absf %add3A_180 : vector<192x128xf32>
    %mul3A_181 = arith.mulf %max3A_157, %max3A_175 : vector<192x128xf32>
    %div3A = arith.divf %abs3A, %mul3A_181 : vector<192x128xf32>
    %jit3A_182 = arith.constant 0.000000e+00 : f32
    %broadcast_in_dim3A_183 = vector.broadcast %jit3A_182 : f32 to vector<192x128xf32>
    %select_n3A_184 = arith.select %lt3A_143, %div3A, %broadcast_in_dim3A_183 : vector<192x128xi1>, vector<192x128xf32>
    %reduce_sum3A_185 = vector.shape_cast %select_n3A_184 : vector<192x128xf32> to vector<1x192x128xf32>
    %reduce_sum3A_186 = arith.constant dense<0.000000e+00> : vector<1xf32>
    %reduce_sum3A_187 = vector.multi_reduction <add>, %reduce_sum3A_185, %reduce_sum3A_186 [1, 2] : vector<1x192x128xf32> to vector<1xf32>
    %reduce_sum3A_188 = vector.shape_cast %reduce_sum3A_187 : vector<1xf32> to vector<1x1x1xf32>
    %reduce_sum3A_189 = vector.extract %reduce_sum3A_188[0, 0, 0] : f32 from vector<1x1x1xf32>
    %reduce_sum3A_190 = vector.shape_cast %min3A : vector<4000x1xf32> to vector<1x4000x1xf32>
    %reduce_sum3A_191 = arith.constant dense<0.000000e+00> : vector<1xf32>
    %reduce_sum3A_192 = vector.multi_reduction <add>, %reduce_sum3A_190, %reduce_sum3A_191 [1, 2] : vector<1x4000x1xf32> to vector<1xf32>
    %reduce_sum3A_193 = vector.shape_cast %reduce_sum3A_192 : vector<1xf32> to vector<1x1x1xf32>
    %reduce_sum3A_194 = vector.extract %reduce_sum3A_193[0, 0, 0] : f32 from vector<1x1x1xf32>
    %div3A_195 = arith.constant 4.000000e+03 : f32
    %div3A_196 = arith.divf %reduce_sum3A_194, %div3A_195 : f32
    %reduce_sum3A_197 = vector.shape_cast %add3A_110 : vector<1x1024xf32> to vector<1x1x1024xf32>
    %reduce_sum3A_198 = arith.constant dense<0.000000e+00> : vector<1xf32>
    %reduce_sum3A_199 = vector.multi_reduction <add>, %reduce_sum3A_197, %reduce_sum3A_198 [1, 2] : vector<1x1x1024xf32> to vector<1xf32>
    %reduce_sum3A_200 = vector.shape_cast %reduce_sum3A_199 : vector<1xf32> to vector<1x1x1xf32>
    %reduce_sum3A_201 = vector.extract %reduce_sum3A_200[0, 0, 0] : f32 from vector<1x1x1xf32>
    %div3A_202 = arith.constant 4.000000e+03 : f32
    %div3A_203 = arith.divf %reduce_sum3A_201, %div3A_202 : f32
    %get3A_204 = arith.constant 0 : index
    %get3A_205 = arith.constant 0 : index
    %get3A_206 = vector.load %arg22[%get3A_204, %get3A_205] : memref<1x2xf32, #tpu.memory_space<vmem>>, vector<1x2xf32>
    %slice3A_207 = vector.extract_strided_slice %get3A_206 {offsets = [0, 0], sizes = [1, 1], strides = [1, 1]} : vector<1x2xf32> to vector<1x1xf32>
    %reduce_sum3A_208 = vector.shape_cast %slice3A_207 : vector<1x1xf32> to vector<1x1x1xf32>
    %reduce_sum3A_209 = arith.constant dense<0.000000e+00> : vector<1xf32>
    %reduce_sum3A_210 = vector.multi_reduction <add>, %reduce_sum3A_208, %reduce_sum3A_209 [1, 2] : vector<1x1x1xf32> to vector<1xf32>
    %reduce_sum3A_211 = vector.shape_cast %reduce_sum3A_210 : vector<1xf32> to vector<1x1x1xf32>
    %reduce_sum3A_212 = vector.extract %reduce_sum3A_211[0, 0, 0] : f32 from vector<1x1x1xf32>
    %div3A_213 = arith.constant 4.000000e+03 : f32
    %div3A_214 = arith.divf %reduce_sum3A_212, %div3A_213 : f32
    %slice3A_215 = vector.extract_strided_slice %get3A_206 {offsets = [0, 1], sizes = [1, 1], strides = [1, 1]} : vector<1x2xf32> to vector<1x1xf32>
    %reduce_sum3A_216 = vector.shape_cast %slice3A_215 : vector<1x1xf32> to vector<1x1x1xf32>
    %reduce_sum3A_217 = arith.constant dense<0.000000e+00> : vector<1xf32>
    %reduce_sum3A_218 = vector.multi_reduction <add>, %reduce_sum3A_216, %reduce_sum3A_217 [1, 2] : vector<1x1x1xf32> to vector<1xf32>
    %reduce_sum3A_219 = vector.shape_cast %reduce_sum3A_218 : vector<1xf32> to vector<1x1x1xf32>
    %reduce_sum3A_220 = vector.extract %reduce_sum3A_219[0, 0, 0] : f32 from vector<1x1x1xf32>
    %div3A_221 = arith.constant 8.000000e+03 : f32
    %div3A_222 = arith.divf %reduce_sum3A_220, %div3A_221 : f32
    %mul3A_223 = arith.constant 5.500000e-01 : f32
    %mul3A_224 = arith.mulf %mul3A_223, %div3A_222 : f32
    %add3A_225 = arith.addf %div3A_214, %mul3A_224 : f32
    %mul3A_226 = arith.constant 1.000000e+00 : f32
    %mul3A_227 = arith.mulf %mul3A_226, %add3A_225 : f32
    %add3A_228 = arith.addf %div3A_196, %div3A_203 : f32
    %mul3A_229 = arith.constant 1.000000e+00 : f32
    %mul3A_230 = arith.mulf %mul3A_229, %add3A_228 : f32
    %add3A_231 = arith.addf %mul3A_227, %mul3A_230 : f32
    %div3A_232 = arith.constant 2.400000e+04 : f32
    %div3A_233 = arith.divf %reduce_sum3A_189, %div3A_232 : f32
    %mul3A_234 = arith.constant 1.600000e-04 : f32
    %mul3A_235 = arith.mulf %mul3A_234, %div3A_233 : f32
    %add3A_236 = arith.addf %add3A_231, %mul3A_235 : f32
    %div3A_237 = arith.constant 2.400000e+04 : f32
    %div3A_238 = arith.divf %reduce_sum3A_155, %div3A_237 : f32
    %mul3A_239 = arith.constant 3.000000e-01 : f32
    %mul3A_240 = arith.mulf %mul3A_239, %div3A_238 : f32
    %add3A_241 = arith.addf %add3A_236, %mul3A_240 : f32
    %reshape3A = vector.broadcast %add3A_241 : f32 to vector<1x1xf32>
    %swap3A_242 = arith.constant 0 : index
    %swap3A_243 = arith.constant 0 : index
    %swap3A_244 = vector.load %arg23[%swap3A_242, %swap3A_243] : memref<1x1xf32, #tpu.memory_space<vmem>>, vector<1x1xf32>
    tpu.vector_store %arg23[%swap3A_242, %swap3A_243], %reshape3A {strides = array<i32>} : memref<1x1xf32, #tpu.memory_space<vmem>>, vector<1x1xf32>,
    return
  }
  func.func @transform_0(%arg0: i32) -> (i32, i32) {
    %c0_i32 = arith.constant 0 : i32
    %c0_i32_0 = arith.constant 0 : i32
    %c0_i32_1 = arith.constant 0 : i32
    return %c0_i32, %c0_i32_0 : i32, i32
  }
  func.func @transform_1(%arg0: i32) -> (i32, i32) {
    %c0_i32 = arith.constant 0 : i32
    %c0_i32_0 = arith.constant 0 : i32
    return %c0_i32, %arg0 : i32, i32
  }
  func.func @transform_2(%arg0: i32) -> (i32, i32) {
    %c0_i32 = arith.constant 0 : i32
    %c0_i32_0 = arith.constant 0 : i32
    return %c0_i32, %arg0 : i32, i32
  }
  func.func @transform_3(%arg0: i32) -> (i32, i32) {
    %c0_i32 = arith.constant 0 : i32
    %c0_i32_0 = arith.constant 0 : i32
    return %c0_i32, %arg0 : i32, i32
  }
  func.func @transform_4(%arg0: i32) -> (i32, i32) {
    %c0_i32 = arith.constant 0 : i32
    %c0_i32_0 = arith.constant 0 : i32
    return %c0_i32, %arg0 : i32, i32
  }
  func.func @transform_5(%arg0: i32) -> (i32, i32) {
    %c0_i32 = arith.constant 0 : i32
    %c0_i32_0 = arith.constant 0 : i32
    return %c0_i32, %arg0 : i32, i32
  }
  func.func @transform_6(%arg0: i32) -> (i32, i32) {
    %c0_i32 = arith.constant 0 : i32
    %c0_i32_0 = arith.constant 0 : i32
    return %c0_i32, %arg0 : i32, i32
  }
  func.func @transform_7(%arg0: i32) -> (i32, i32) {
    %c0_i32 = arith.constant 0 : i32
    %c0_i32_0 = arith.constant 0 : i32
    return %c0_i32, %arg0 : i32, i32
  }
  func.func @transform_8(%arg0: i32) -> (i32, i32) {
    %c0_i32 = arith.constant 0 : i32
    %c0_i32_0 = arith.constant 0 : i32
    return %c0_i32, %arg0 : i32, i32
  }
  func.func @transform_9(%arg0: i32) -> (i32, i32) {
    %c0_i32 = arith.constant 0 : i32
    %c0_i32_0 = arith.constant 0 : i32
    return %c0_i32, %arg0 : i32, i32
  }
  func.func @transform_10(%arg0: i32) -> (i32, i32) {
    %c0_i32 = arith.constant 0 : i32
    %c0_i32_0 = arith.constant 0 : i32
    return %c0_i32, %arg0 : i32, i32
  }
  func.func @transform_11(%arg0: i32) -> (i32, i32) {
    %c0_i32 = arith.constant 0 : i32
    %c0_i32_0 = arith.constant 0 : i32
    return %c0_i32, %arg0 : i32, i32
  }
  func.func @transform_12(%arg0: i32) -> (i32, i32) {
    %c0_i32 = arith.constant 0 : i32
    %c0_i32_0 = arith.constant 0 : i32
    %c0_i32_1 = arith.constant 0 : i32
    return %c0_i32, %c0_i32_0 : i32, i32
  }
  func.func @transform_13(%arg0: i32) -> (i32, i32) {
    %c0_i32 = arith.constant 0 : i32
    %c0_i32_0 = arith.constant 0 : i32
    %c0_i32_1 = arith.constant 0 : i32
    return %c0_i32, %c0_i32_0 : i32, i32
  }
  func.func @transform_14(%arg0: i32) -> (i32, i32) {
    %c0_i32 = arith.constant 0 : i32
    %c0_i32_0 = arith.constant 0 : i32
    %c0_i32_1 = arith.constant 0 : i32
    return %c0_i32, %c0_i32_0 : i32, i32
  }
  func.func @transform_15(%arg0: i32) -> (i32, i32) {
    %c0_i32 = arith.constant 0 : i32
    %c0_i32_0 = arith.constant 0 : i32
    %c0_i32_1 = arith.constant 0 : i32
    return %c0_i32, %c0_i32_0 : i32, i32
  }
  func.func @transform_16(%arg0: i32) -> (i32, i32) {
    %c0_i32 = arith.constant 0 : i32
    %c0_i32_0 = arith.constant 0 : i32
    %c0_i32_1 = arith.constant 0 : i32
    return %c0_i32, %c0_i32_0 : i32, i32
  }
  func.func @transform_17(%arg0: i32) -> (i32, i32) {
    %c0_i32 = arith.constant 0 : i32
    %c0_i32_0 = arith.constant 0 : i32
    %c0_i32_1 = arith.constant 0 : i32
    return %c0_i32, %c0_i32_0 : i32, i32
  }
  func.func @transform_18(%arg0: i32) -> (i32, i32) {
    %c0_i32 = arith.constant 0 : i32
    %c0_i32_0 = arith.constant 0 : i32
    %c0_i32_1 = arith.constant 0 : i32
    return %c0_i32, %c0_i32_0 : i32, i32
  }
  func.func @transform_19(%arg0: i32) -> (i32, i32) {
    %c0_i32 = arith.constant 0 : i32
    %c0_i32_0 = arith.constant 0 : i32
    %c0_i32_1 = arith.constant 0 : i32
    return %c0_i32, %c0_i32_0 : i32, i32
  }
  func.func @transform_20(%arg0: i32) -> (i32, i32) {
    %c0_i32 = arith.constant 0 : i32
    %c0_i32_0 = arith.constant 0 : i32
    %c0_i32_1 = arith.constant 0 : i32
    return %c0_i32, %c0_i32_0 : i32, i32
  }
  func.func @transform_21(%arg0: i32) -> (i32, i32) {
    %c0_i32 = arith.constant 0 : i32
    %c0_i32_0 = arith.constant 0 : i32
    %c0_i32_1 = arith.constant 0 : i32
    return %c0_i32, %c0_i32_0 : i32, i32
  }
  func.func @transform_22(%arg0: i32) -> (i32, i32) {
    %c0_i32 = arith.constant 0 : i32
    %c0_i32_0 = arith.constant 0 : i32
    %c0_i32_1 = arith.constant 0 : i32
    return %c0_i32, %c0_i32_0 : i32, i32
  }
}

</mosaic_0001>

<sc_bundles>
// kernel: kernel.12.cloned.1.call-start
scs
__scs_entry_jumppad:
0x0: {  	(pc) =	sbr.rel $0x88, $3  }
0x1: {  	(tag) =	ssettag $0x0;
	lr =	simm.s32 $0x1  }
0x2: {  	[smem:$0x3F9C] =	sst lr;
	_ =	strace $0xD0000000  }
0x3: {  	_ = 	snop  }
0x4: {  	_ = 	snop  }
0x5: {  	_ = 	snop  }
0x6: {  	_ = 	snop  }
0x7: {  	_ = 	snop  }
__scs_overlays_trampoline_lowered:
0x8: {  	[smem:$0x3FAB] =	sst s0  }
0x9: {  	[smem:$0x3FAC] =	sst s1  }
0xa: {  	[smem:$0x3FAD] =	sst s2  }
0xb: {  	[smem:$0x3FAE] =	sst s3  }
0xc: {  	[smem:$0x3FAF] =	sst s4  }
0xd: {  	[smem:$0x3FB0] =	sst s5  }
0xe: {  	[smem:$0x3FB1] =	sst s6  }
0xf: {  	[smem:$0x3FB2] =	sst s7  }
0x10: {  	[smem:$0x3FB3] =	sst s8  }
0x11: {  	[smem:$0x3FB4] =	sst s9;
	s0 =	simm.s32 @!p0 $0x0  }
0x12: {  	s1 =	sld [smem:$0x3F9A];
	s0 =	simm.s32 @p0 $0x1  }
0x13: {  	[smem:$0x3FB5] =	sst s0;
	s0 =	simm.s32 @!p1 $0x0  }
0x14: {  	s2 =	sld [smem:$0x3F99];
	s0 =	simm.s32 @p1 $0x1  }
0x15: {  	[smem:$0x3FB6] =	sst s0;
	s0 =	simm.s32 @!p2 $0x0  }
0x16: {  	s3 =	sld [smem:$0x3FDB];
	s0 =	simm.s32 @p2 $0x1  }
0x17: {  	s4 =	simm.s32 $0x1BF5;
	[smem:$0x3FB8] =	sst s0  }
0x18: {  	s0 =	sld [smem:$0x3F9B];
	_ =	swait.ge [sflag:s4], $0x0  }
0x19: {  	s7 =	sld [smem:$0x3F9C]  }
0x1a: {  	s8 =	sadd.s32 $0xFFFFE003, lr  }
0x1b: {  	s9 =	sadd.s32 $0xFFFFFEF7, lr;
	s5 =	simm.s32 $0xFFFFFFFF;
	p2 =	slt.u32 s8, $0xFFFFF086  }
0x1c: {  	p1 =	slt.u32 s9, $0xF7A;
	s5 =	simm.s32 @!p2 $0x0  }
0x1d: {  	s5 =	simm.s32 @p1 $0x1;
	p0 =	seq.s32 s7, s2  }
0x1e: {  	s7 =	smul.u32 @!p0 $0xF7A, s2;
	p2 =	seq.s32 @!p0 s5, $0x0  }
0x1f: {  	s9 =	smul.u32 $0xF7A, s1;
	s8 =	simm.s32 @!p0 $0x1BF5;
	p2 =	por !p2, p0  }
0x20: {  	[sflag:s8] =	ssyncset.s32 @!p0 $0xFFFFF086;
	s6 =	sadd.s32 @!p0 s3, s7;
	s7 =	simm.s32 @!p0 $0x108  }
0x21: {  	s3 =	sadd.s32 s3, s9;
	s6 =	sadd.s32 @!p0 $0x88, s6;
	s7 =	simm.s32 @p2 $0x1082  }
0x22: {  	[simem:s7], [sflag:s8] =	dma.local @!p0 [hbm:s6], $0xF7A  }
0x23: {  	s9 =	sor.u32 $0xD0000000, s2;
	s6 =	simm.s32 $0x108;
	_ =	swait.ge @!p0 [sflag:s8], $0x0  }
0x24: {  	s3 =	sadd.s32 $0x88, s3;
	s6 =	simm.s32 @!p1 $0x1082;
	[sflag:s4] =	ssyncset.s32 $0xFFFFF086  }
0x25: {  	[simem:s6], [sflag:s4] =	dma.local [hbm:s3], $0xF7A  }
0x26: {  	[smem:$0x3F9C] =	sst s1;
	(tag) =	ssettag s2;
	_ =	strace s9  }
0x27: {  	s1 =	sld [smem:$0x3FAC]  }
0x28: {  	s2 =	sld [smem:$0x3FAD]  }
0x29: {  	s4 =	sld [smem:$0x3FAF]  }
0x2a: {  	p0 =	seq.s32 s5, $0x0;
	s5 =	sld [smem:$0x3FB0]  }
0x2b: {  	s6 =	sld [smem:$0x3FB1]  }
0x2c: {  	s7 =	sld [smem:$0x3FB2]  }
0x2d: {  	s3 =	simm.s32 $0x108;
	s8 =	sld [smem:$0x3FB3]  }
0x2e: {  	s3 =	simm.s32 @!p0 $0x1082;
	s9 =	sld [smem:$0x3FB4]  }
0x2f: {  	lr =	sadd.s32 s0, s3;
	s0 =	sld [smem:$0x3FAB]  }
0x30: {  	s3 =	sld [smem:$0x3FAE]  }
0x31: {  	[smem:$0x3FB7] =	sst s10  }
0x32: {  	s10 =	sld [smem:$0x3FB5];
	_ =	sdelay $0x3  }
0x33: {  	p0 =	seq.s32 s10, $0x1;
	s10 =	sld [smem:$0x3FB7];
	_ =	sdelay $0x3  }
0x34: {  	[smem:$0x3FB7] =	sst s10  }
0x35: {  	s10 =	sld [smem:$0x3FB6];
	_ =	sdelay $0x3  }
0x36: {  	p1 =	seq.s32 s10, $0x1;
	s10 =	sld [smem:$0x3FB7];
	_ =	sdelay $0x3  }
0x37: {  	[smem:$0x3FB7] =	sst s10  }
0x38: {  	s10 =	sld [smem:$0x3FB8]  }
0x39: {  	_ = 	snop;
	(pc) =	sbr.ind lr, $3  }
0x3a: {  	_ = 	snop  }
0x3b: {  	_ = 	snop  }
0x3c: {  	p2 =	seq.s32 s10, $0x1;
	s10 =	sld [smem:$0x3FB7]  }
0x3d: {  	_ =	shalt  }
0x3e: {  	_ =	shalt  }
0x3f: {  	_ =	shalt  }
0x40: {  	_ =	shalt  }
0x41: {  	_ =	shalt  }
0x42: {  	_ =	shalt  }
0x43: {  	_ =	shalt  }
0x44: {  	_ =	shalt  }
0x45: {  	_ =	shalt  }
0x46: {  	_ =	shalt  }
0x47: {  	_ =	shalt  }
0x48: {  	_ =	shalt  }
0x49: {  	_ =	shalt  }
0x4a: {  	_ =	shalt  }
0x4b: {  	_ =	shalt  }
0x4c: {  	_ =	shalt  }
0x4d: {  	_ =	shalt  }
0x4e: {  	_ =	shalt  }
0x4f: {  	_ =	shalt  }
0x50: {  	_ =	shalt  }
0x51: {  	_ =	shalt  }
0x52: {  	_ =	shalt  }
0x53: {  	_ =	shalt  }
0x54: {  	_ =	shalt  }
0x55: {  	_ =	shalt  }
0x56: {  	_ =	shalt  }
0x57: {  	_ =	shalt  }
0x58: {  	_ =	shalt  }
0x59: {  	_ =	shalt  }
0x5a: {  	_ =	shalt  }
0x5b: {  	_ =	shalt  }
0x5c: {  	_ =	shalt  }
0x5d: {  	_ =	shalt  }
0x5e: {  	_ =	shalt  }
0x5f: {  	_ =	shalt  }
0x60: {  	_ =	shalt  }
0x61: {  	_ =	shalt  }
0x62: {  	_ =	shalt  }
0x63: {  	_ =	shalt  }
0x64: {  	_ =	shalt  }
0x65: {  	_ =	shalt  }
0x66: {  	_ =	shalt  }
0x67: {  	_ =	shalt  }
0x68: {  	_ =	shalt  }
0x69: {  	_ =	shalt  }
0x6a: {  	_ =	shalt  }
0x6b: {  	_ =	shalt  }
0x6c: {  	_ =	shalt  }
0x6d: {  	_ =	shalt  }
0x6e: {  	_ =	shalt  }
0x6f: {  	_ =	shalt  }
0x70: {  	_ =	shalt  }
0x71: {  	_ =	shalt  }
0x72: {  	_ =	shalt  }
0x73: {  	_ =	shalt  }
0x74: {  	_ =	shalt  }
0x75: {  	_ =	shalt  }
0x76: {  	_ =	shalt  }
0x77: {  	_ =	shalt  }
0x78: {  	_ =	shalt  }
0x79: {  	_ =	shalt  }
0x7a: {  	_ =	shalt  }
0x7b: {  	_ =	shalt  }
0x7c: {  	_ =	shalt  }
0x7d: {  	_ =	shalt  }
0x7e: {  	_ =	shalt  }
0x7f: {  	_ =	shalt  }
0x80: {  	_ =	shalt  }
0x81: {  	_ =	shalt  }
0x82: {  	_ =	shalt  }
0x83: {  	_ =	shalt  }
0x84: {  	_ =	shalt  }
0x85: {  	_ =	shalt  }
0x86: {  	_ =	shalt  }
0x87: {  	_ =	shalt  }
.Lfunc_end0:
.L_simem_size_0:
called_computation.1_lowered:
.L_overlay_start_0:
0x88: {  	s2 =	sld [smem:$0x3FD9]  }
0x89: {  	s3 =	sld [smem:$0x3FFE];
	_ =	sdelay $0x1  }
0x8a: {  	s1 =	srdreg.scid  }
0x8b: {  	s0 =	sand.u32 $0x1, s1  }
0x8c: {  	s16 =	sshll.u32 s0, $0xA;
	s2 =	sadd.s32 s3, s2  }
0x8d: {  	s2 =	sadd.s32 s2, s16  }
0x8e: {  	[smem:$0x3FC3] =	sst s2  }
0x8f: {  	_ = 	snop  }
0x90: {  	(tm) =	ssettm $0x1  }
0x91: {  	s17 =	sld [smem:$0x3FFB];
	_ =	sdelay $0x3  }
0x92: {  	_ =	strace s17  }
0x93: {  	s2 =	sld [smem:$0x3FFC];
	_ =	sdelay $0x3  }
0x94: {  	_ =	strace s2  }
0x95: {  	s2 =	sld [smem:$0x3FFD];
	_ =	sdelay $0x3  }
0x96: {  	_ =	strace s2  }
0x97: {  	_ =	strace $0x8FFFFFFF  }
0x98: {  	s18 =	sld [smem:$0x3FDB];
	_ =	sdelay $0x1  }
0x99: {  	s19 =	simm.s32 $_scs_section_size  }
0x9a: {  	s4 =	simm.s32 $_size__tile_overlayer_lowered;
	s5 =	simm.s32 $_tile_overlayer_lowered  }
0x9b: {  	s22 =	simm.s32 $0x1BFF;
	s21 =	sshll.u32 s5, $0x1;
	s2 =	sadd.s32 s19, s18  }
0x9c: {  	s6 =	simm.s32 $0x0;
	s20 =	sshll.u32 s4, $0x1;
	s4 =	sadd.s32 s21, s2  }
0x9d: {  	[timem:s6], [sflag:s22] =	dma.local [hbm:s4], s20  }
0x9e: {  	_ =	swait.ge [sflag:s22], s20  }
0x9f: {  	s3 =	ssub.s32 $0x0, s20;
	[sflag:s22] =	ssyncset.done $0x0  }
0xa0: {  	[sflag:s22] =	ssyncadd.s32 s3;
	_ =	sdelay $0x1  }
0xa1: {  	s23 =	simm.s32 $0x1B8B  }
0xa2: {  	_ =	swait.ge [sflag:s23], $0x1  }
0xa3: {  	[sflag:s23] =	ssyncset.done $0x0  }
0xa4: {  	s25 =	simm.s32 $0x1B8E;
	s24 =	sld [smem:$0x3FFE];
	[sflag:s23] =	ssyncadd.s32 $0xFFFFFFFF  }
0xa5: {  	s26 =	simm.s32 $execute0_lowered;
	[smem:$0x3FD2] =	sst s25  }
0xa6: {  	s4 =	sshll.u32 s26, $0x1;
	_ =	strace $0x80000049;
	[dreg:$0x1] =	wrdreg $0xFFFFFFFF  }
0xa7: {  	s28 =	simm.s32 $_size_execute0_lowered;
	s2 =	sadd.s32 s2, s4;
	[dreg:$0x0] =	wrdreg $0x0  }
0xa8: {  	s4 =	sshll.u32 s28, $0x1;
	[dreg:$0x2] =	wrdreg s2  }
0xa9: {  	[dreg:$0x3] =	wrdreg s4  }
0xaa: {  	[dreg:$0x4] =	wrdreg $0xC0  }
0xab: {  	_ =	task [dreg:s6], $0x5FFFF  }
0xac: {  	[dreg:$0x1] =	wrdreg $0xFFFFFFFF  }
0xad: {  	[dreg:$0x0] =	wrdreg $0x60  }
0xae: {  	[dreg:$0x2] =	wrdreg s24  }
0xaf: {  	[dreg:$0x3] =	wrdreg $0x9  }
0xb0: {  	_ =	task.clear_ibuf [dreg:s6], $0x4FFFF;
	_ =	strace $0x90000049  }
0xb1: {  	s29 =	simm.s32 $0x9;
	_ =	strace $0x8000004B  }
0xb2: {  	_ =	swait.ge [sflag:s29], $0x1  }
0xb3: {  	[sflag:s29] =	ssyncadd.s32 $0xFFFFFFFF  }
0xb4: {  	_ =	strace $0x9000004B  }
0xb5: {  	_ =	sfence  }
0xb6: {  	s30 =	sld [smem:$0x0];
	_ =	sdelay $0x2  }
0xb7: {  	s31 =	sshll.u32 s1, $0xD;
	s1 =	sshrl.u32 s1, $0x2  }
0xb8: {  	s3 =	sand.u32 $0x4000, s31;
	s1 =	sadd.s32 s1, s30  }
0xb9: {  	s0 =	sor.u32 s3, s0;
	s1 =	sshll.u32 s1, $0x11  }
0xba: {  	s0 =	sor.u32 s1, s0  }
0xbb: {  	s0 =	sadd.s32 $0x8F2B, s0  }
0xbc: {  	[sflag:s0] =	ssyncadd.remote.s32 $0x1  }
0xbd: {  	_ =	sfence.sel $0xFFFF  }
0xbe: {  	[dreg:$0x0] =	wrdreg $0xFFFFFFFF;
	(pc) =	sbr.abs _section_cstart, $3  }
0xbf: {  	[dreg:$0x1] =	wrdreg $0xFFFFFFFF  }
0xc0: {  	_ =	task.clear_ibuf [dreg:s6], $0x2FFFF;
	_ =	strace $0x9FFFFFFF  }
0xc1: {  	(tm) =	ssettm $0x7FFFFFFF  }
tec
execute0_lowered:
.L_overlay_start_1:
0x0: {  	(tag) =	ssettag $0x1  }
0x1: {  	s0 =	rddreg [dreg:$0x0]  }
0x2: {  	s1 =	simm.s32 $0x0;
	s14 =	srdreg.scid;
	s5 =	stileid.u32  }
0x3: {  	s31 =	simm.s32 $0x1;
	[smem:$0x7FF] =	sst s1;
	s2 =	sadd.s32 $0x4600, s0  }
0x4: {  	s13 =	sadd.s32 $0x4E00, s0;
	_ =	strace $0x8000004A;
	[dreg:$0x2] =	wrdreg s2  }
0x5: {  	s7 =	simm.s32 $0x15E80;
	s3 =	sadd.s32 $0x3E00, s0;
	[dreg:$0x3] =	wrdreg s13  }
0x6: {  	s8 =	simm.s32 $0x17E00;
	s4 =	sadd.s32 $0x3600, s0;
	[dreg:$0x4] =	wrdreg s3  }
0x7: {  	s9 =	simm.s32 $0x18E00;
	s16 =	sadd.s32 $0x2E00, s0;
	[dreg:$0x5] =	wrdreg s4  }
0x8: {  	s10 =	simm.s32 $0x19E00;
	s17 =	sadd.s32 $0x6600, s0;
	[dreg:$0x6] =	wrdreg s16  }
0x9: {  	s11 =	simm.s32 $0x0;
	s18 =	sadd.s32 $0x6200, s0;
	[dreg:$0x7] =	wrdreg s17  }
0xa: {  	s15 =	sshll.u32 s5, $0x1;
	s6 =	sadd.s32 $0x5E00, s0;
	[dreg:$0x8] =	wrdreg s18  }
0xb: {  	s20 =	sadd.s32 $0xFC00, s0;
	s21 =	sadd.s32 $0x10400, s0;
	[dreg:$0x9] =	wrdreg s6  }
0xc: {  	s22 =	sadd.s32 $0x10200, s0;
	s23 =	sadd.s32 $0x10000, s0;
	[dreg:$0xa] =	wrdreg s20  }
0xd: {  	p0 =	sgt.u32 s5, $0x7;
	s2 =	sand.u32 $0x1, s14;
	[dreg:$0xb] =	wrdreg s21  }
0xe: {  	s5 =	simm.s32 $0x11F80;
	[dreg:$0xc] =	wrdreg s22;
	s3 =	sor.u32 s2, s15  }
0xf: {  	[dreg:$0xd] =	wrdreg s23;
	s2 =	ssub.s32 $0x2, s2;
	s19 =	smul.u32 $0x600, s3  }
0x10: {  	s6 =	simm.s32 $0x13F00;
	s3 =	sshll.u32 s3, $0x5;
	s24 =	sshrl.u32 s2, $0x1  }
0x11: {  	s3 =	sadd.s32 s3, s0;
	s2 =	ssub.s32 s2, s24;
	s4 =	sadd.s32 $0xFFFFA000, s19  }
0x12: {  	s19 =	sadd.s32 $0xFA00, s3;
	s20 =	sadd.s32 $0x5000, s3;
	s21 =	sadd.s32 $0x8E00, s3  }
0x13: {  	s22 =	sadd.s32 $0x9000, s3;
	s23 =	sadd.s32 $0x9200, s3;
	s24 =	sadd.s32 $0x9400, s3  }
0x14: {  	s28 =	sadd.s32 $0x9A00, s3;
	s29 =	sadd.s32 $0x9C00, s3;
	s4 =	sshrl.u32 s4, $0x3  }
.Ltmp0:
0x15: {  	s30 =	smax.u32 s2, $0x1;
	s0 =	sadd.s32 s4, s0;
	(pc) =	sbr.rel .LBB2_1-.Ltmp0, $4  }
0x16: {  	s2 =	simm.s32 $0x8000;
	s4 =	simm.s32 $0x10000;
	s25 =	sadd.s32 $0x5200, s0  }
0x17: {  	v0 =	vimm.s32 $0x1FFF;
	s26 =	sadd.s32 $0x6A00, s0;
	s17 =	sadd.s32 $0x7600, s0;
	[dreg:$0xe] =	wrdreg s25  }
0x18: {  	s18 =	sadd.s32 $0x8200, s0;
	s0 =	simm.s32 $0x4000;
	[dreg:$0xf] =	wrdreg s26  }
0x19: {  	v1 =	vimm.s32 $0x0;
	s25 =	sadd.s32 $0x9600, s3;
	s26 =	sadd.s32 $0x9800, s3;
	s3 =	simm.s32 $0xC000  }
.LBB2_7:
0x1a: {  	_ =	sdelay $0x3  }
0x1b: {  	v2 =	vld.idx.msk [tilespmem:v2+s7+$0x0], $0xffff;
	_ =	sdelay $0x7  }
0x1c: {  	v3 =	vld.idx.msk [tilespmem:v2+s8+$0x0], $0xffff;
	_ =	sdelay $0x3  }
0x1d: {  	s12 =	sadd.s32 $0x10, s12  }
0x1e: {  	[tilespmem:s12+$0x0] =	vst v3  }
0x1f: {  	v3 =	vld.idx.msk [tilespmem:v2+s9+$0x0], $0xffff;
	_ =	sdelay $0x3  }
0x20: {  	s16 =	sand.u32 $0x7F0, s13  }
0x21: {  	[tilespmem:s16+$0x1C400] =	vst v3  }
0x22: {  	v2 =	vld.idx.msk [tilespmem:v2+s10+$0x0], $0xffff;
	_ =	sdelay $0x4  }
0x23: {  	s13 =	rddreg [dreg:$0xf];
	s14 =	simm.s32 $0x1BE00;
	[tilespmem:s16+$0x1CA00] =	vst v2  }
0x24: {  	[hbm4b:s13+s1] =	stream.linear.scatter [tilespmem:s14], [sflag:$0x1], $0x600, $0x38;
	[tilespmem:$0x1D080] =	vst v63  }
0x25: {  	_ =	swait.ge [sflag:s31], $0x600  }
0x26: {  	[sflag:s31] =	ssyncset.done $0x0  }
0x27: {  	s15 =	simm.s32 $0x1C400;
	[sflag:s31] =	ssyncadd.s32 $0xFFFFFA00  }
0x28: {  	[hbm4b:s17+s1] =	stream.linear.scatter [tilespmem:s15], [sflag:$0x1], $0x600, $0x38;
	[tilespmem:$0x1D080] =	vst v63  }
0x29: {  	_ =	swait.ge [sflag:s31], $0x600  }
0x2a: {  	[sflag:s31] =	ssyncset.done $0x0  }
0x2b: {  	s16 =	simm.s32 $0x1CA00;
	[sflag:s31] =	ssyncadd.s32 $0xFFFFFA00  }
0x2c: {  	[hbm4b:s18+s1] =	stream.linear.scatter [tilespmem:s16], [sflag:$0x1], $0x600, $0x38;
	[tilespmem:$0x1D080] =	vst v63  }
0x2d: {  	_ =	swait.ge [sflag:s31], $0x600  }
0x2e: {  	[sflag:s31] =	ssyncset.done $0x0  }
0x2f: {  	[sflag:s31] =	ssyncadd.s32 $0xFFFFFA00  }
.LBB2_8:
0x30: {  	s11 =	sadd.s32 $0x1, s11  }
0x31: {  	p1 =	sne.s32 s11, s30  }
.Ltmp1:
0x32: {  	_ = 	snop;
	(pc) =	sbr.rel @!p1 .LBB2_9-.Ltmp1, $1  }
0x33: {  	_ =	sdelay $0x3  }
.LBB2_1:
.Ltmp2:
0x34: {  	(pc) =	sbr.rel @p0 .LBB2_5-.Ltmp2, $1  }
0x35: {  	_ =	sdelay $0x3  }
0x36: {  	s12 =	simm.s32 $0x0;
	s13 =	rddreg [dreg:$0x2]  }
0x37: {  	[tilespmem:s12], [sflag:$0x1] =	stream.linear.gather [hbm4b:s13+s12], $0x4000, $0x38;
	[tilespmem:$0x1D080] =	vst v63  }
0x38: {  	_ =	swait.ge [sflag:s31], $0x4000  }
0x39: {  	[sflag:s31] =	ssyncset.done $0x0  }
0x3a: {  	s14 =	rddreg [dreg:$0x4];
	[sflag:s31] =	ssyncadd.s32 $0xFFFFC000  }
0x3b: {  	[tilespmem:s0], [sflag:$0x1] =	stream.linear.gather [hbm4b:s14+s12], $0x4000, $0x38;
	[tilespmem:$0x1D080] =	vst v63  }
0x3c: {  	_ =	swait.ge [sflag:s31], $0x4000  }
0x3d: {  	[sflag:s31] =	ssyncset.done $0x0  }
0x3e: {  	s15 =	rddreg [dreg:$0x5];
	[sflag:s31] =	ssyncadd.s32 $0xFFFFC000  }
0x3f: {  	[tilespmem:s2], [sflag:$0x1] =	stream.linear.gather [hbm4b:s15+s12], $0x4000, $0x38;
	[tilespmem:$0x1D080] =	vst v63  }
0x40: {  	_ =	swait.ge [sflag:s31], $0x4000  }
0x41: {  	[sflag:s31] =	ssyncset.done $0x0  }
0x42: {  	s16 =	rddreg [dreg:$0x6];
	[sflag:s31] =	ssyncadd.s32 $0xFFFFC000  }
0x43: {  	[tilespmem:s3], [sflag:$0x1] =	stream.linear.gather [hbm4b:s16+s12], $0x4000, $0x38;
	[tilespmem:$0x1D080] =	vst v63  }
0x44: {  	_ =	swait.ge [sflag:s31], $0x4000  }
0x45: {  	[sflag:s31] =	ssyncset.done $0x0  }
0x46: {  	s14 =	rddreg [dreg:$0x7];
	[sflag:s31] =	ssyncadd.s32 $0xFFFFC000  }
0x47: {  	[tilespmem:s4], [sflag:$0x1] =	stream.linear.gather [hbm4b:s14+s12], $0x1F80, $0x38;
	[tilespmem:$0x1D080] =	vst v63  }
0x48: {  	_ =	swait.ge [sflag:s31], $0x1F80  }
0x49: {  	[sflag:s31] =	ssyncset.done $0x0  }
0x4a: {  	s15 =	rddreg [dreg:$0x8];
	[sflag:s31] =	ssyncadd.s32 $0xFFFFE080  }
0x4b: {  	[tilespmem:s5], [sflag:$0x1] =	stream.linear.gather [hbm4b:s15+s12], $0x1F80, $0x38;
	[tilespmem:$0x1D080] =	vst v63  }
0x4c: {  	_ =	swait.ge [sflag:s31], $0x1F80  }
0x4d: {  	[sflag:s31] =	ssyncset.done $0x0  }
0x4e: {  	s16 =	rddreg [dreg:$0x9];
	[sflag:s31] =	ssyncadd.s32 $0xFFFFE080  }
0x4f: {  	[tilespmem:s6], [sflag:$0x1] =	stream.linear.gather [hbm4b:s16+s12], $0x1F80, $0x38;
	[tilespmem:$0x1D080] =	vst v63  }
0x50: {  	_ =	swait.ge [sflag:s31], $0x1F80  }
0x51: {  	[sflag:s31] =	ssyncset.done $0x0  }
0x52: {  	s13 =	simm.s32 $0x1AE00;
	[sflag:s31] =	ssyncadd.s32 $0xFFFFE080  }
0x53: {  	[tilespmem:s13], [sflag:$0x1] =	stream.linear.gather [hbm4b:s19+s12], $0x100, $0x38;
	[tilespmem:$0x1D080] =	vst v63  }
0x54: {  	_ =	swait.ge [sflag:s31], $0x100  }
0x55: {  	[sflag:s31] =	ssyncset.done $0x0  }
0x56: {  	s15 =	simm.s32 $0x1D000;
	s14 =	rddreg [dreg:$0x3];
	[sflag:s31] =	ssyncadd.s32 $0xFFFFFF00  }
0x57: {  	[tilespmem:s15], [sflag:$0x1] =	stream.linear.gather [hbm4b:s14+s12], $0x80, $0x38;
	[tilespmem:$0x1D080] =	vst v63  }
0x58: {  	_ =	swait.ge [sflag:s31], $0x80  }
0x59: {  	[sflag:s31] =	ssyncset.done $0x0  }
0x5a: {  	[sflag:s31] =	ssyncadd.s32 $0xFFFFFF80  }
0x5b: {  	s14 =	simm.s32 $0x1B500;
	v2 =	vld [tilespmem:$0x1D000]  }
.LBB2_3:
0x5c: {  	v3 =	vld [tilespmem:s13+$0x0];
	_ =	sdelay $0x1  }
0x5d: {  	v4 =	vld.idx.msk [tilespmem:v0+s1+$0x0], $0xffff;
	_ =	sdelay $0x2  }
0x5e: {  	v3 =	vmul.f32 v3, v2;
	_ =	sdelay $0x1  }
0x5f: {  	vm0 =	vlt.f32 v4, v3  }
0x60: {  	v4 =	vsel vm0, $0x2000, v1  }
0x61: {  	v5 =	vor.u32 $0xFFF, v4;
	_ =	sdelay $0x4  }
0x62: {  	v5 =	vld.idx.msk [tilespmem:v5+s1+$0x0], $0xffff;
	_ =	sdelay $0x4  }
0x63: {  	v51 =	vor.u32 $0x1000, v4;
	vm15 =	vlt.f32 v5, v3  }
0x64: {  	v4 =	vsel vm15, v51, v4  }
0x65: {  	v5 =	vor.u32 $0x7FF, v4;
	_ =	sdelay $0x4  }
0x66: {  	v5 =	vld.idx.msk [tilespmem:v5+s1+$0x0], $0xffff;
	_ =	sdelay $0x4  }
0x67: {  	v52 =	vor.u32 $0x800, v4;
	vm4 =	vlt.f32 v5, v3  }
0x68: {  	v4 =	vsel vm4, v52, v4  }
0x69: {  	v5 =	vor.u32 $0x3FF, v4;
	_ =	sdelay $0x4  }
0x6a: {  	v5 =	vld.idx.msk [tilespmem:v5+s1+$0x0], $0xffff;
	_ =	sdelay $0x4  }
0x6b: {  	v53 =	vor.u32 $0x400, v4;
	vm5 =	vlt.f32 v5, v3  }
0x6c: {  	v4 =	vsel vm5, v53, v4  }
0x6d: {  	v5 =	vadd.s32 $0x1FF, v4;
	_ =	sdelay $0x4  }
0x6e: {  	v5 =	vld.idx.msk [tilespmem:v5+s1+$0x0], $0xffff;
	_ =	sdelay $0x4  }
0x6f: {  	v54 =	vadd.s32 $0x200, v4;
	vm6 =	vlt.f32 v5, v3  }
0x70: {  	v4 =	vsel vm6, v54, v4  }
0x71: {  	v5 =	vadd.s32 $0xFF, v4;
	_ =	sdelay $0x4  }
0x72: {  	v5 =	vld.idx.msk [tilespmem:v5+s1+$0x0], $0xffff;
	_ =	sdelay $0x4  }
0x73: {  	v55 =	vadd.s32 $0x100, v4;
	vm7 =	vlt.f32 v5, v3  }
0x74: {  	v4 =	vsel vm7, v55, v4  }
0x75: {  	v5 =	vadd.s32 $0x7F, v4;
	_ =	sdelay $0x4  }
0x76: {  	v5 =	vld.idx.msk [tilespmem:v5+s1+$0x0], $0xffff;
	_ =	sdelay $0x4  }
0x77: {  	v56 =	vadd.s32 $0x80, v4;
	vm8 =	vlt.f32 v5, v3  }
0x78: {  	v4 =	vsel vm8, v56, v4  }
0x79: {  	v5 =	vadd.s32 $0x3F, v4;
	_ =	sdelay $0x4  }
0x7a: {  	v5 =	vld.idx.msk [tilespmem:v5+s1+$0x0], $0xffff;
	_ =	sdelay $0x4  }
0x7b: {  	v57 =	vadd.s32 $0x40, v4;
	vm9 =	vlt.f32 v5, v3  }
0x7c: {  	v4 =	vsel vm9, v57, v4  }
0x7d: {  	v5 =	vadd.s32 $0x1F, v4;
	_ =	sdelay $0x4  }
0x7e: {  	v5 =	vld.idx.msk [tilespmem:v5+s1+$0x0], $0xffff;
	_ =	sdelay $0x4  }
0x7f: {  	v58 =	vadd.s32 $0x20, v4;
	vm10 =	vlt.f32 v5, v3  }
0x80: {  	v4 =	vsel vm10, v58, v4  }
0x81: {  	v5 =	vadd.s32 $0xF, v4;
	_ =	sdelay $0x4  }
0x82: {  	v5 =	vld.idx.msk [tilespmem:v5+s1+$0x0], $0xffff;
	_ =	sdelay $0x4  }
0x83: {  	v59 =	vadd.s32 $0x10, v4;
	vm11 =	vlt.f32 v5, v3  }
0x84: {  	v4 =	vsel vm11, v59, v4  }
0x85: {  	v5 =	vadd.s32 $0x7, v4;
	_ =	sdelay $0x4  }
0x86: {  	v5 =	vld.idx.msk [tilespmem:v5+s1+$0x0], $0xffff;
	_ =	sdelay $0x4  }
0x87: {  	v60 =	vadd.s32 $0x8, v4;
	vm12 =	vlt.f32 v5, v3  }
0x88: {  	v4 =	vsel vm12, v60, v4  }
0x89: {  	v5 =	vadd.s32 $0x3, v4;
	_ =	sdelay $0x4  }
0x8a: {  	v5 =	vld.idx.msk [tilespmem:v5+s1+$0x0], $0xffff;
	_ =	sdelay $0x4  }
0x8b: {  	v61 =	vadd.s32 $0x4, v4;
	vm13 =	vlt.f32 v5, v3  }
0x8c: {  	v4 =	vsel vm13, v61, v4  }
0x8d: {  	v5 =	vadd.s32 $0x1, v4;
	_ =	sdelay $0x4  }
0x8e: {  	v5 =	vld.idx.msk [tilespmem:v5+s1+$0x0], $0xffff;
	_ =	sdelay $0x4  }
0x8f: {  	v62 =	vadd.s32 $0x2, v4;
	vm14 =	vlt.f32 v5, v3  }
0x90: {  	v4 =	vsel vm14, v62, v4;
	_ =	sdelay $0x4  }
0x91: {  	v5 =	vld.idx.msk [tilespmem:v4+s1+$0x0], $0xffff;
	_ =	sdelay $0x4  }
0x92: {  	vm15 =	vlt.f32 v5, v3  }
0x93: {  	v3 =	vsel vm15, $0x1, v1  }
0x94: {  	v3 =	vadd.s32 v3, v4;
	_ =	sdelay $0x4  }
0x95: {  	v4 =	vld.idx.msk [tilespmem:v3+s0+$0x0], $0xffff;
	_ =	sdelay $0x7  }
0x96: {  	v63 =	vld.idx.msk [tilespmem:v4+s4+$0x0], $0xffff;
	_ =	sdelay $0x3  }
0x97: {  	v6 =	vld.idx.msk [tilespmem:v3+s2+$0x0], $0xffff  }
0x98: {  	v3 =	vld.idx.msk [tilespmem:v3+s3+$0x0], $0xffff;
	[tilespmem:s14+$0x0] =	vst v63  }
0x99: {  	v5 =	vld.idx.msk [tilespmem:v4+s5+$0x0], $0xffff;
	_ =	sdelay $0x3  }
0x9a: {  	s15 =	sand.u32 $0xF0, s12  }
0x9b: {  	[tilespmem:s15+$0x1B600] =	vst v5  }
0x9c: {  	v4 =	vld.idx.msk [tilespmem:v4+s6+$0x0], $0xffff;
	_ =	sdelay $0x4  }
0x9d: {  	[tilespmem:s15+$0x1B700] =	vst v4  }
0x9e: {  	v4 =	vld.idx.msk [tilespmem:v6+s4+$0x0], $0xffff;
	_ =	sdelay $0x4  }
0x9f: {  	[tilespmem:s15+$0x1B800] =	vst v4  }
0xa0: {  	v4 =	vld.idx.msk [tilespmem:v6+s5+$0x0], $0xffff;
	_ =	sdelay $0x4  }
0xa1: {  	[tilespmem:s15+$0x1B900] =	vst v4  }
0xa2: {  	v4 =	vld.idx.msk [tilespmem:v6+s6+$0x0], $0xffff;
	_ =	sdelay $0x4  }
0xa3: {  	[tilespmem:s15+$0x1BA00] =	vst v4  }
0xa4: {  	v4 =	vld.idx.msk [tilespmem:v3+s4+$0x0], $0xffff;
	_ =	sdelay $0x4  }
0xa5: {  	[tilespmem:s15+$0x1BB00] =	vst v4  }
0xa6: {  	v4 =	vld.idx.msk [tilespmem:v3+s5+$0x0], $0xffff;
	_ =	sdelay $0x4  }
0xa7: {  	[tilespmem:s15+$0x1BC00] =	vst v4  }
0xa8: {  	p1 =	sne.s32 s12, $0xF0;
	v3 =	vld.idx.msk [tilespmem:v3+s6+$0x0], $0xffff  }
.Ltmp3:
0xa9: {  	_ = 	snop;
	(pc) =	sbr.rel @p1 .LBB2_3-.Ltmp3, $2  }
0xaa: {  	_ =	sdelay $0x2  }
0xab: {  	s13 =	sadd.s32 $0x10, s13;
	s12 =	sadd.s32 $0x10, s12;
	s14 =	sadd.s32 $0x10, s14;
	[tilespmem:s15+$0x1BD00] =	vst v3  }
0xac: {  	s12 =	simm.s32 $0x1B500  }
0xad: {  	[hbm4b:s20+s1] =	stream.linear.scatter [tilespmem:s12], [sflag:$0x1], $0x100, $0x38;
	[tilespmem:$0x1D080] =	vst v63  }
0xae: {  	_ =	swait.ge [sflag:s31], $0x100  }
0xaf: {  	[sflag:s31] =	ssyncset.done $0x0  }
0xb0: {  	s13 =	simm.s32 $0x1B600;
	[sflag:s31] =	ssyncadd.s32 $0xFFFFFF00  }
0xb1: {  	[hbm4b:s21+s1] =	stream.linear.scatter [tilespmem:s13], [sflag:$0x1], $0x100, $0x38;
	[tilespmem:$0x1D080] =	vst v63  }
0xb2: {  	_ =	swait.ge [sflag:s31], $0x100  }
0xb3: {  	[sflag:s31] =	ssyncset.done $0x0  }
0xb4: {  	s14 =	simm.s32 $0x1B700;
	[sflag:s31] =	ssyncadd.s32 $0xFFFFFF00  }
0xb5: {  	[hbm4b:s22+s1] =	stream.linear.scatter [tilespmem:s14], [sflag:$0x1], $0x100, $0x38;
	[tilespmem:$0x1D080] =	vst v63  }
0xb6: {  	_ =	swait.ge [sflag:s31], $0x100  }
0xb7: {  	[sflag:s31] =	ssyncset.done $0x0  }
0xb8: {  	s15 =	simm.s32 $0x1B800;
	[sflag:s31] =	ssyncadd.s32 $0xFFFFFF00  }
0xb9: {  	[hbm4b:s23+s1] =	stream.linear.scatter [tilespmem:s15], [sflag:$0x1], $0x100, $0x38;
	[tilespmem:$0x1D080] =	vst v63  }
0xba: {  	_ =	swait.ge [sflag:s31], $0x100  }
0xbb: {  	[sflag:s31] =	ssyncset.done $0x0  }
0xbc: {  	s16 =	simm.s32 $0x1B900;
	[sflag:s31] =	ssyncadd.s32 $0xFFFFFF00  }
0xbd: {  	[hbm4b:s24+s1] =	stream.linear.scatter [tilespmem:s16], [sflag:$0x1], $0x100, $0x38;
	[tilespmem:$0x1D080] =	vst v63  }
0xbe: {  	_ =	swait.ge [sflag:s31], $0x100  }
0xbf: {  	[sflag:s31] =	ssyncset.done $0x0  }
0xc0: {  	s13 =	simm.s32 $0x1BA00;
	[sflag:s31] =	ssyncadd.s32 $0xFFFFFF00  }
0xc1: {  	[hbm4b:s25+s1] =	stream.linear.scatter [tilespmem:s13], [sflag:$0x1], $0x100, $0x38;
	[tilespmem:$0x1D080] =	vst v63  }
0xc2: {  	_ =	swait.ge [sflag:s31], $0x100  }
0xc3: {  	[sflag:s31] =	ssyncset.done $0x0  }
0xc4: {  	s14 =	simm.s32 $0x1BB00;
	[sflag:s31] =	ssyncadd.s32 $0xFFFFFF00  }
0xc5: {  	[hbm4b:s26+s1] =	stream.linear.scatter [tilespmem:s14], [sflag:$0x1], $0x100, $0x38;
	[tilespmem:$0x1D080] =	vst v63  }
0xc6: {  	_ =	swait.ge [sflag:s31], $0x100  }
0xc7: {  	[sflag:s31] =	ssyncset.done $0x0  }
0xc8: {  	s15 =	simm.s32 $0x1BC00;
	[sflag:s31] =	ssyncadd.s32 $0xFFFFFF00  }
0xc9: {  	[hbm4b:s28+s1] =	stream.linear.scatter [tilespmem:s15], [sflag:$0x1], $0x100, $0x38;
	[tilespmem:$0x1D080] =	vst v63  }
0xca: {  	_ =	swait.ge [sflag:s31], $0x100  }
0xcb: {  	[sflag:s31] =	ssyncset.done $0x0  }
.Ltmp4:
0xcc: {  	s16 =	simm.s32 $0x1BD00;
	[sflag:s31] =	ssyncadd.s32 $0xFFFFFF00;
	(pc) =	sbr.rel .LBB2_8-.Ltmp4, $4  }
0xcd: {  	[hbm4b:s29+s1] =	stream.linear.scatter [tilespmem:s16], [sflag:$0x1], $0x100, $0x38;
	[tilespmem:$0x1D080] =	vst v63  }
0xce: {  	_ =	swait.ge [sflag:s31], $0x100  }
0xcf: {  	[sflag:s31] =	ssyncset.done $0x0  }
0xd0: {  	[sflag:s31] =	ssyncadd.s32 $0xFFFFFF00  }
.LBB2_5:
0xd1: {  	s13 =	simm.s32 $0x0;
	s12 =	rddreg [dreg:$0xa]  }
0xd2: {  	[tilespmem:s7], [sflag:$0x1] =	stream.linear.gather [hbm4b:s12+s13], $0x1F80, $0x38;
	[tilespmem:$0x1D080] =	vst v63  }
0xd3: {  	_ =	swait.ge [sflag:s31], $0x1F80  }
0xd4: {  	[sflag:s31] =	ssyncset.done $0x0  }
0xd5: {  	s16 =	rddreg [dreg:$0xb];
	[sflag:s31] =	ssyncadd.s32 $0xFFFFE080  }
0xd6: {  	[tilespmem:s8], [sflag:$0x1] =	stream.linear.gather [hbm4b:s16+s13], $0x1000, $0x38;
	[tilespmem:$0x1D080] =	vst v63  }
0xd7: {  	_ =	swait.ge [sflag:s31], $0x1000  }
0xd8: {  	[sflag:s31] =	ssyncset.done $0x0  }
0xd9: {  	s14 =	rddreg [dreg:$0xc];
	[sflag:s31] =	ssyncadd.s32 $0xFFFFF000  }
0xda: {  	[tilespmem:s9], [sflag:$0x1] =	stream.linear.gather [hbm4b:s14+s13], $0x1000, $0x38;
	[tilespmem:$0x1D080] =	vst v63  }
0xdb: {  	_ =	swait.ge [sflag:s31], $0x1000  }
0xdc: {  	[sflag:s31] =	ssyncset.done $0x0  }
0xdd: {  	s15 =	rddreg [dreg:$0xd];
	[sflag:s31] =	ssyncadd.s32 $0xFFFFF000  }
0xde: {  	[tilespmem:s10], [sflag:$0x1] =	stream.linear.gather [hbm4b:s15+s13], $0x1000, $0x38;
	[tilespmem:$0x1D080] =	vst v63  }
0xdf: {  	_ =	swait.ge [sflag:s31], $0x1000  }
0xe0: {  	[sflag:s31] =	ssyncset.done $0x0  }
0xe1: {  	s16 =	simm.s32 $0x1AF00;
	s14 =	rddreg [dreg:$0xe];
	[sflag:s31] =	ssyncadd.s32 $0xFFFFF000  }
0xe2: {  	[tilespmem:s16], [sflag:$0x1] =	stream.linear.gather [hbm4b:s14+s13], $0x600, $0x38;
	[tilespmem:$0x1D080] =	vst v63  }
0xe3: {  	_ =	swait.ge [sflag:s31], $0x600  }
0xe4: {  	[sflag:s31] =	ssyncset.done $0x0  }
0xe5: {  	[sflag:s31] =	ssyncadd.s32 $0xFFFFFA00  }
0xe6: {  	v2 =	vld [tilespmem:s16+$0x0];
	_ =	sdelay $0x7  }
0xe7: {  	v2 =	vld.idx.msk [tilespmem:v2+s7+$0x0], $0xffff;
	_ =	sdelay $0x7  }
0xe8: {  	v3 =	vld.idx.msk [tilespmem:v2+s8+$0x0], $0xffff;
	_ =	sdelay $0x3  }
0xe9: {  	s12 =	simm.s32 $0x1BE00  }
0xea: {  	[tilespmem:s12+$0x0] =	vst v3  }
0xeb: {  	v3 =	vld.idx.msk [tilespmem:v2+s9+$0x0], $0xffff;
	_ =	sdelay $0x3  }
0xec: {  	s13 =	sand.u32 $0x7F0, s13  }
0xed: {  	[tilespmem:s13+$0x1C400] =	vst v3  }
0xee: {  	v2 =	vld.idx.msk [tilespmem:v2+s10+$0x0], $0xffff;
	_ =	sdelay $0x4  }
0xef: {  	s14 =	simm.s32 $0x1AF10;
	[tilespmem:s13+$0x1CA00] =	vst v2  }
0xf0: {  	s15 =	simm.s32 $0x20;
	s13 =	simm.s32 $0x10;
	v2 =	vld [tilespmem:s14+$0x0]  }
.LBB2_6:
0xf1: {  	p1 =	sne.s32 s15, $0x5F0;
	_ =	sdelay $0x6  }
0xf2: {  	v2 =	vld.idx.msk [tilespmem:v2+s7+$0x0], $0xffff;
	_ =	sdelay $0x7  }
0xf3: {  	v3 =	vld.idx.msk [tilespmem:v2+s8+$0x0], $0xffff;
	_ =	sdelay $0x4  }
0xf4: {  	s12 =	sadd.s32 $0x10, s12  }
0xf5: {  	[tilespmem:s12+$0x0] =	vst v3  }
0xf6: {  	v3 =	vld.idx.msk [tilespmem:v2+s9+$0x0], $0xffff;
	_ =	sdelay $0x4  }
0xf7: {  	s16 =	sand.u32 $0x7F0, s13;
	s13 =	smov.u32 s15  }
0xf8: {  	[tilespmem:s16+$0x1C400] =	vst v3  }
0xf9: {  	v2 =	vld.idx.msk [tilespmem:v2+s10+$0x0], $0xffff;
	_ =	sdelay $0x2  }
.Ltmp5:
0xfa: {  	(pc) =	sbr.rel @p1 .LBB2_6-.Ltmp5, $3  }
0xfb: {  	_ =	sdelay $0x1  }
0xfc: {  	s14 =	sadd.s32 $0x10, s14;
	[tilespmem:s16+$0x1CA00] =	vst v2  }
0xfd: {  	s15 =	sadd.s32 $0x10, s15;
	v2 =	vld [tilespmem:s14+$0x0]  }
.Ltmp6:
0xfe: {  	_ = 	snop;
	(pc) =	sbr.rel .LBB2_7-.Ltmp6, $1  }
0xff: {  	_ =	sdelay $0x3  }
.LBB2_9:
0x100: {  	_ =	sfence.sel $0x180000  }
0x101: {  	[bflag:$0x0] =	sbarrier.arrive $0xFFFF  }
0x102: {  	_ =	strace $0x9000004A  }
0x103: {  	s0 =	stileid.u32;
	[bflag:$0x2] =	sbarrier.arrive $0xFFFF  }
0x104: {  	p0 =	sne.s32 s0, $0x0;
	s0 =	rddreg [dreg:$0x1]  }
0x105: {  	s0 =	sadd.s32 @!p0 $0x100000, s0  }
0x106: {  	[sflag:s0] =	ssyncadd.tile.s32 @!p0 $0x1;
	_ =	shalt  }
.Lfunc_end2:
_tile_overlayer_lowered:
.L_overlay_start_2:
0x107: {  	(tag) =	ssettag $0x2  }
0x108: {  	s0 =	rddreg [dreg:$0x0];
	s2 =	stileid.u32  }
0x109: {  	s1 =	rddreg [dreg:$0x1];
	p0 =	sne.s32 s2, $0x0  }
0x10a: {  	s3 =	rddreg [dreg:$0x2];
	[bflag:$0x3] =	sbarrier.arrive $0xFFFF;
	s2 =	simm.s32 @!p0 $0x1C01  }
0x10b: {  	[timem:s3], [sflag:s2] =	dma.local @!p0 [hbm:s0], s1  }
0x10c: {  	s0 =	simm.s32 @!p0 $0x1  }
0x10d: {  	_ =	swait.ge @!p0 [sflag:s0], s1  }
0x10e: {  	s1 =	ssub.s32 @!p0 $0x0, s1;
	[sflag:s0] =	ssyncset.done @!p0 $0x0  }
0x10f: {  	[sflag:s0] =	ssyncadd.s32 @!p0 s1  }
0x110: {  	[bflag:$0x3] =	sbarrier.arrive $0xFFFF  }
0x111: {  	_ =	shalt  }

// kernel: kernel.9.cloned.1.call-start
scs
__scs_entry_jumppad:
0x0: {  	(pc) =	sbr.rel $0x88, $3  }
0x1: {  	(tag) =	ssettag $0x0;
	lr =	simm.s32 $0x1  }
0x2: {  	[smem:$0x3F9C] =	sst lr;
	_ =	strace $0xD0000000  }
0x3: {  	_ = 	snop  }
0x4: {  	_ = 	snop  }
0x5: {  	_ = 	snop  }
0x6: {  	_ = 	snop  }
0x7: {  	_ = 	snop  }
__scs_overlays_trampoline_lowered:
0x8: {  	[smem:$0x3FAB] =	sst s0  }
0x9: {  	[smem:$0x3FAC] =	sst s1  }
0xa: {  	[smem:$0x3FAD] =	sst s2  }
0xb: {  	[smem:$0x3FAE] =	sst s3  }
0xc: {  	[smem:$0x3FAF] =	sst s4  }
0xd: {  	[smem:$0x3FB0] =	sst s5  }
0xe: {  	[smem:$0x3FB1] =	sst s6  }
0xf: {  	[smem:$0x3FB2] =	sst s7  }
0x10: {  	[smem:$0x3FB3] =	sst s8  }
0x11: {  	[smem:$0x3FB4] =	sst s9;
	s0 =	simm.s32 @!p0 $0x0  }
0x12: {  	s1 =	sld [smem:$0x3F9A];
	s0 =	simm.s32 @p0 $0x1  }
0x13: {  	[smem:$0x3FB5] =	sst s0;
	s0 =	simm.s32 @!p1 $0x0  }
0x14: {  	s2 =	sld [smem:$0x3F99];
	s0 =	simm.s32 @p1 $0x1  }
0x15: {  	[smem:$0x3FB6] =	sst s0;
	s0 =	simm.s32 @!p2 $0x0  }
0x16: {  	s3 =	sld [smem:$0x3FDB];
	s0 =	simm.s32 @p2 $0x1  }
0x17: {  	s4 =	simm.s32 $0x1BF5;
	[smem:$0x3FB8] =	sst s0  }
0x18: {  	s0 =	sld [smem:$0x3F9B];
	_ =	swait.ge [sflag:s4], $0x0  }
0x19: {  	s7 =	sld [smem:$0x3F9C]  }
0x1a: {  	s8 =	sadd.s32 $0xFFFFE003, lr  }
0x1b: {  	s9 =	sadd.s32 $0xFFFFFEF7, lr;
	s5 =	simm.s32 $0xFFFFFFFF;
	p2 =	slt.u32 s8, $0xFFFFF086  }
0x1c: {  	p1 =	slt.u32 s9, $0xF7A;
	s5 =	simm.s32 @!p2 $0x0  }
0x1d: {  	s5 =	simm.s32 @p1 $0x1;
	p0 =	seq.s32 s7, s2  }
0x1e: {  	s7 =	smul.u32 @!p0 $0xF7A, s2;
	p2 =	seq.s32 @!p0 s5, $0x0  }
0x1f: {  	s9 =	smul.u32 $0xF7A, s1;
	s8 =	simm.s32 @!p0 $0x1BF5;
	p2 =	por !p2, p0  }
0x20: {  	[sflag:s8] =	ssyncset.s32 @!p0 $0xFFFFF086;
	s6 =	sadd.s32 @!p0 s3, s7;
	s7 =	simm.s32 @!p0 $0x108  }
0x21: {  	s3 =	sadd.s32 s3, s9;
	s6 =	sadd.s32 @!p0 $0x88, s6;
	s7 =	simm.s32 @p2 $0x1082  }
0x22: {  	[simem:s7], [sflag:s8] =	dma.local @!p0 [hbm:s6], $0xF7A  }
0x23: {  	s9 =	sor.u32 $0xD0000000, s2;
	s6 =	simm.s32 $0x108;
	_ =	swait.ge @!p0 [sflag:s8], $0x0  }
0x24: {  	s3 =	sadd.s32 $0x88, s3;
	s6 =	simm.s32 @!p1 $0x1082;
	[sflag:s4] =	ssyncset.s32 $0xFFFFF086  }
0x25: {  	[simem:s6], [sflag:s4] =	dma.local [hbm:s3], $0xF7A  }
0x26: {  	[smem:$0x3F9C] =	sst s1;
	(tag) =	ssettag s2;
	_ =	strace s9  }
0x27: {  	s1 =	sld [smem:$0x3FAC]  }
0x28: {  	s2 =	sld [smem:$0x3FAD]  }
0x29: {  	s4 =	sld [smem:$0x3FAF]  }
0x2a: {  	p0 =	seq.s32 s5, $0x0;
	s5 =	sld [smem:$0x3FB0]  }
0x2b: {  	s6 =	sld [smem:$0x3FB1]  }
0x2c: {  	s7 =	sld [smem:$0x3FB2]  }
0x2d: {  	s3 =	simm.s32 $0x108;
	s8 =	sld [smem:$0x3FB3]  }
0x2e: {  	s3 =	simm.s32 @!p0 $0x1082;
	s9 =	sld [smem:$0x3FB4]  }
0x2f: {  	lr =	sadd.s32 s0, s3;
	s0 =	sld [smem:$0x3FAB]  }
0x30: {  	s3 =	sld [smem:$0x3FAE]  }
0x31: {  	[smem:$0x3FB7] =	sst s10  }
0x32: {  	s10 =	sld [smem:$0x3FB5];
	_ =	sdelay $0x3  }
0x33: {  	p0 =	seq.s32 s10, $0x1;
	s10 =	sld [smem:$0x3FB7];
	_ =	sdelay $0x3  }
0x34: {  	[smem:$0x3FB7] =	sst s10  }
0x35: {  	s10 =	sld [smem:$0x3FB6];
	_ =	sdelay $0x3  }
0x36: {  	p1 =	seq.s32 s10, $0x1;
	s10 =	sld [smem:$0x3FB7];
	_ =	sdelay $0x3  }
0x37: {  	[smem:$0x3FB7] =	sst s10  }
0x38: {  	s10 =	sld [smem:$0x3FB8]  }
0x39: {  	_ = 	snop;
	(pc) =	sbr.ind lr, $3  }
0x3a: {  	_ = 	snop  }
0x3b: {  	_ = 	snop  }
0x3c: {  	p2 =	seq.s32 s10, $0x1;
	s10 =	sld [smem:$0x3FB7]  }
0x3d: {  	_ =	shalt  }
0x3e: {  	_ =	shalt  }
0x3f: {  	_ =	shalt  }
0x40: {  	_ =	shalt  }
0x41: {  	_ =	shalt  }
0x42: {  	_ =	shalt  }
0x43: {  	_ =	shalt  }
0x44: {  	_ =	shalt  }
0x45: {  	_ =	shalt  }
0x46: {  	_ =	shalt  }
0x47: {  	_ =	shalt  }
0x48: {  	_ =	shalt  }
0x49: {  	_ =	shalt  }
0x4a: {  	_ =	shalt  }
0x4b: {  	_ =	shalt  }
0x4c: {  	_ =	shalt  }
0x4d: {  	_ =	shalt  }
0x4e: {  	_ =	shalt  }
0x4f: {  	_ =	shalt  }
0x50: {  	_ =	shalt  }
0x51: {  	_ =	shalt  }
0x52: {  	_ =	shalt  }
0x53: {  	_ =	shalt  }
0x54: {  	_ =	shalt  }
0x55: {  	_ =	shalt  }
0x56: {  	_ =	shalt  }
0x57: {  	_ =	shalt  }
0x58: {  	_ =	shalt  }
0x59: {  	_ =	shalt  }
0x5a: {  	_ =	shalt  }
0x5b: {  	_ =	shalt  }
0x5c: {  	_ =	shalt  }
0x5d: {  	_ =	shalt  }
0x5e: {  	_ =	shalt  }
0x5f: {  	_ =	shalt  }
0x60: {  	_ =	shalt  }
0x61: {  	_ =	shalt  }
0x62: {  	_ =	shalt  }
0x63: {  	_ =	shalt  }
0x64: {  	_ =	shalt  }
0x65: {  	_ =	shalt  }
0x66: {  	_ =	shalt  }
0x67: {  	_ =	shalt  }
0x68: {  	_ =	shalt  }
0x69: {  	_ =	shalt  }
0x6a: {  	_ =	shalt  }
0x6b: {  	_ =	shalt  }
0x6c: {  	_ =	shalt  }
0x6d: {  	_ =	shalt  }
0x6e: {  	_ =	shalt  }
0x6f: {  	_ =	shalt  }
0x70: {  	_ =	shalt  }
0x71: {  	_ =	shalt  }
0x72: {  	_ =	shalt  }
0x73: {  	_ =	shalt  }
0x74: {  	_ =	shalt  }
0x75: {  	_ =	shalt  }
0x76: {  	_ =	shalt  }
0x77: {  	_ =	shalt  }
0x78: {  	_ =	shalt  }
0x79: {  	_ =	shalt  }
0x7a: {  	_ =	shalt  }
0x7b: {  	_ =	shalt  }
0x7c: {  	_ =	shalt  }
0x7d: {  	_ =	shalt  }
0x7e: {  	_ =	shalt  }
0x7f: {  	_ =	shalt  }
0x80: {  	_ =	shalt  }
0x81: {  	_ =	shalt  }
0x82: {  	_ =	shalt  }
0x83: {  	_ =	shalt  }
0x84: {  	_ =	shalt  }
0x85: {  	_ =	shalt  }
0x86: {  	_ =	shalt  }
0x87: {  	_ =	shalt  }
.Lfunc_end0:
.L_simem_size_0:
called_computation_lowered:
.L_overlay_start_0:
0x88: {  	s2 =	sld [smem:$0x3FD9]  }
0x89: {  	s3 =	sld [smem:$0x3FFE];
	_ =	sdelay $0x1  }
0x8a: {  	s1 =	srdreg.scid  }
0x8b: {  	s0 =	sand.u32 $0x1, s1  }
0x8c: {  	s16 =	sshll.u32 s0, $0xA;
	s2 =	sadd.s32 s3, s2  }
0x8d: {  	s2 =	sadd.s32 s2, s16  }
0x8e: {  	[smem:$0x3FC3] =	sst s2  }
0x8f: {  	_ = 	snop  }
0x90: {  	(tm) =	ssettm $0x1  }
0x91: {  	s17 =	sld [smem:$0x3FFB];
	_ =	sdelay $0x3  }
0x92: {  	_ =	strace s17  }
0x93: {  	s2 =	sld [smem:$0x3FFC];
	_ =	sdelay $0x3  }
0x94: {  	_ =	strace s2  }
0x95: {  	s2 =	sld [smem:$0x3FFD];
	_ =	sdelay $0x3  }
0x96: {  	_ =	strace s2  }
0x97: {  	_ =	strace $0x8FFFFFFF  }
0x98: {  	s18 =	sld [smem:$0x3FDB];
	_ =	sdelay $0x1  }
0x99: {  	s19 =	simm.s32 $_scs_section_size  }
0x9a: {  	s4 =	simm.s32 $_size__tile_overlayer_lowered;
	s5 =	simm.s32 $_tile_overlayer_lowered  }
0x9b: {  	s22 =	simm.s32 $0x1BFF;
	s21 =	sshll.u32 s5, $0x1;
	s2 =	sadd.s32 s19, s18  }
0x9c: {  	s6 =	simm.s32 $0x0;
	s20 =	sshll.u32 s4, $0x1;
	s4 =	sadd.s32 s21, s2  }
0x9d: {  	[timem:s6], [sflag:s22] =	dma.local [hbm:s4], s20  }
0x9e: {  	_ =	swait.ge [sflag:s22], s20  }
0x9f: {  	s3 =	ssub.s32 $0x0, s20;
	[sflag:s22] =	ssyncset.done $0x0  }
0xa0: {  	[sflag:s22] =	ssyncadd.s32 s3;
	_ =	sdelay $0x1  }
0xa1: {  	s23 =	simm.s32 $0x1B8B  }
0xa2: {  	_ =	swait.ge [sflag:s23], $0x1  }
0xa3: {  	[sflag:s23] =	ssyncset.done $0x0  }
0xa4: {  	s25 =	simm.s32 $0x1B8E;
	s24 =	sld [smem:$0x3FFE];
	[sflag:s23] =	ssyncadd.s32 $0xFFFFFFFF  }
0xa5: {  	s26 =	simm.s32 $execute0_lowered;
	[smem:$0x3FD2] =	sst s25  }
0xa6: {  	s4 =	sshll.u32 s26, $0x1;
	_ =	strace $0x80000046;
	[dreg:$0x1] =	wrdreg $0xFFFFFFFF  }
0xa7: {  	s28 =	simm.s32 $_size_execute0_lowered;
	s2 =	sadd.s32 s2, s4;
	[dreg:$0x0] =	wrdreg $0x0  }
0xa8: {  	s4 =	sshll.u32 s28, $0x1;
	[dreg:$0x2] =	wrdreg s2  }
0xa9: {  	[dreg:$0x3] =	wrdreg s4  }
0xaa: {  	[dreg:$0x4] =	wrdreg $0xC0  }
0xab: {  	_ =	task [dreg:s6], $0x5FFFF  }
0xac: {  	[dreg:$0x1] =	wrdreg $0xFFFFFFFF  }
0xad: {  	[dreg:$0x0] =	wrdreg $0x60  }
0xae: {  	[dreg:$0x2] =	wrdreg s24  }
0xaf: {  	[dreg:$0x3] =	wrdreg $0x9  }
0xb0: {  	_ =	task.clear_ibuf [dreg:s6], $0x4FFFF;
	_ =	strace $0x90000046  }
0xb1: {  	s29 =	simm.s32 $0x9;
	_ =	strace $0x80000048  }
0xb2: {  	_ =	swait.ge [sflag:s29], $0x1  }
0xb3: {  	[sflag:s29] =	ssyncadd.s32 $0xFFFFFFFF  }
0xb4: {  	_ =	strace $0x90000048  }
0xb5: {  	_ =	sfence  }
0xb6: {  	s30 =	sld [smem:$0x0];
	_ =	sdelay $0x2  }
0xb7: {  	s31 =	sshll.u32 s1, $0xD;
	s1 =	sshrl.u32 s1, $0x2  }
0xb8: {  	s3 =	sand.u32 $0x4000, s31;
	s1 =	sadd.s32 s1, s30  }
0xb9: {  	s0 =	sor.u32 s3, s0;
	s1 =	sshll.u32 s1, $0x11  }
0xba: {  	s0 =	sor.u32 s1, s0  }
0xbb: {  	s0 =	sadd.s32 $0x8F2B, s0  }
0xbc: {  	[sflag:s0] =	ssyncadd.remote.s32 $0x1  }
0xbd: {  	_ =	sfence.sel $0xFFFF  }
0xbe: {  	[dreg:$0x0] =	wrdreg $0xFFFFFFFF;
	(pc) =	sbr.abs _section_cstart, $3  }
0xbf: {  	[dreg:$0x1] =	wrdreg $0xFFFFFFFF  }
0xc0: {  	_ =	task.clear_ibuf [dreg:s6], $0x2FFFF;
	_ =	strace $0x9FFFFFFF  }
0xc1: {  	(tm) =	ssettm $0x7FFFFFFF  }
tec
execute0_lowered:
.L_overlay_start_1:
0x0: {  	(tag) =	ssettag $0x1  }
0x1: {  	s0 =	rddreg [dreg:$0x0]  }
0x2: {  	s2 =	simm.s32 $0x0;
	s1 =	srdreg.scid;
	s3 =	stileid.u32  }
0x3: {  	s28 =	simm.s32 $0x1;
	s29 =	simm.s32 $0x1F80;
	s30 =	simm.s32 $0x3F00  }
0x4: {  	[smem:$0x7FF] =	sst s2;
	s1 =	sand.u32 $0x1, s1;
	s3 =	sshll.u32 s3, $0x1  }
0x5: {  	s4 =	sadd.s32 $0x6600, s0;
	s23 =	sadd.s32 $0x6200, s0;
	s5 =	sadd.s32 $0x5E00, s0  }
0x6: {  	_ =	strace $0x80000047;
	[dreg:$0x2] =	wrdreg s4;
	s3 =	sor.u32 s1, s3  }
0x7: {  	[dreg:$0x3] =	wrdreg s23;
	s1 =	ssub.s32 $0x2, s1;
	s24 =	smul.u32 $0x60, s3  }
0x8: {  	[dreg:$0x4] =	wrdreg s5;
	s3 =	sshll.u32 s3, $0x6;
	s25 =	sshrl.u32 s1, $0x1  }
0x9: {  	s3 =	sadd.s32 s3, s0;
	s1 =	ssub.s32 s1, s25;
	s0 =	sadd.s32 s24, s0  }
0xa: {  	s26 =	sadd.s32 $0x3E00, s3;
	s31 =	sadd.s32 $0x3600, s3;
	s8 =	sadd.s32 $0x2E00, s3  }
0xb: {  	s11 =	sadd.s32 $0x6A00, s3;
	s12 =	sadd.s32 $0x7200, s3;
	s13 =	sadd.s32 $0x7A00, s3  }
0xc: {  	s14 =	sadd.s32 $0x8200, s3;
	s15 =	sadd.s32 $0x8A00, s3;
	s16 =	sadd.s32 $0x9200, s3  }
0xd: {  	s17 =	sadd.s32 $0x9A00, s3;
	s18 =	sadd.s32 $0xA200, s3;
	[dreg:$0x5] =	wrdreg s26  }
0xe: {  	s19 =	sadd.s32 $0xAA00, s3;
	[dreg:$0x6] =	wrdreg s31;
	s9 =	sadd.s32 $0x5200, s0  }
0xf: {  	s10 =	sadd.s32 $0x4600, s0;
	s20 =	sadd.s32 $0xB200, s0;
	s21 =	sadd.s32 $0xBE00, s0  }
0x10: {  	s22 =	sadd.s32 $0xCA00, s0;
	s23 =	sadd.s32 $0xD600, s0;
	s24 =	sadd.s32 $0xE200, s0  }
0x11: {  	s25 =	sadd.s32 $0xEE00, s0;
	s26 =	smax.u32 s1, $0x1;
	s1 =	simm.s32 $0x0  }
.LBB2_1:
0x12: {  	s0 =	rddreg [dreg:$0x2]  }
0x13: {  	[tilespmem:s2], [sflag:$0x1] =	stream.linear.gather [hbm4b:s0+s2], $0x1F80, $0x38;
	[tilespmem:$0x8E80] =	vst v63  }
0x14: {  	_ =	swait.ge [sflag:s28], $0x1F80  }
0x15: {  	[sflag:s28] =	ssyncset.done $0x0  }
0x16: {  	s7 =	rddreg [dreg:$0x3];
	[sflag:s28] =	ssyncadd.s32 $0xFFFFE080  }
0x17: {  	[tilespmem:s29], [sflag:$0x1] =	stream.linear.gather [hbm4b:s7+s2], $0x1F80, $0x38;
	[tilespmem:$0x8E80] =	vst v63  }
0x18: {  	_ =	swait.ge [sflag:s28], $0x1F80  }
0x19: {  	[sflag:s28] =	ssyncset.done $0x0  }
0x1a: {  	s3 =	rddreg [dreg:$0x4];
	[sflag:s28] =	ssyncadd.s32 $0xFFFFE080  }
0x1b: {  	[tilespmem:s30], [sflag:$0x1] =	stream.linear.gather [hbm4b:s3+s2], $0x1F80, $0x38;
	[tilespmem:$0x8E80] =	vst v63  }
0x1c: {  	_ =	swait.ge [sflag:s28], $0x1F80  }
0x1d: {  	[sflag:s28] =	ssyncset.done $0x0  }
0x1e: {  	s31 =	simm.s32 $0x5E80;
	s4 =	rddreg [dreg:$0x5];
	[sflag:s28] =	ssyncadd.s32 $0xFFFFE080  }
0x1f: {  	[tilespmem:s31], [sflag:$0x1] =	stream.linear.gather [hbm4b:s4+s2], $0x200, $0x38;
	[tilespmem:$0x8E80] =	vst v63  }
0x20: {  	_ =	swait.ge [sflag:s28], $0x200  }
0x21: {  	[sflag:s28] =	ssyncset.done $0x0  }
0x22: {  	s3 =	simm.s32 $0x6080;
	s5 =	rddreg [dreg:$0x6];
	[sflag:s28] =	ssyncadd.s32 $0xFFFFFE00  }
0x23: {  	[tilespmem:s3], [sflag:$0x1] =	stream.linear.gather [hbm4b:s5+s2], $0x200, $0x38;
	[tilespmem:$0x8E80] =	vst v63  }
0x24: {  	_ =	swait.ge [sflag:s28], $0x200  }
0x25: {  	[sflag:s28] =	ssyncset.done $0x0  }
0x26: {  	s4 =	simm.s32 $0x6280;
	[sflag:s28] =	ssyncadd.s32 $0xFFFFFE00  }
0x27: {  	[tilespmem:s4], [sflag:$0x1] =	stream.linear.gather [hbm4b:s8+s2], $0x200, $0x38;
	[tilespmem:$0x8E80] =	vst v63  }
0x28: {  	_ =	swait.ge [sflag:s28], $0x200  }
0x29: {  	[sflag:s28] =	ssyncset.done $0x0  }
0x2a: {  	s6 =	simm.s32 $0x6480;
	[sflag:s28] =	ssyncadd.s32 $0xFFFFFE00  }
0x2b: {  	[tilespmem:s6], [sflag:$0x1] =	stream.linear.gather [hbm4b:s9+s2], $0x300, $0x38;
	[tilespmem:$0x8E80] =	vst v63  }
0x2c: {  	_ =	swait.ge [sflag:s28], $0x300  }
0x2d: {  	[sflag:s28] =	ssyncset.done $0x0  }
0x2e: {  	s7 =	simm.s32 $0x6780;
	[sflag:s28] =	ssyncadd.s32 $0xFFFFFD00  }
0x2f: {  	[tilespmem:s7], [sflag:$0x1] =	stream.linear.gather [hbm4b:s10+s2], $0x300, $0x38;
	[tilespmem:$0x8E80] =	vst v63  }
0x30: {  	_ =	swait.ge [sflag:s28], $0x300  }
0x31: {  	[sflag:s28] =	ssyncset.done $0x0  }
0x32: {  	s5 =	simm.s32 $0x6A80;
	s6 =	simm.s32 $0x0;
	[sflag:s28] =	ssyncadd.s32 $0xFFFFFD00  }
.LBB2_2:
0x33: {  	v0 =	vld [tilespmem:s31+$0x0];
	_ =	sdelay $0x6  }
0x34: {  	s0 =	simm.s32 $0x0  }
0x35: {  	v1 =	vld.idx.msk [tilespmem:v0+s0+$0x0], $0xffff;
	_ =	sdelay $0x4  }
0x36: {  	[tilespmem:s5+$0x0] =	vst v1  }
0x37: {  	v1 =	vld.idx.msk [tilespmem:v0+s29+$0x0], $0xffff;
	_ =	sdelay $0x3  }
0x38: {  	s7 =	sand.u32 $0x1F0, s6  }
0x39: {  	[tilespmem:s7+$0x6C80] =	vst v1  }
0x3a: {  	v0 =	vld.idx.msk [tilespmem:v0+s30+$0x0], $0xffff;
	_ =	sdelay $0x4  }
0x3b: {  	[tilespmem:s7+$0x6E80] =	vst v0  }
0x3c: {  	v0 =	vld [tilespmem:s3+$0x0];
	_ =	sdelay $0x7  }
0x3d: {  	v1 =	vld.idx.msk [tilespmem:v0+s0+$0x0], $0xffff;
	_ =	sdelay $0x4  }
0x3e: {  	[tilespmem:s7+$0x7080] =	vst v1  }
0x3f: {  	v1 =	vld.idx.msk [tilespmem:v0+s29+$0x0], $0xffff;
	_ =	sdelay $0x4  }
0x40: {  	[tilespmem:s7+$0x7280] =	vst v1  }
0x41: {  	v0 =	vld.idx.msk [tilespmem:v0+s30+$0x0], $0xffff;
	_ =	sdelay $0x4  }
0x42: {  	[tilespmem:s7+$0x7480] =	vst v0  }
0x43: {  	v0 =	vld [tilespmem:s4+$0x0];
	_ =	sdelay $0x7  }
0x44: {  	v1 =	vld.idx.msk [tilespmem:v0+s0+$0x0], $0xffff;
	_ =	sdelay $0x4  }
0x45: {  	[tilespmem:s7+$0x7680] =	vst v1  }
0x46: {  	v1 =	vld.idx.msk [tilespmem:v0+s29+$0x0], $0xffff;
	_ =	sdelay $0x4  }
0x47: {  	[tilespmem:s7+$0x7880] =	vst v1  }
0x48: {  	p0 =	sne.s32 s6, $0x1F0;
	v0 =	vld.idx.msk [tilespmem:v0+s30+$0x0], $0xffff  }
.Ltmp0:
0x49: {  	_ = 	snop;
	(pc) =	sbr.rel @p0 .LBB2_2-.Ltmp0, $3  }
0x4a: {  	_ =	sdelay $0x1  }
0x4b: {  	s31 =	sadd.s32 $0x10, s31;
	s6 =	sadd.s32 $0x10, s6  }
0x4c: {  	s5 =	sadd.s32 $0x10, s5;
	s3 =	sadd.s32 $0x10, s3;
	s4 =	sadd.s32 $0x10, s4;
	[tilespmem:s7+$0x7A80] =	vst v0  }
0x4d: {  	s3 =	simm.s32 $0x6480;
	s4 =	simm.s32 $0x7C80;
	s5 =	simm.s32 $0x6780  }
.LBB2_4:
0x4e: {  	v0 =	vld [tilespmem:s3+$0x0];
	_ =	sdelay $0x7  }
0x4f: {  	v1 =	vld.idx.msk [tilespmem:v0+s2+$0x0], $0xffff;
	_ =	sdelay $0x4  }
0x50: {  	[tilespmem:s4+$0x0] =	vst v1  }
0x51: {  	v1 =	vld.idx.msk [tilespmem:v0+s29+$0x0], $0xffff;
	_ =	sdelay $0x3  }
0x52: {  	s6 =	sand.u32 $0x3F0, s0  }
0x53: {  	[tilespmem:s6+$0x7F80] =	vst v1  }
0x54: {  	v0 =	vld.idx.msk [tilespmem:v0+s30+$0x0], $0xffff;
	_ =	sdelay $0x4  }
0x55: {  	[tilespmem:s6+$0x8280] =	vst v0  }
0x56: {  	v0 =	vld [tilespmem:s5+$0x0];
	_ =	sdelay $0x7  }
0x57: {  	v1 =	vld.idx.msk [tilespmem:v0+s2+$0x0], $0xffff;
	_ =	sdelay $0x4  }
0x58: {  	[tilespmem:s6+$0x8580] =	vst v1  }
0x59: {  	v1 =	vld.idx.msk [tilespmem:v0+s29+$0x0], $0xffff;
	_ =	sdelay $0x4  }
0x5a: {  	[tilespmem:s6+$0x8880] =	vst v1  }
0x5b: {  	p0 =	sne.s32 s0, $0x2F0;
	v0 =	vld.idx.msk [tilespmem:v0+s30+$0x0], $0xffff  }
.Ltmp1:
0x5c: {  	_ = 	snop;
	(pc) =	sbr.rel @p0 .LBB2_4-.Ltmp1, $3  }
0x5d: {  	_ =	sdelay $0x1  }
0x5e: {  	s3 =	sadd.s32 $0x10, s3  }
0x5f: {  	s0 =	sadd.s32 $0x10, s0;
	s4 =	sadd.s32 $0x10, s4;
	s5 =	sadd.s32 $0x10, s5;
	[tilespmem:s6+$0x8B80] =	vst v0  }
0x60: {  	s0 =	simm.s32 $0x6A80  }
0x61: {  	[hbm4b:s11+s2] =	stream.linear.scatter [tilespmem:s0], [sflag:$0x1], $0x200, $0x38;
	[tilespmem:$0x8E80] =	vst v63  }
0x62: {  	_ =	swait.ge [sflag:s28], $0x200  }
0x63: {  	[sflag:s28] =	ssyncset.done $0x0  }
0x64: {  	s7 =	simm.s32 $0x6C80;
	[sflag:s28] =	ssyncadd.s32 $0xFFFFFE00  }
0x65: {  	[hbm4b:s12+s2] =	stream.linear.scatter [tilespmem:s7], [sflag:$0x1], $0x200, $0x38;
	[tilespmem:$0x8E80] =	vst v63  }
0x66: {  	_ =	swait.ge [sflag:s28], $0x200  }
0x67: {  	[sflag:s28] =	ssyncset.done $0x0  }
0x68: {  	s31 =	simm.s32 $0x6E80;
	[sflag:s28] =	ssyncadd.s32 $0xFFFFFE00  }
0x69: {  	[hbm4b:s13+s2] =	stream.linear.scatter [tilespmem:s31], [sflag:$0x1], $0x200, $0x38;
	[tilespmem:$0x8E80] =	vst v63  }
0x6a: {  	_ =	swait.ge [sflag:s28], $0x200  }
0x6b: {  	[sflag:s28] =	ssyncset.done $0x0  }
0x6c: {  	s3 =	simm.s32 $0x7080;
	[sflag:s28] =	ssyncadd.s32 $0xFFFFFE00  }
0x6d: {  	[hbm4b:s14+s2] =	stream.linear.scatter [tilespmem:s3], [sflag:$0x1], $0x200, $0x38;
	[tilespmem:$0x8E80] =	vst v63  }
0x6e: {  	_ =	swait.ge [sflag:s28], $0x200  }
0x6f: {  	[sflag:s28] =	ssyncset.done $0x0  }
0x70: {  	s4 =	simm.s32 $0x7280;
	[sflag:s28] =	ssyncadd.s32 $0xFFFFFE00  }
0x71: {  	[hbm4b:s15+s2] =	stream.linear.scatter [tilespmem:s4], [sflag:$0x1], $0x200, $0x38;
	[tilespmem:$0x8E80] =	vst v63  }
0x72: {  	_ =	swait.ge [sflag:s28], $0x200  }
0x73: {  	[sflag:s28] =	ssyncset.done $0x0  }
0x74: {  	s5 =	simm.s32 $0x7480;
	[sflag:s28] =	ssyncadd.s32 $0xFFFFFE00  }
0x75: {  	[hbm4b:s16+s2] =	stream.linear.scatter [tilespmem:s5], [sflag:$0x1], $0x200, $0x38;
	[tilespmem:$0x8E80] =	vst v63  }
0x76: {  	_ =	swait.ge [sflag:s28], $0x200  }
0x77: {  	[sflag:s28] =	ssyncset.done $0x0  }
0x78: {  	s6 =	simm.s32 $0x7680;
	[sflag:s28] =	ssyncadd.s32 $0xFFFFFE00  }
0x79: {  	[hbm4b:s17+s2] =	stream.linear.scatter [tilespmem:s6], [sflag:$0x1], $0x200, $0x38;
	[tilespmem:$0x8E80] =	vst v63  }
0x7a: {  	_ =	swait.ge [sflag:s28], $0x200  }
0x7b: {  	[sflag:s28] =	ssyncset.done $0x0  }
0x7c: {  	s7 =	simm.s32 $0x7880;
	[sflag:s28] =	ssyncadd.s32 $0xFFFFFE00  }
0x7d: {  	[hbm4b:s18+s2] =	stream.linear.scatter [tilespmem:s7], [sflag:$0x1], $0x200, $0x38;
	[tilespmem:$0x8E80] =	vst v63  }
0x7e: {  	_ =	swait.ge [sflag:s28], $0x200  }
0x7f: {  	[sflag:s28] =	ssyncset.done $0x0  }
0x80: {  	s31 =	simm.s32 $0x7A80;
	[sflag:s28] =	ssyncadd.s32 $0xFFFFFE00  }
0x81: {  	[hbm4b:s19+s2] =	stream.linear.scatter [tilespmem:s31], [sflag:$0x1], $0x200, $0x38;
	[tilespmem:$0x8E80] =	vst v63  }
0x82: {  	_ =	swait.ge [sflag:s28], $0x200  }
0x83: {  	[sflag:s28] =	ssyncset.done $0x0  }
0x84: {  	s3 =	simm.s32 $0x7C80;
	[sflag:s28] =	ssyncadd.s32 $0xFFFFFE00  }
0x85: {  	[hbm4b:s20+s2] =	stream.linear.scatter [tilespmem:s3], [sflag:$0x1], $0x300, $0x38;
	[tilespmem:$0x8E80] =	vst v63  }
0x86: {  	_ =	swait.ge [sflag:s28], $0x300  }
0x87: {  	[sflag:s28] =	ssyncset.done $0x0  }
0x88: {  	s4 =	simm.s32 $0x7F80;
	[sflag:s28] =	ssyncadd.s32 $0xFFFFFD00  }
0x89: {  	[hbm4b:s21+s2] =	stream.linear.scatter [tilespmem:s4], [sflag:$0x1], $0x300, $0x38;
	[tilespmem:$0x8E80] =	vst v63  }
0x8a: {  	_ =	swait.ge [sflag:s28], $0x300  }
0x8b: {  	[sflag:s28] =	ssyncset.done $0x0  }
0x8c: {  	s5 =	simm.s32 $0x8280;
	[sflag:s28] =	ssyncadd.s32 $0xFFFFFD00  }
0x8d: {  	[hbm4b:s22+s2] =	stream.linear.scatter [tilespmem:s5], [sflag:$0x1], $0x300, $0x38;
	[tilespmem:$0x8E80] =	vst v63  }
0x8e: {  	_ =	swait.ge [sflag:s28], $0x300  }
0x8f: {  	[sflag:s28] =	ssyncset.done $0x0  }
0x90: {  	s6 =	simm.s32 $0x8580;
	[sflag:s28] =	ssyncadd.s32 $0xFFFFFD00  }
0x91: {  	[hbm4b:s23+s2] =	stream.linear.scatter [tilespmem:s6], [sflag:$0x1], $0x300, $0x38;
	[tilespmem:$0x8E80] =	vst v63  }
0x92: {  	_ =	swait.ge [sflag:s28], $0x300  }
0x93: {  	[sflag:s28] =	ssyncset.done $0x0  }
0x94: {  	s7 =	simm.s32 $0x8880;
	[sflag:s28] =	ssyncadd.s32 $0xFFFFFD00  }
0x95: {  	[hbm4b:s24+s2] =	stream.linear.scatter [tilespmem:s7], [sflag:$0x1], $0x300, $0x38;
	[tilespmem:$0x8E80] =	vst v63  }
0x96: {  	s1 =	sadd.s32 $0x1, s1;
	_ =	swait.ge [sflag:s28], $0x300  }
0x97: {  	p0 =	sne.s32 s1, s26;
	[sflag:s28] =	ssyncset.done $0x0  }
.Ltmp2:
0x98: {  	s31 =	simm.s32 $0x8B80;
	[sflag:s28] =	ssyncadd.s32 $0xFFFFFD00;
	(pc) =	sbr.rel @p0 .LBB2_1-.Ltmp2, $4  }
0x99: {  	[hbm4b:s25+s2] =	stream.linear.scatter [tilespmem:s31], [sflag:$0x1], $0x300, $0x38;
	[tilespmem:$0x8E80] =	vst v63  }
0x9a: {  	_ =	swait.ge [sflag:s28], $0x300  }
0x9b: {  	[sflag:s28] =	ssyncset.done $0x0  }
0x9c: {  	[sflag:s28] =	ssyncadd.s32 $0xFFFFFD00  }
0x9d: {  	_ =	sfence.sel $0x180000  }
0x9e: {  	[bflag:$0x0] =	sbarrier.arrive $0xFFFF  }
0x9f: {  	_ =	strace $0x90000047  }
0xa0: {  	s0 =	stileid.u32;
	[bflag:$0x2] =	sbarrier.arrive $0xFFFF  }
0xa1: {  	p0 =	sne.s32 s0, $0x0;
	s0 =	rddreg [dreg:$0x1]  }
0xa2: {  	s0 =	sadd.s32 @!p0 $0x100000, s0  }
0xa3: {  	[sflag:s0] =	ssyncadd.tile.s32 @!p0 $0x1;
	_ =	shalt  }
.Lfunc_end2:
_tile_overlayer_lowered:
.L_overlay_start_2:
0xa4: {  	(tag) =	ssettag $0x2  }
0xa5: {  	s0 =	rddreg [dreg:$0x0];
	s2 =	stileid.u32  }
0xa6: {  	s1 =	rddreg [dreg:$0x1];
	p0 =	sne.s32 s2, $0x0  }
0xa7: {  	s3 =	rddreg [dreg:$0x2];
	[bflag:$0x3] =	sbarrier.arrive $0xFFFF;
	s2 =	simm.s32 @!p0 $0x1C01  }
0xa8: {  	[timem:s3], [sflag:s2] =	dma.local @!p0 [hbm:s0], s1  }
0xa9: {  	s0 =	simm.s32 @!p0 $0x1  }
0xaa: {  	_ =	swait.ge @!p0 [sflag:s0], s1  }
0xab: {  	s1 =	ssub.s32 @!p0 $0x0, s1;
	[sflag:s0] =	ssyncset.done @!p0 $0x0  }
0xac: {  	[sflag:s0] =	ssyncadd.s32 @!p0 s1  }
0xad: {  	[bflag:$0x3] =	sbarrier.arrive $0xFFFF  }
0xae: {  	_ =	shalt  }

</sc_bundles>
